<compile_context>
chip_gen: v7x
topology: tpu7x:2x2x1
jax: 0.10.2.dev20260603
libtpu: 0.0.44.dev20260713+nightly
codegen_flags: <defaults>
</compile_context>

<pallas_src>
import jax
import jax.numpy as jnp
from jax import lax
from jax.experimental import pallas as pl
from jax.experimental.pallas import tpu as pltpu
from jax.experimental.pallas import tpu_sc as plsc

NUM_STATES = 1000000
NUM_ACTIONS = 64
BATCH = 16384

NC = 2
NS = 16
NW = NC * NS
LANES = 16
BPW = BATCH // NW
NSLABS = (NUM_STATES + 127) // 128
SPT = (NSLABS + NW - 1) // NW
SB = 2
NBLK = (SPT + SB - 1) // SB
NRING = 4
NSTAGE = 8
LCAP = BATCH + LANES

_NEG = -1000000000.0


def _splat(iota16, zeros16, v, j):
    return zeros16 + jnp.sum(jnp.where(iota16 == j, v, 0))


def _elem(iota16, zeros16, ref, p):
    j = lax.rem(p, LANES)
    v = ref[pl.ds(pl.multiple_of(p - j, LANES), LANES)]
    return _splat(iota16, zeros16, v, j)


def _gather_body(obs_hbm, qT_hbm, scr_hbm,
                 obs_v, kl_v, sk_v, hist_v, off_v, off0_v,
                 slab_v, stage_v, gsem, ssem):
    wid = lax.axis_index("s") * NC + lax.axis_index("c")
    lo = wid * SPT
    hi = jnp.minimum(lo + SPT, NSLABS)
    iota16 = lax.iota(jnp.int32, LANES)
    lane0 = iota16 == 0
    zeros16 = iota16 * 0

    pltpu.sync_copy(obs_hbm, obs_v)

    def scan(k, n):
        s16 = obs_v[pl.ds(k * LANES, LANES)]
        c16 = lax.shift_right_logical(s16, 7)
        msk = jnp.logical_and(c16 >= lo, c16 < hi)
        key = (lax.shift_left(c16 - lo, 21)
               | lax.shift_left(lax.bitwise_and(s16, 127), 14)
               | (iota16 + k * LANES))
        plsc.store_compressed(kl_v.at[pl.ds(n, LANES)], key, mask=msk)
        pc = plsc.all_reduce_population_count(msk)
        return n + jnp.sum(jnp.where(lane0, pc, 0))

    n = lax.fori_loop(0, BATCH // LANES, scan, 0, unroll=2)

    for k in range(256 // LANES):
        hist_v[pl.ds(k * LANES, LANES)] = zeros16

    def hist_pass(p, carry):
        kp = _elem(iota16, zeros16, kl_v, p)
        bv = lax.shift_right_logical(kp, 21)
        cnt = plsc.load_gather(hist_v, [bv])
        plsc.store_scatter(hist_v, [bv], cnt + 1, mask=lane0)
        return carry

    lax.fori_loop(0, n, hist_pass, 0)

    run = 0
    for k in range(256 // LANES):
        v = hist_v[pl.ds(k * LANES, LANES)]
        ex = plsc.cumsum(v) - v + run
        off_v[pl.ds(k * LANES, LANES)] = ex
        off0_v[pl.ds(k * LANES, LANES)] = ex
        run = run + jnp.sum(v)

    def scatter_pass(p, carry):
        kp = _elem(iota16, zeros16, kl_v, p)
        bv = lax.shift_right_logical(kp, 21)
        pos16 = plsc.load_gather(off_v, [bv])
        plsc.store_scatter(sk_v, [pos16], kp, mask=lane0)
        plsc.store_scatter(off_v, [bv], pos16 + 1, mask=lane0)
        return carry

    lax.fori_loop(0, n, scatter_pass, 0)

    def blk_bounds(m):
        start = _elem(iota16, zeros16, off0_v, m * SB)
        end = _elem(iota16, zeros16, off0_v, m * SB + SB)
        return (jnp.sum(jnp.where(lane0, start, 0)),
                jnp.sum(jnp.where(lane0, end, 0)))

    def stslab(m):
        return jnp.minimum(lo + m * SB, NSLABS - SB)

    def fire(m):
        st = pl.multiple_of(stslab(m) * 128, 128)
        slot = lax.rem(m, NRING)
        return pltpu.async_copy(
            qT_hbm.at[:, pl.ds(st, SB * 128)], slab_v.at[slot],
            gsem.at[slot])

    def want(m):
        s0, e0 = blk_bounds(m)
        return jnp.logical_and(m < NBLK, e0 > s0)

    for m in range(NRING - 1):
        @pl.when(want(m))
        def _(m=m):
            fire(m)

    def blk_step(m, carry):
        @pl.when(want(m + NRING - 1))
        def _():
            fire(m + NRING - 1)

        start, end = blk_bounds(m)

        @pl.when(end > start)
        def _():
            slot = lax.rem(m, NRING)
            pltpu.make_async_copy(
                qT_hbm.at[:, pl.ds(0, SB * 128)], slab_v.at[slot],
                gsem.at[slot]).wait()
            shift = zeros16 + lax.shift_left(lo - stslab(m), 7)

            def pair_step(i, c2):
                kp = _elem(iota16, zeros16, sk_v, i)
                colw = lax.shift_right_logical(kp, 14) + shift
                b = jnp.sum(jnp.where(lane0, kp & 16383, 0))
                slot2 = lax.rem(i, NSTAGE)

                @pl.when(i >= NSTAGE)
                def _():
                    pltpu.make_async_copy(
                        stage_v.at[slot2],
                        scr_hbm.at[pl.ds(0, NUM_ACTIONS)],
                        ssem.at[slot2]).wait()

                for g in range(NUM_ACTIONS // LANES):
                    q = plsc.load_gather(slab_v.at[slot],
                                         [iota16 + g * LANES, colw])
                    stage_v[slot2, pl.ds(g * LANES, LANES)] = q
                pltpu.async_copy(
                    stage_v.at[slot2],
                    scr_hbm.at[pl.ds(pl.multiple_of(b * NUM_ACTIONS, 8),
                                     NUM_ACTIONS)],
                    ssem.at[slot2])
                return c2

            lax.fori_loop(start, end, pair_step, 0)
        return carry

    lax.fori_loop(0, NBLK, blk_step, 0)

    for j in range(NSTAGE):
        @pl.when(n - NSTAGE + j >= 0)
        def _(j=j):
            slot2 = lax.rem(n - NSTAGE + j, NSTAGE)
            pltpu.make_async_copy(
                stage_v.at[slot2], scr_hbm.at[pl.ds(0, NUM_ACTIONS)],
                ssem.at[slot2]).wait()


def _mask_body(scr_hbm, masksT_hbm, outT_hbm, scr_v, m_v, msem):
    wid = lax.axis_index("s") * NC + lax.axis_index("c")
    base = wid * BPW
    iota16 = lax.iota(jnp.int32, LANES)

    mcopy = pltpu.async_copy(masksT_hbm.at[:, pl.ds(base, BPW)], m_v, msem)
    pltpu.sync_copy(
        scr_hbm.at[pl.ds(base * NUM_ACTIONS, BPW * NUM_ACTIONS)], scr_v)
    mcopy.wait()

    def arow(a, carry):
        for k in range(BPW // LANES):
            sl = pl.ds(k * LANES, LANES)
            idx = lax.shift_left(iota16 + k * LANES, 6) + a
            q = plsc.load_gather(scr_v, [idx])
            m = m_v[a, sl]
            m_v[a, sl] = m * q + (1.0 - m) * _NEG
        return carry

    lax.fori_loop(0, NUM_ACTIONS, arow, 0)

    pltpu.sync_copy(m_v, outT_hbm.at[:, pl.ds(base, BPW)])


def kernel(observations, action_masks, q_table):
    obs = observations.reshape(-1).astype(jnp.int32)
    qT = q_table.T
    masksT = action_masks.T
    mesh = plsc.VectorSubcoreMesh(
        core_axis_name="c", subcore_axis_name="s", num_cores=NC,
        num_subcores=NS)
    params = pltpu.CompilerParams(needs_layout_passes=False)

    gather = pl.kernel(
        _gather_body,
        out_type=jax.ShapeDtypeStruct((BATCH * NUM_ACTIONS,), jnp.float32),
        mesh=mesh,
        scratch_types=[
            pltpu.VMEM((BATCH,), jnp.int32),
            pltpu.VMEM((LCAP,), jnp.int32),
            pltpu.VMEM((LCAP,), jnp.int32),
            pltpu.VMEM((256,), jnp.int32),
            pltpu.VMEM((256,), jnp.int32),
            pltpu.VMEM((256,), jnp.int32),
            pltpu.VMEM((NRING, NUM_ACTIONS, SB * 128), jnp.float32),
            pltpu.VMEM((NSTAGE, NUM_ACTIONS), jnp.float32),
            pltpu.SemaphoreType.DMA((NRING,)),
            pltpu.SemaphoreType.DMA((NSTAGE,)),
        ],
        compiler_params=params,
    )

    masker = pl.kernel(
        _mask_body,
        out_type=jax.ShapeDtypeStruct((NUM_ACTIONS, BATCH), jnp.float32),
        mesh=mesh,
        scratch_types=[
            pltpu.VMEM((BPW * NUM_ACTIONS,), jnp.float32),
            pltpu.VMEM((NUM_ACTIONS, BPW), jnp.float32),
            pltpu.SemaphoreType.DMA,
        ],
        compiler_params=params,
    )

    scratch = gather(obs, qT)
    outT = masker(scratch, masksT)
    return outT.T

# --- scband reference (transcript-rebuilt; emitter-appended) ---
"""Pipeline reference for scband-critic-86337432584310 (READ-ONLY COPY).

The authoritative reference and input builder live on the scoring server;
editing this copy changes nothing except your own understanding.
"""

import jax, jax.numpy as jnp
import numpy as np

NUM_STATES = 1000000
NUM_ACTIONS = 64
BATCH = 16384

def setup_inputs(seed: int = 0) -> dict:
    key = jax.random.key(seed)
    k1, k2, k3 = jax.random.split(key, 3)
    observations = jax.random.randint(k1, (BATCH, 1), 0, NUM_STATES, dtype=jnp.int32)
    action_masks = jax.random.uniform(k2, (BATCH, NUM_ACTIONS), dtype=jnp.float32)
    # learned parameter: tabular q_table, init uniform in [0, 0.001)
    q_table = jax.random.uniform(k3, (NUM_STATES, NUM_ACTIONS), dtype=jnp.float32, minval=0.0, maxval=0.001)
    return {"observations": observations, "action_masks": action_masks, "q_table": q_table}

def reference(observations, action_masks, q_table):
    # observations: [B, 1] -> flatten to index vector (original casts float->long)
    obs = observations.reshape(-1).astype(jnp.int32)
    # embedding/gather: row lookup into tabular q-table
    q_values = jnp.take(q_table, obs, axis=0)  # [B, NUM_ACTIONS]
    q_values = action_masks * q_values + (1.0 - action_masks) * (-1000000000.0)
    return q_values

if __name__ == "__main__":
    import jax
    _d = setup_inputs()
    print(jax.jit(kernel)(*tuple(_d.values())))

</pallas_src>

<mosaic_0001>
#map = affine_map<(d0, d1) -> (0)>
#map1 = affine_map<(d0, d1) -> (0, 0)>
module attributes {stable_mosaic.version = 14 : i64} {
  func.func @_gather_body(%arg0: i32, %arg1: i32, %arg2: memref<16384xi32, #tpu.memory_space<hbm>>, %arg3: memref<64x1000000xf32, #tpu.memory_space<hbm>>, %arg4: memref<1048576xf32, #tpu.memory_space<hbm>>, %arg5: memref<16384xi32, #tpu.memory_space<vmem>>, %arg6: memref<16400xi32, #tpu.memory_space<vmem>>, %arg7: memref<16400xi32, #tpu.memory_space<vmem>>, %arg8: memref<256xi32, #tpu.memory_space<vmem>>, %arg9: memref<256xi32, #tpu.memory_space<vmem>>, %arg10: memref<256xi32, #tpu.memory_space<vmem>>, %arg11: memref<4x64x256xf32, #tpu.memory_space<vmem>>, %arg12: memref<8x64xf32, #tpu.memory_space<vmem>>, %arg13: memref<4x!tpu.dma_semaphore, #tpu.memory_space<semaphore_mem>>, %arg14: memref<8x!tpu.dma_semaphore, #tpu.memory_space<semaphore_mem>>) attributes {dimension_semantics = [#tpu.dimension_semantics<core_parallel>, #tpu.dimension_semantics<subcore_parallel>], iteration_bounds = array<i64: 2, 16>, scalar_prefetch = 0 : i64, scratch_operands = 10 : i64, tpu.core_type = #tpu.core_type<sc_vector_subcore>, window_params = [{transform_indices = #map}, {transform_indices = #map1}, {transform_indices = #map}]} {
    %mul3A = arith.constant 2 : i32
    %mul3A_0 = arith.muli %arg1, %mul3A : i32
    %add3A = arith.addi %mul3A_0, %arg0 : i32
    %mul3A_1 = arith.constant 245 : i32
    %mul3A_2 = arith.muli %add3A, %mul3A_1 : i32
    %add3A_3 = arith.constant 245 : i32
    %add3A_4 = arith.addi %mul3A_2, %add3A_3 : i32
    %min3A = arith.constant 7813 : i32
    %min3A_5 = arith.minsi %add3A_4, %min3A : i32
    %iota3A = tpu.iota {dimensions = array<i32: 0>} : vector<16xi32>
    %eq3A = arith.constant 0 : i32
    %eq3A_6 = vector.broadcast %eq3A : i32 to vector<16xi32>
    %eq3A_7 = arith.cmpi eq, %iota3A, %eq3A_6 : vector<16xi32>
    %mul3A_8 = arith.constant 0 : i32
    %mul3A_9 = vector.broadcast %mul3A_8 : i32 to vector<16xi32>
    %mul3A_10 = arith.muli %iota3A, %mul3A_9 : vector<16xi32>
    "tpu.region"() ({
      %run_scoped3A = tpu.sem_alloc : memref<!tpu.dma_semaphore, #tpu.memory_space<semaphore_mem>>
      tpu.enqueue_dma source(%arg2 : memref<16384xi32, #tpu.memory_space<hbm>>) target(%arg5 : memref<16384xi32, #tpu.memory_space<vmem>>) target_semaphore(%run_scoped3A : memref<!tpu.dma_semaphore, #tpu.memory_space<semaphore_mem>>)
      tpu.wait_dma2 semaphore(%run_scoped3A : memref<!tpu.dma_semaphore, #tpu.memory_space<semaphore_mem>>) src(%arg2 : memref<16384xi32, #tpu.memory_space<hbm>>) dst(%arg5 : memref<16384xi32, #tpu.memory_space<vmem>>)
      tpu.yield
    }) : () -> ()
    %scan3A = arith.constant 0 : i32
    %scan3A_11 = arith.constant 0 : i32
    %scan3A_12 = arith.constant 1024 : i32
    %scan3A_13 = arith.addi %scan3A_11, %scan3A_12 : i32
    %scan3A_14 = arith.constant 2 : i32
    %scan3A_15 = scf.for %scan3A_579 = %scan3A_11 to %scan3A_13 step %scan3A_14 iter_args(%scan3A_580 = %scan3A) -> (i32)  : i32 {
      %mul3A_581 = arith.constant 16 : i32
      %mul3A_582 = arith.muli %scan3A_579, %mul3A_581 : i32
      %get3A_583 = arith.index_cast %mul3A_582 : i32 to index
      %get3A_584 = tpu.vector_load %arg5[%get3A_583] {strides = array<i32>} : memref<16384xi32, #tpu.memory_space<vmem>>, vector<16xi32>,
      %shift_right_logical3A = arith.constant 7 : i32
      %shift_right_logical3A_585 = vector.broadcast %shift_right_logical3A : i32 to vector<16xi32>
      %shift_right_logical3A_586 = arith.shrui %get3A_584, %shift_right_logical3A_585 : vector<16xi32>
      %ge3A_587 = vector.broadcast %mul3A_2 : i32 to vector<16xi32>
      %ge3A_588 = arith.cmpi sge, %shift_right_logical3A_586, %ge3A_587 : vector<16xi32>
      %lt3A = vector.broadcast %min3A_5 : i32 to vector<16xi32>
      %lt3A_589 = arith.cmpi slt, %shift_right_logical3A_586, %lt3A : vector<16xi32>
      %and3A_590 = arith.andi %ge3A_588, %lt3A_589 : vector<16xi1>
      %sub3A_591 = vector.broadcast %mul3A_2 : i32 to vector<16xi32>
      %sub3A_592 = arith.subi %shift_right_logical3A_586, %sub3A_591 : vector<16xi32>
      %shift_left3A = arith.constant 21 : i32
      %shift_left3A_593 = vector.broadcast %shift_left3A : i32 to vector<16xi32>
      %shift_left3A_594 = arith.shli %sub3A_592, %shift_left3A_593 : vector<16xi32>
      %and3A_595 = arith.constant 127 : i32
      %and3A_596 = vector.broadcast %and3A_595 : i32 to vector<16xi32>
      %and3A_597 = arith.andi %get3A_584, %and3A_596 : vector<16xi32>
      %shift_left3A_598 = arith.constant 14 : i32
      %shift_left3A_599 = vector.broadcast %shift_left3A_598 : i32 to vector<16xi32>
      %shift_left3A_600 = arith.shli %and3A_597, %shift_left3A_599 : vector<16xi32>
      %or3A = arith.ori %shift_left3A_594, %shift_left3A_600 : vector<16xi32>
      %mul3A_601 = arith.constant 16 : i32
      %mul3A_602 = arith.muli %scan3A_579, %mul3A_601 : i32
      %add3A_603 = vector.broadcast %mul3A_602 : i32 to vector<16xi32>
      %add3A_604 = arith.addi %iota3A, %add3A_603 : vector<16xi32>
      %or3A_605 = arith.ori %or3A, %add3A_604 : vector<16xi32>
      %swap3A_606 = arith.index_cast %scan3A_580 : i32 to index
      %swap3A_607 = tpu.vector_load %arg6[%swap3A_606] masked %and3A_590 {strides = array<i32>} : memref<16400xi32, #tpu.memory_space<vmem>>, vector<16xi32>, vector<16xi1>
      tpu.vector_store %arg6[%swap3A_606], %or3A_605 masked %and3A_590 {strides = array<i32>} : memref<16400xi32, #tpu.memory_space<vmem>>, vector<16xi32>, vector<16xi1>
      %all_reduce_population_count3A = tpu.all_reduce %and3A_590 {dim = 0 : i64, kind = #tpu.reduction_kind<sum>} : vector<16xi1> -> vector<16xi32>
      %jit3A_608 = arith.constant 0 : i32
      %broadcast_in_dim3A_609 = vector.broadcast %jit3A_608 : i32 to vector<16xi32>
      %select_n3A_610 = arith.select %eq3A_7, %all_reduce_population_count3A, %broadcast_in_dim3A_609 : vector<16xi1>, vector<16xi32>
      %reduce_sum3A_611 = arith.constant true
      %reduce_sum3A_612 = vector.broadcast %reduce_sum3A_611 : i1 to vector<16xi1>
      %reduce_sum3A_613 = tpu.scan <sum>, %select_n3A_610 masked %reduce_sum3A_612 : vector<16xi32>, vector<16xi1> -> vector<16xi32>
      %reduce_sum3A_614 = vector.extract %reduce_sum3A_613[15] : i32 from vector<16xi32>
      %add3A_615 = arith.addi %scan3A_580, %reduce_sum3A_614 : i32
      %scan3A_616 = arith.constant 1 : i32
      %scan3A_617 = arith.addi %scan3A_579, %scan3A_616 : i32
      %mul3A_618 = arith.constant 16 : i32
      %mul3A_619 = arith.muli %scan3A_617, %mul3A_618 : i32
      %get3A_620 = arith.index_cast %mul3A_619 : i32 to index
      %get3A_621 = tpu.vector_load %arg5[%get3A_620] {strides = array<i32>} : memref<16384xi32, #tpu.memory_space<vmem>>, vector<16xi32>,
      %shift_right_logical3A_622 = arith.constant 7 : i32
      %shift_right_logical3A_623 = vector.broadcast %shift_right_logical3A_622 : i32 to vector<16xi32>
      %shift_right_logical3A_624 = arith.shrui %get3A_621, %shift_right_logical3A_623 : vector<16xi32>
      %ge3A_625 = vector.broadcast %mul3A_2 : i32 to vector<16xi32>
      %ge3A_626 = arith.cmpi sge, %shift_right_logical3A_624, %ge3A_625 : vector<16xi32>
      %lt3A_627 = vector.broadcast %min3A_5 : i32 to vector<16xi32>
      %lt3A_628 = arith.cmpi slt, %shift_right_logical3A_624, %lt3A_627 : vector<16xi32>
      %and3A_629 = arith.andi %ge3A_626, %lt3A_628 : vector<16xi1>
      %sub3A_630 = vector.broadcast %mul3A_2 : i32 to vector<16xi32>
      %sub3A_631 = arith.subi %shift_right_logical3A_624, %sub3A_630 : vector<16xi32>
      %shift_left3A_632 = arith.constant 21 : i32
      %shift_left3A_633 = vector.broadcast %shift_left3A_632 : i32 to vector<16xi32>
      %shift_left3A_634 = arith.shli %sub3A_631, %shift_left3A_633 : vector<16xi32>
      %and3A_635 = arith.constant 127 : i32
      %and3A_636 = vector.broadcast %and3A_635 : i32 to vector<16xi32>
      %and3A_637 = arith.andi %get3A_621, %and3A_636 : vector<16xi32>
      %shift_left3A_638 = arith.constant 14 : i32
      %shift_left3A_639 = vector.broadcast %shift_left3A_638 : i32 to vector<16xi32>
      %shift_left3A_640 = arith.shli %and3A_637, %shift_left3A_639 : vector<16xi32>
      %or3A_641 = arith.ori %shift_left3A_634, %shift_left3A_640 : vector<16xi32>
      %mul3A_642 = arith.constant 16 : i32
      %mul3A_643 = arith.muli %scan3A_617, %mul3A_642 : i32
      %add3A_644 = vector.broadcast %mul3A_643 : i32 to vector<16xi32>
      %add3A_645 = arith.addi %iota3A, %add3A_644 : vector<16xi32>
      %or3A_646 = arith.ori %or3A_641, %add3A_645 : vector<16xi32>
      %swap3A_647 = arith.index_cast %add3A_615 : i32 to index
      %swap3A_648 = tpu.vector_load %arg6[%swap3A_647] masked %and3A_629 {strides = array<i32>} : memref<16400xi32, #tpu.memory_space<vmem>>, vector<16xi32>, vector<16xi1>
      tpu.vector_store %arg6[%swap3A_647], %or3A_646 masked %and3A_629 {strides = array<i32>} : memref<16400xi32, #tpu.memory_space<vmem>>, vector<16xi32>, vector<16xi1>
      %all_reduce_population_count3A_649 = tpu.all_reduce %and3A_629 {dim = 0 : i64, kind = #tpu.reduction_kind<sum>} : vector<16xi1> -> vector<16xi32>
      %jit3A_650 = arith.constant 0 : i32
      %broadcast_in_dim3A_651 = vector.broadcast %jit3A_650 : i32 to vector<16xi32>
      %select_n3A_652 = arith.select %eq3A_7, %all_reduce_population_count3A_649, %broadcast_in_dim3A_651 : vector<16xi1>, vector<16xi32>
      %reduce_sum3A_653 = arith.constant true
      %reduce_sum3A_654 = vector.broadcast %reduce_sum3A_653 : i1 to vector<16xi1>
      %reduce_sum3A_655 = tpu.scan <sum>, %select_n3A_652 masked %reduce_sum3A_654 : vector<16xi32>, vector<16xi1> -> vector<16xi32>
      %reduce_sum3A_656 = vector.extract %reduce_sum3A_655[15] : i32 from vector<16xi32>
      %add3A_657 = arith.addi %add3A_615, %reduce_sum3A_656 : i32
      scf.yield %add3A_657 : i32
    }
    %scan3A_16 = arith.constant 1024 : i32
    %swap3A = arith.constant 0 : index
    %swap3A_17 = tpu.vector_load %arg8[%swap3A] {strides = array<i32>} : memref<256xi32, #tpu.memory_space<vmem>>, vector<16xi32>,
    tpu.vector_store %arg8[%swap3A], %mul3A_10 {strides = array<i32>} : memref<256xi32, #tpu.memory_space<vmem>>, vector<16xi32>,
    %swap3A_18 = arith.constant 16 : index
    %swap3A_19 = tpu.vector_load %arg8[%swap3A_18] {strides = array<i32>} : memref<256xi32, #tpu.memory_space<vmem>>, vector<16xi32>,
    tpu.vector_store %arg8[%swap3A_18], %mul3A_10 {strides = array<i32>} : memref<256xi32, #tpu.memory_space<vmem>>, vector<16xi32>,
    %swap3A_20 = arith.constant 32 : index
    %swap3A_21 = tpu.vector_load %arg8[%swap3A_20] {strides = array<i32>} : memref<256xi32, #tpu.memory_space<vmem>>, vector<16xi32>,
    tpu.vector_store %arg8[%swap3A_20], %mul3A_10 {strides = array<i32>} : memref<256xi32, #tpu.memory_space<vmem>>, vector<16xi32>,
    %swap3A_22 = arith.constant 48 : index
    %swap3A_23 = tpu.vector_load %arg8[%swap3A_22] {strides = array<i32>} : memref<256xi32, #tpu.memory_space<vmem>>, vector<16xi32>,
    tpu.vector_store %arg8[%swap3A_22], %mul3A_10 {strides = array<i32>} : memref<256xi32, #tpu.memory_space<vmem>>, vector<16xi32>,
    %swap3A_24 = arith.constant 64 : index
    %swap3A_25 = tpu.vector_load %arg8[%swap3A_24] {strides = array<i32>} : memref<256xi32, #tpu.memory_space<vmem>>, vector<16xi32>,
    tpu.vector_store %arg8[%swap3A_24], %mul3A_10 {strides = array<i32>} : memref<256xi32, #tpu.memory_space<vmem>>, vector<16xi32>,
    %swap3A_26 = arith.constant 80 : index
    %swap3A_27 = tpu.vector_load %arg8[%swap3A_26] {strides = array<i32>} : memref<256xi32, #tpu.memory_space<vmem>>, vector<16xi32>,
    tpu.vector_store %arg8[%swap3A_26], %mul3A_10 {strides = array<i32>} : memref<256xi32, #tpu.memory_space<vmem>>, vector<16xi32>,
    %swap3A_28 = arith.constant 96 : index
    %swap3A_29 = tpu.vector_load %arg8[%swap3A_28] {strides = array<i32>} : memref<256xi32, #tpu.memory_space<vmem>>, vector<16xi32>,
    tpu.vector_store %arg8[%swap3A_28], %mul3A_10 {strides = array<i32>} : memref<256xi32, #tpu.memory_space<vmem>>, vector<16xi32>,
    %swap3A_30 = arith.constant 112 : index
    %swap3A_31 = tpu.vector_load %arg8[%swap3A_30] {strides = array<i32>} : memref<256xi32, #tpu.memory_space<vmem>>, vector<16xi32>,
    tpu.vector_store %arg8[%swap3A_30], %mul3A_10 {strides = array<i32>} : memref<256xi32, #tpu.memory_space<vmem>>, vector<16xi32>,
    %swap3A_32 = arith.constant 128 : index
    %swap3A_33 = tpu.vector_load %arg8[%swap3A_32] {strides = array<i32>} : memref<256xi32, #tpu.memory_space<vmem>>, vector<16xi32>,
    tpu.vector_store %arg8[%swap3A_32], %mul3A_10 {strides = array<i32>} : memref<256xi32, #tpu.memory_space<vmem>>, vector<16xi32>,
    %swap3A_34 = arith.constant 144 : index
    %swap3A_35 = tpu.vector_load %arg8[%swap3A_34] {strides = array<i32>} : memref<256xi32, #tpu.memory_space<vmem>>, vector<16xi32>,
    tpu.vector_store %arg8[%swap3A_34], %mul3A_10 {strides = array<i32>} : memref<256xi32, #tpu.memory_space<vmem>>, vector<16xi32>,
    %swap3A_36 = arith.constant 160 : index
    %swap3A_37 = tpu.vector_load %arg8[%swap3A_36] {strides = array<i32>} : memref<256xi32, #tpu.memory_space<vmem>>, vector<16xi32>,
    tpu.vector_store %arg8[%swap3A_36], %mul3A_10 {strides = array<i32>} : memref<256xi32, #tpu.memory_space<vmem>>, vector<16xi32>,
    %swap3A_38 = arith.constant 176 : index
    %swap3A_39 = tpu.vector_load %arg8[%swap3A_38] {strides = array<i32>} : memref<256xi32, #tpu.memory_space<vmem>>, vector<16xi32>,
    tpu.vector_store %arg8[%swap3A_38], %mul3A_10 {strides = array<i32>} : memref<256xi32, #tpu.memory_space<vmem>>, vector<16xi32>,
    %swap3A_40 = arith.constant 192 : index
    %swap3A_41 = tpu.vector_load %arg8[%swap3A_40] {strides = array<i32>} : memref<256xi32, #tpu.memory_space<vmem>>, vector<16xi32>,
    tpu.vector_store %arg8[%swap3A_40], %mul3A_10 {strides = array<i32>} : memref<256xi32, #tpu.memory_space<vmem>>, vector<16xi32>,
    %swap3A_42 = arith.constant 208 : index
    %swap3A_43 = tpu.vector_load %arg8[%swap3A_42] {strides = array<i32>} : memref<256xi32, #tpu.memory_space<vmem>>, vector<16xi32>,
    tpu.vector_store %arg8[%swap3A_42], %mul3A_10 {strides = array<i32>} : memref<256xi32, #tpu.memory_space<vmem>>, vector<16xi32>,
    %swap3A_44 = arith.constant 224 : index
    %swap3A_45 = tpu.vector_load %arg8[%swap3A_44] {strides = array<i32>} : memref<256xi32, #tpu.memory_space<vmem>>, vector<16xi32>,
    tpu.vector_store %arg8[%swap3A_44], %mul3A_10 {strides = array<i32>} : memref<256xi32, #tpu.memory_space<vmem>>, vector<16xi32>,
    %swap3A_46 = arith.constant 240 : index
    %swap3A_47 = tpu.vector_load %arg8[%swap3A_46] {strides = array<i32>} : memref<256xi32, #tpu.memory_space<vmem>>, vector<16xi32>,
    tpu.vector_store %arg8[%swap3A_46], %mul3A_10 {strides = array<i32>} : memref<256xi32, #tpu.memory_space<vmem>>, vector<16xi32>,
    %while3A = arith.constant 0 : i32
    %while3A_48 = arith.constant 0 : i32
    %while3A_49 = arith.subi %scan3A_15, %while3A_48 : i32
    %while3A_50 = arith.addi %while3A_48, %while3A_49 : i32
    %while3A_51 = arith.constant 1 : i32
    %while3A_52 = arith.divsi %while3A_49, %while3A_51 : i32
    %while3A_53 = arith.muli %while3A_52, %while3A_51 : i32
    %while3A_54 = arith.addi %while3A_48, %while3A_53 : i32
    %while3A_55 = arith.constant 1 : i32
    scf.for %while3A_579 = %while3A_48 to %while3A_54 step %while3A_55  : i32 {
      %rem3A_580 = arith.constant 16 : i32
      %rem3A_581 = arith.remsi %while3A_579, %rem3A_580 : i32
      %sub3A_582 = arith.subi %while3A_579, %rem3A_581 : i32
      %multiple_of3A_583 = tpu.assume_multiple %sub3A_582, 16 : i32
      %get3A_584 = arith.index_cast %multiple_of3A_583 : i32 to index
      %get3A_585 = tpu.vector_load %arg6[%get3A_584] {strides = array<i32>} : memref<16400xi32, #tpu.memory_space<vmem>>, vector<16xi32>,
      %eq3A_586 = vector.broadcast %rem3A_581 : i32 to vector<16xi32>
      %eq3A_587 = arith.cmpi eq, %iota3A, %eq3A_586 : vector<16xi32>
      %jit3A_588 = arith.constant 0 : i32
      %broadcast_in_dim3A_589 = vector.broadcast %jit3A_588 : i32 to vector<16xi32>
      %select_n3A_590 = arith.select %eq3A_587, %get3A_585, %broadcast_in_dim3A_589 : vector<16xi1>, vector<16xi32>
      %reduce_sum3A_591 = arith.constant true
      %reduce_sum3A_592 = vector.broadcast %reduce_sum3A_591 : i1 to vector<16xi1>
      %reduce_sum3A_593 = tpu.scan <sum>, %select_n3A_590 masked %reduce_sum3A_592 : vector<16xi32>, vector<16xi1> -> vector<16xi32>
      %reduce_sum3A_594 = vector.extract %reduce_sum3A_593[15] : i32 from vector<16xi32>
      %add3A_595 = vector.broadcast %reduce_sum3A_594 : i32 to vector<16xi32>
      %add3A_596 = arith.addi %mul3A_10, %add3A_595 : vector<16xi32>
      %shift_right_logical3A = arith.constant 21 : i32
      %shift_right_logical3A_597 = vector.broadcast %shift_right_logical3A : i32 to vector<16xi32>
      %shift_right_logical3A_598 = arith.shrui %add3A_596, %shift_right_logical3A_597 : vector<16xi32>
      %gather3A = tpu.vector_load_idx %arg8[%shift_right_logical3A_598] : memref<256xi32, #tpu.memory_space<vmem>>[vector<16xi32>], vector<16xi32>,
      %add3A_599 = arith.constant 1 : i32
      %add3A_600 = vector.broadcast %add3A_599 : i32 to vector<16xi32>
      %add3A_601 = arith.addi %gather3A, %add3A_600 : vector<16xi32>
      tpu.vector_store_idx %arg8[%shift_right_logical3A_598], %add3A_601 masked %eq3A_7 : memref<256xi32, #tpu.memory_space<vmem>>[vector<16xi32>], vector<16xi32>, vector<16xi1>
    }
    %while3A_56 = arith.constant 1 : i32
    scf.for %while3A_579 = %while3A_54 to %while3A_50 step %while3A_56  : i32 {
      %rem3A_580 = arith.constant 16 : i32
      %rem3A_581 = arith.remsi %while3A_579, %rem3A_580 : i32
      %sub3A_582 = arith.subi %while3A_579, %rem3A_581 : i32
      %multiple_of3A_583 = tpu.assume_multiple %sub3A_582, 16 : i32
      %get3A_584 = arith.index_cast %multiple_of3A_583 : i32 to index
      %get3A_585 = tpu.vector_load %arg6[%get3A_584] {strides = array<i32>} : memref<16400xi32, #tpu.memory_space<vmem>>, vector<16xi32>,
      %eq3A_586 = vector.broadcast %rem3A_581 : i32 to vector<16xi32>
      %eq3A_587 = arith.cmpi eq, %iota3A, %eq3A_586 : vector<16xi32>
      %jit3A_588 = arith.constant 0 : i32
      %broadcast_in_dim3A_589 = vector.broadcast %jit3A_588 : i32 to vector<16xi32>
      %select_n3A_590 = arith.select %eq3A_587, %get3A_585, %broadcast_in_dim3A_589 : vector<16xi1>, vector<16xi32>
      %reduce_sum3A_591 = arith.constant true
      %reduce_sum3A_592 = vector.broadcast %reduce_sum3A_591 : i1 to vector<16xi1>
      %reduce_sum3A_593 = tpu.scan <sum>, %select_n3A_590 masked %reduce_sum3A_592 : vector<16xi32>, vector<16xi1> -> vector<16xi32>
      %reduce_sum3A_594 = vector.extract %reduce_sum3A_593[15] : i32 from vector<16xi32>
      %add3A_595 = vector.broadcast %reduce_sum3A_594 : i32 to vector<16xi32>
      %add3A_596 = arith.addi %mul3A_10, %add3A_595 : vector<16xi32>
      %shift_right_logical3A = arith.constant 21 : i32
      %shift_right_logical3A_597 = vector.broadcast %shift_right_logical3A : i32 to vector<16xi32>
      %shift_right_logical3A_598 = arith.shrui %add3A_596, %shift_right_logical3A_597 : vector<16xi32>
      %gather3A = tpu.vector_load_idx %arg8[%shift_right_logical3A_598] : memref<256xi32, #tpu.memory_space<vmem>>[vector<16xi32>], vector<16xi32>,
      %add3A_599 = arith.constant 1 : i32
      %add3A_600 = vector.broadcast %add3A_599 : i32 to vector<16xi32>
      %add3A_601 = arith.addi %gather3A, %add3A_600 : vector<16xi32>
      tpu.vector_store_idx %arg8[%shift_right_logical3A_598], %add3A_601 masked %eq3A_7 : memref<256xi32, #tpu.memory_space<vmem>>[vector<16xi32>], vector<16xi32>, vector<16xi1>
    }
    %get3A = arith.constant 0 : index
    %get3A_57 = tpu.vector_load %arg8[%get3A] {strides = array<i32>} : memref<256xi32, #tpu.memory_space<vmem>>, vector<16xi32>,
    %broadcast_in_dim3A = arith.constant true
    %broadcast_in_dim3A_58 = vector.broadcast %broadcast_in_dim3A : i1 to vector<16xi1>
    %masked_cumsum3A = tpu.scan <sum>, %get3A_57 masked %broadcast_in_dim3A_58 : vector<16xi32>, vector<16xi1> -> vector<16xi32>
    %sub3A = arith.subi %masked_cumsum3A, %get3A_57 : vector<16xi32>
    %add3A_59 = arith.constant 0 : i32
    %add3A_60 = vector.broadcast %add3A_59 : i32 to vector<16xi32>
    %add3A_61 = arith.addi %sub3A, %add3A_60 : vector<16xi32>
    %swap3A_62 = arith.constant 0 : index
    %swap3A_63 = tpu.vector_load %arg9[%swap3A_62] {strides = array<i32>} : memref<256xi32, #tpu.memory_space<vmem>>, vector<16xi32>,
    tpu.vector_store %arg9[%swap3A_62], %add3A_61 {strides = array<i32>} : memref<256xi32, #tpu.memory_space<vmem>>, vector<16xi32>,
    %swap3A_64 = arith.constant 0 : index
    %swap3A_65 = tpu.vector_load %arg10[%swap3A_64] {strides = array<i32>} : memref<256xi32, #tpu.memory_space<vmem>>, vector<16xi32>,
    tpu.vector_store %arg10[%swap3A_64], %add3A_61 {strides = array<i32>} : memref<256xi32, #tpu.memory_space<vmem>>, vector<16xi32>,
    %reduce_sum3A = arith.constant true
    %reduce_sum3A_66 = vector.broadcast %reduce_sum3A : i1 to vector<16xi1>
    %reduce_sum3A_67 = tpu.scan <sum>, %get3A_57 masked %reduce_sum3A_66 : vector<16xi32>, vector<16xi1> -> vector<16xi32>
    %reduce_sum3A_68 = vector.extract %reduce_sum3A_67[15] : i32 from vector<16xi32>
    %add3A_69 = arith.constant 0 : i32
    %add3A_70 = arith.addi %add3A_69, %reduce_sum3A_68 : i32
    %get3A_71 = arith.constant 16 : index
    %get3A_72 = tpu.vector_load %arg8[%get3A_71] {strides = array<i32>} : memref<256xi32, #tpu.memory_space<vmem>>, vector<16xi32>,
    %broadcast_in_dim3A_73 = arith.constant true
    %broadcast_in_dim3A_74 = vector.broadcast %broadcast_in_dim3A_73 : i1 to vector<16xi1>
    %masked_cumsum3A_75 = tpu.scan <sum>, %get3A_72 masked %broadcast_in_dim3A_74 : vector<16xi32>, vector<16xi1> -> vector<16xi32>
    %sub3A_76 = arith.subi %masked_cumsum3A_75, %get3A_72 : vector<16xi32>
    %add3A_77 = vector.broadcast %add3A_70 : i32 to vector<16xi32>
    %add3A_78 = arith.addi %sub3A_76, %add3A_77 : vector<16xi32>
    %swap3A_79 = arith.constant 16 : index
    %swap3A_80 = tpu.vector_load %arg9[%swap3A_79] {strides = array<i32>} : memref<256xi32, #tpu.memory_space<vmem>>, vector<16xi32>,
    tpu.vector_store %arg9[%swap3A_79], %add3A_78 {strides = array<i32>} : memref<256xi32, #tpu.memory_space<vmem>>, vector<16xi32>,
    %swap3A_81 = arith.constant 16 : index
    %swap3A_82 = tpu.vector_load %arg10[%swap3A_81] {strides = array<i32>} : memref<256xi32, #tpu.memory_space<vmem>>, vector<16xi32>,
    tpu.vector_store %arg10[%swap3A_81], %add3A_78 {strides = array<i32>} : memref<256xi32, #tpu.memory_space<vmem>>, vector<16xi32>,
    %reduce_sum3A_83 = arith.constant true
    %reduce_sum3A_84 = vector.broadcast %reduce_sum3A_83 : i1 to vector<16xi1>
    %reduce_sum3A_85 = tpu.scan <sum>, %get3A_72 masked %reduce_sum3A_84 : vector<16xi32>, vector<16xi1> -> vector<16xi32>
    %reduce_sum3A_86 = vector.extract %reduce_sum3A_85[15] : i32 from vector<16xi32>
    %add3A_87 = arith.addi %add3A_70, %reduce_sum3A_86 : i32
    %get3A_88 = arith.constant 32 : index
    %get3A_89 = tpu.vector_load %arg8[%get3A_88] {strides = array<i32>} : memref<256xi32, #tpu.memory_space<vmem>>, vector<16xi32>,
    %broadcast_in_dim3A_90 = arith.constant true
    %broadcast_in_dim3A_91 = vector.broadcast %broadcast_in_dim3A_90 : i1 to vector<16xi1>
    %masked_cumsum3A_92 = tpu.scan <sum>, %get3A_89 masked %broadcast_in_dim3A_91 : vector<16xi32>, vector<16xi1> -> vector<16xi32>
    %sub3A_93 = arith.subi %masked_cumsum3A_92, %get3A_89 : vector<16xi32>
    %add3A_94 = vector.broadcast %add3A_87 : i32 to vector<16xi32>
    %add3A_95 = arith.addi %sub3A_93, %add3A_94 : vector<16xi32>
    %swap3A_96 = arith.constant 32 : index
    %swap3A_97 = tpu.vector_load %arg9[%swap3A_96] {strides = array<i32>} : memref<256xi32, #tpu.memory_space<vmem>>, vector<16xi32>,
    tpu.vector_store %arg9[%swap3A_96], %add3A_95 {strides = array<i32>} : memref<256xi32, #tpu.memory_space<vmem>>, vector<16xi32>,
    %swap3A_98 = arith.constant 32 : index
    %swap3A_99 = tpu.vector_load %arg10[%swap3A_98] {strides = array<i32>} : memref<256xi32, #tpu.memory_space<vmem>>, vector<16xi32>,
    tpu.vector_store %arg10[%swap3A_98], %add3A_95 {strides = array<i32>} : memref<256xi32, #tpu.memory_space<vmem>>, vector<16xi32>,
    %reduce_sum3A_100 = arith.constant true
    %reduce_sum3A_101 = vector.broadcast %reduce_sum3A_100 : i1 to vector<16xi1>
    %reduce_sum3A_102 = tpu.scan <sum>, %get3A_89 masked %reduce_sum3A_101 : vector<16xi32>, vector<16xi1> -> vector<16xi32>
    %reduce_sum3A_103 = vector.extract %reduce_sum3A_102[15] : i32 from vector<16xi32>
    %add3A_104 = arith.addi %add3A_87, %reduce_sum3A_103 : i32
    %get3A_105 = arith.constant 48 : index
    %get3A_106 = tpu.vector_load %arg8[%get3A_105] {strides = array<i32>} : memref<256xi32, #tpu.memory_space<vmem>>, vector<16xi32>,
    %broadcast_in_dim3A_107 = arith.constant true
    %broadcast_in_dim3A_108 = vector.broadcast %broadcast_in_dim3A_107 : i1 to vector<16xi1>
    %masked_cumsum3A_109 = tpu.scan <sum>, %get3A_106 masked %broadcast_in_dim3A_108 : vector<16xi32>, vector<16xi1> -> vector<16xi32>
    %sub3A_110 = arith.subi %masked_cumsum3A_109, %get3A_106 : vector<16xi32>
    %add3A_111 = vector.broadcast %add3A_104 : i32 to vector<16xi32>
    %add3A_112 = arith.addi %sub3A_110, %add3A_111 : vector<16xi32>
    %swap3A_113 = arith.constant 48 : index
    %swap3A_114 = tpu.vector_load %arg9[%swap3A_113] {strides = array<i32>} : memref<256xi32, #tpu.memory_space<vmem>>, vector<16xi32>,
    tpu.vector_store %arg9[%swap3A_113], %add3A_112 {strides = array<i32>} : memref<256xi32, #tpu.memory_space<vmem>>, vector<16xi32>,
    %swap3A_115 = arith.constant 48 : index
    %swap3A_116 = tpu.vector_load %arg10[%swap3A_115] {strides = array<i32>} : memref<256xi32, #tpu.memory_space<vmem>>, vector<16xi32>,
    tpu.vector_store %arg10[%swap3A_115], %add3A_112 {strides = array<i32>} : memref<256xi32, #tpu.memory_space<vmem>>, vector<16xi32>,
    %reduce_sum3A_117 = arith.constant true
    %reduce_sum3A_118 = vector.broadcast %reduce_sum3A_117 : i1 to vector<16xi1>
    %reduce_sum3A_119 = tpu.scan <sum>, %get3A_106 masked %reduce_sum3A_118 : vector<16xi32>, vector<16xi1> -> vector<16xi32>
    %reduce_sum3A_120 = vector.extract %reduce_sum3A_119[15] : i32 from vector<16xi32>
    %add3A_121 = arith.addi %add3A_104, %reduce_sum3A_120 : i32
    %get3A_122 = arith.constant 64 : index
    %get3A_123 = tpu.vector_load %arg8[%get3A_122] {strides = array<i32>} : memref<256xi32, #tpu.memory_space<vmem>>, vector<16xi32>,
    %broadcast_in_dim3A_124 = arith.constant true
    %broadcast_in_dim3A_125 = vector.broadcast %broadcast_in_dim3A_124 : i1 to vector<16xi1>
    %masked_cumsum3A_126 = tpu.scan <sum>, %get3A_123 masked %broadcast_in_dim3A_125 : vector<16xi32>, vector<16xi1> -> vector<16xi32>
    %sub3A_127 = arith.subi %masked_cumsum3A_126, %get3A_123 : vector<16xi32>
    %add3A_128 = vector.broadcast %add3A_121 : i32 to vector<16xi32>
    %add3A_129 = arith.addi %sub3A_127, %add3A_128 : vector<16xi32>
    %swap3A_130 = arith.constant 64 : index
    %swap3A_131 = tpu.vector_load %arg9[%swap3A_130] {strides = array<i32>} : memref<256xi32, #tpu.memory_space<vmem>>, vector<16xi32>,
    tpu.vector_store %arg9[%swap3A_130], %add3A_129 {strides = array<i32>} : memref<256xi32, #tpu.memory_space<vmem>>, vector<16xi32>,
    %swap3A_132 = arith.constant 64 : index
    %swap3A_133 = tpu.vector_load %arg10[%swap3A_132] {strides = array<i32>} : memref<256xi32, #tpu.memory_space<vmem>>, vector<16xi32>,
    tpu.vector_store %arg10[%swap3A_132], %add3A_129 {strides = array<i32>} : memref<256xi32, #tpu.memory_space<vmem>>, vector<16xi32>,
    %reduce_sum3A_134 = arith.constant true
    %reduce_sum3A_135 = vector.broadcast %reduce_sum3A_134 : i1 to vector<16xi1>
    %reduce_sum3A_136 = tpu.scan <sum>, %get3A_123 masked %reduce_sum3A_135 : vector<16xi32>, vector<16xi1> -> vector<16xi32>
    %reduce_sum3A_137 = vector.extract %reduce_sum3A_136[15] : i32 from vector<16xi32>
    %add3A_138 = arith.addi %add3A_121, %reduce_sum3A_137 : i32
    %get3A_139 = arith.constant 80 : index
    %get3A_140 = tpu.vector_load %arg8[%get3A_139] {strides = array<i32>} : memref<256xi32, #tpu.memory_space<vmem>>, vector<16xi32>,
    %broadcast_in_dim3A_141 = arith.constant true
    %broadcast_in_dim3A_142 = vector.broadcast %broadcast_in_dim3A_141 : i1 to vector<16xi1>
    %masked_cumsum3A_143 = tpu.scan <sum>, %get3A_140 masked %broadcast_in_dim3A_142 : vector<16xi32>, vector<16xi1> -> vector<16xi32>
    %sub3A_144 = arith.subi %masked_cumsum3A_143, %get3A_140 : vector<16xi32>
    %add3A_145 = vector.broadcast %add3A_138 : i32 to vector<16xi32>
    %add3A_146 = arith.addi %sub3A_144, %add3A_145 : vector<16xi32>
    %swap3A_147 = arith.constant 80 : index
    %swap3A_148 = tpu.vector_load %arg9[%swap3A_147] {strides = array<i32>} : memref<256xi32, #tpu.memory_space<vmem>>, vector<16xi32>,
    tpu.vector_store %arg9[%swap3A_147], %add3A_146 {strides = array<i32>} : memref<256xi32, #tpu.memory_space<vmem>>, vector<16xi32>,
    %swap3A_149 = arith.constant 80 : index
    %swap3A_150 = tpu.vector_load %arg10[%swap3A_149] {strides = array<i32>} : memref<256xi32, #tpu.memory_space<vmem>>, vector<16xi32>,
    tpu.vector_store %arg10[%swap3A_149], %add3A_146 {strides = array<i32>} : memref<256xi32, #tpu.memory_space<vmem>>, vector<16xi32>,
    %reduce_sum3A_151 = arith.constant true
    %reduce_sum3A_152 = vector.broadcast %reduce_sum3A_151 : i1 to vector<16xi1>
    %reduce_sum3A_153 = tpu.scan <sum>, %get3A_140 masked %reduce_sum3A_152 : vector<16xi32>, vector<16xi1> -> vector<16xi32>
    %reduce_sum3A_154 = vector.extract %reduce_sum3A_153[15] : i32 from vector<16xi32>
    %add3A_155 = arith.addi %add3A_138, %reduce_sum3A_154 : i32
    %get3A_156 = arith.constant 96 : index
    %get3A_157 = tpu.vector_load %arg8[%get3A_156] {strides = array<i32>} : memref<256xi32, #tpu.memory_space<vmem>>, vector<16xi32>,
    %broadcast_in_dim3A_158 = arith.constant true
    %broadcast_in_dim3A_159 = vector.broadcast %broadcast_in_dim3A_158 : i1 to vector<16xi1>
    %masked_cumsum3A_160 = tpu.scan <sum>, %get3A_157 masked %broadcast_in_dim3A_159 : vector<16xi32>, vector<16xi1> -> vector<16xi32>
    %sub3A_161 = arith.subi %masked_cumsum3A_160, %get3A_157 : vector<16xi32>
    %add3A_162 = vector.broadcast %add3A_155 : i32 to vector<16xi32>
    %add3A_163 = arith.addi %sub3A_161, %add3A_162 : vector<16xi32>
    %swap3A_164 = arith.constant 96 : index
    %swap3A_165 = tpu.vector_load %arg9[%swap3A_164] {strides = array<i32>} : memref<256xi32, #tpu.memory_space<vmem>>, vector<16xi32>,
    tpu.vector_store %arg9[%swap3A_164], %add3A_163 {strides = array<i32>} : memref<256xi32, #tpu.memory_space<vmem>>, vector<16xi32>,
    %swap3A_166 = arith.constant 96 : index
    %swap3A_167 = tpu.vector_load %arg10[%swap3A_166] {strides = array<i32>} : memref<256xi32, #tpu.memory_space<vmem>>, vector<16xi32>,
    tpu.vector_store %arg10[%swap3A_166], %add3A_163 {strides = array<i32>} : memref<256xi32, #tpu.memory_space<vmem>>, vector<16xi32>,
    %reduce_sum3A_168 = arith.constant true
    %reduce_sum3A_169 = vector.broadcast %reduce_sum3A_168 : i1 to vector<16xi1>
    %reduce_sum3A_170 = tpu.scan <sum>, %get3A_157 masked %reduce_sum3A_169 : vector<16xi32>, vector<16xi1> -> vector<16xi32>
    %reduce_sum3A_171 = vector.extract %reduce_sum3A_170[15] : i32 from vector<16xi32>
    %add3A_172 = arith.addi %add3A_155, %reduce_sum3A_171 : i32
    %get3A_173 = arith.constant 112 : index
    %get3A_174 = tpu.vector_load %arg8[%get3A_173] {strides = array<i32>} : memref<256xi32, #tpu.memory_space<vmem>>, vector<16xi32>,
    %broadcast_in_dim3A_175 = arith.constant true
    %broadcast_in_dim3A_176 = vector.broadcast %broadcast_in_dim3A_175 : i1 to vector<16xi1>
    %masked_cumsum3A_177 = tpu.scan <sum>, %get3A_174 masked %broadcast_in_dim3A_176 : vector<16xi32>, vector<16xi1> -> vector<16xi32>
    %sub3A_178 = arith.subi %masked_cumsum3A_177, %get3A_174 : vector<16xi32>
    %add3A_179 = vector.broadcast %add3A_172 : i32 to vector<16xi32>
    %add3A_180 = arith.addi %sub3A_178, %add3A_179 : vector<16xi32>
    %swap3A_181 = arith.constant 112 : index
    %swap3A_182 = tpu.vector_load %arg9[%swap3A_181] {strides = array<i32>} : memref<256xi32, #tpu.memory_space<vmem>>, vector<16xi32>,
    tpu.vector_store %arg9[%swap3A_181], %add3A_180 {strides = array<i32>} : memref<256xi32, #tpu.memory_space<vmem>>, vector<16xi32>,
    %swap3A_183 = arith.constant 112 : index
    %swap3A_184 = tpu.vector_load %arg10[%swap3A_183] {strides = array<i32>} : memref<256xi32, #tpu.memory_space<vmem>>, vector<16xi32>,
    tpu.vector_store %arg10[%swap3A_183], %add3A_180 {strides = array<i32>} : memref<256xi32, #tpu.memory_space<vmem>>, vector<16xi32>,
    %reduce_sum3A_185 = arith.constant true
    %reduce_sum3A_186 = vector.broadcast %reduce_sum3A_185 : i1 to vector<16xi1>
    %reduce_sum3A_187 = tpu.scan <sum>, %get3A_174 masked %reduce_sum3A_186 : vector<16xi32>, vector<16xi1> -> vector<16xi32>
    %reduce_sum3A_188 = vector.extract %reduce_sum3A_187[15] : i32 from vector<16xi32>
    %add3A_189 = arith.addi %add3A_172, %reduce_sum3A_188 : i32
    %get3A_190 = arith.constant 128 : index
    %get3A_191 = tpu.vector_load %arg8[%get3A_190] {strides = array<i32>} : memref<256xi32, #tpu.memory_space<vmem>>, vector<16xi32>,
    %broadcast_in_dim3A_192 = arith.constant true
    %broadcast_in_dim3A_193 = vector.broadcast %broadcast_in_dim3A_192 : i1 to vector<16xi1>
    %masked_cumsum3A_194 = tpu.scan <sum>, %get3A_191 masked %broadcast_in_dim3A_193 : vector<16xi32>, vector<16xi1> -> vector<16xi32>
    %sub3A_195 = arith.subi %masked_cumsum3A_194, %get3A_191 : vector<16xi32>
    %add3A_196 = vector.broadcast %add3A_189 : i32 to vector<16xi32>
    %add3A_197 = arith.addi %sub3A_195, %add3A_196 : vector<16xi32>
    %swap3A_198 = arith.constant 128 : index
    %swap3A_199 = tpu.vector_load %arg9[%swap3A_198] {strides = array<i32>} : memref<256xi32, #tpu.memory_space<vmem>>, vector<16xi32>,
    tpu.vector_store %arg9[%swap3A_198], %add3A_197 {strides = array<i32>} : memref<256xi32, #tpu.memory_space<vmem>>, vector<16xi32>,
    %swap3A_200 = arith.constant 128 : index
    %swap3A_201 = tpu.vector_load %arg10[%swap3A_200] {strides = array<i32>} : memref<256xi32, #tpu.memory_space<vmem>>, vector<16xi32>,
    tpu.vector_store %arg10[%swap3A_200], %add3A_197 {strides = array<i32>} : memref<256xi32, #tpu.memory_space<vmem>>, vector<16xi32>,
    %reduce_sum3A_202 = arith.constant true
    %reduce_sum3A_203 = vector.broadcast %reduce_sum3A_202 : i1 to vector<16xi1>
    %reduce_sum3A_204 = tpu.scan <sum>, %get3A_191 masked %reduce_sum3A_203 : vector<16xi32>, vector<16xi1> -> vector<16xi32>
    %reduce_sum3A_205 = vector.extract %reduce_sum3A_204[15] : i32 from vector<16xi32>
    %add3A_206 = arith.addi %add3A_189, %reduce_sum3A_205 : i32
    %get3A_207 = arith.constant 144 : index
    %get3A_208 = tpu.vector_load %arg8[%get3A_207] {strides = array<i32>} : memref<256xi32, #tpu.memory_space<vmem>>, vector<16xi32>,
    %broadcast_in_dim3A_209 = arith.constant true
    %broadcast_in_dim3A_210 = vector.broadcast %broadcast_in_dim3A_209 : i1 to vector<16xi1>
    %masked_cumsum3A_211 = tpu.scan <sum>, %get3A_208 masked %broadcast_in_dim3A_210 : vector<16xi32>, vector<16xi1> -> vector<16xi32>
    %sub3A_212 = arith.subi %masked_cumsum3A_211, %get3A_208 : vector<16xi32>
    %add3A_213 = vector.broadcast %add3A_206 : i32 to vector<16xi32>
    %add3A_214 = arith.addi %sub3A_212, %add3A_213 : vector<16xi32>
    %swap3A_215 = arith.constant 144 : index
    %swap3A_216 = tpu.vector_load %arg9[%swap3A_215] {strides = array<i32>} : memref<256xi32, #tpu.memory_space<vmem>>, vector<16xi32>,
    tpu.vector_store %arg9[%swap3A_215], %add3A_214 {strides = array<i32>} : memref<256xi32, #tpu.memory_space<vmem>>, vector<16xi32>,
    %swap3A_217 = arith.constant 144 : index
    %swap3A_218 = tpu.vector_load %arg10[%swap3A_217] {strides = array<i32>} : memref<256xi32, #tpu.memory_space<vmem>>, vector<16xi32>,
    tpu.vector_store %arg10[%swap3A_217], %add3A_214 {strides = array<i32>} : memref<256xi32, #tpu.memory_space<vmem>>, vector<16xi32>,
    %reduce_sum3A_219 = arith.constant true
    %reduce_sum3A_220 = vector.broadcast %reduce_sum3A_219 : i1 to vector<16xi1>
    %reduce_sum3A_221 = tpu.scan <sum>, %get3A_208 masked %reduce_sum3A_220 : vector<16xi32>, vector<16xi1> -> vector<16xi32>
    %reduce_sum3A_222 = vector.extract %reduce_sum3A_221[15] : i32 from vector<16xi32>
    %add3A_223 = arith.addi %add3A_206, %reduce_sum3A_222 : i32
    %get3A_224 = arith.constant 160 : index
    %get3A_225 = tpu.vector_load %arg8[%get3A_224] {strides = array<i32>} : memref<256xi32, #tpu.memory_space<vmem>>, vector<16xi32>,
    %broadcast_in_dim3A_226 = arith.constant true
    %broadcast_in_dim3A_227 = vector.broadcast %broadcast_in_dim3A_226 : i1 to vector<16xi1>
    %masked_cumsum3A_228 = tpu.scan <sum>, %get3A_225 masked %broadcast_in_dim3A_227 : vector<16xi32>, vector<16xi1> -> vector<16xi32>
    %sub3A_229 = arith.subi %masked_cumsum3A_228, %get3A_225 : vector<16xi32>
    %add3A_230 = vector.broadcast %add3A_223 : i32 to vector<16xi32>
    %add3A_231 = arith.addi %sub3A_229, %add3A_230 : vector<16xi32>
    %swap3A_232 = arith.constant 160 : index
    %swap3A_233 = tpu.vector_load %arg9[%swap3A_232] {strides = array<i32>} : memref<256xi32, #tpu.memory_space<vmem>>, vector<16xi32>,
    tpu.vector_store %arg9[%swap3A_232], %add3A_231 {strides = array<i32>} : memref<256xi32, #tpu.memory_space<vmem>>, vector<16xi32>,
    %swap3A_234 = arith.constant 160 : index
    %swap3A_235 = tpu.vector_load %arg10[%swap3A_234] {strides = array<i32>} : memref<256xi32, #tpu.memory_space<vmem>>, vector<16xi32>,
    tpu.vector_store %arg10[%swap3A_234], %add3A_231 {strides = array<i32>} : memref<256xi32, #tpu.memory_space<vmem>>, vector<16xi32>,
    %reduce_sum3A_236 = arith.constant true
    %reduce_sum3A_237 = vector.broadcast %reduce_sum3A_236 : i1 to vector<16xi1>
    %reduce_sum3A_238 = tpu.scan <sum>, %get3A_225 masked %reduce_sum3A_237 : vector<16xi32>, vector<16xi1> -> vector<16xi32>
    %reduce_sum3A_239 = vector.extract %reduce_sum3A_238[15] : i32 from vector<16xi32>
    %add3A_240 = arith.addi %add3A_223, %reduce_sum3A_239 : i32
    %get3A_241 = arith.constant 176 : index
    %get3A_242 = tpu.vector_load %arg8[%get3A_241] {strides = array<i32>} : memref<256xi32, #tpu.memory_space<vmem>>, vector<16xi32>,
    %broadcast_in_dim3A_243 = arith.constant true
    %broadcast_in_dim3A_244 = vector.broadcast %broadcast_in_dim3A_243 : i1 to vector<16xi1>
    %masked_cumsum3A_245 = tpu.scan <sum>, %get3A_242 masked %broadcast_in_dim3A_244 : vector<16xi32>, vector<16xi1> -> vector<16xi32>
    %sub3A_246 = arith.subi %masked_cumsum3A_245, %get3A_242 : vector<16xi32>
    %add3A_247 = vector.broadcast %add3A_240 : i32 to vector<16xi32>
    %add3A_248 = arith.addi %sub3A_246, %add3A_247 : vector<16xi32>
    %swap3A_249 = arith.constant 176 : index
    %swap3A_250 = tpu.vector_load %arg9[%swap3A_249] {strides = array<i32>} : memref<256xi32, #tpu.memory_space<vmem>>, vector<16xi32>,
    tpu.vector_store %arg9[%swap3A_249], %add3A_248 {strides = array<i32>} : memref<256xi32, #tpu.memory_space<vmem>>, vector<16xi32>,
    %swap3A_251 = arith.constant 176 : index
    %swap3A_252 = tpu.vector_load %arg10[%swap3A_251] {strides = array<i32>} : memref<256xi32, #tpu.memory_space<vmem>>, vector<16xi32>,
    tpu.vector_store %arg10[%swap3A_251], %add3A_248 {strides = array<i32>} : memref<256xi32, #tpu.memory_space<vmem>>, vector<16xi32>,
    %reduce_sum3A_253 = arith.constant true
    %reduce_sum3A_254 = vector.broadcast %reduce_sum3A_253 : i1 to vector<16xi1>
    %reduce_sum3A_255 = tpu.scan <sum>, %get3A_242 masked %reduce_sum3A_254 : vector<16xi32>, vector<16xi1> -> vector<16xi32>
    %reduce_sum3A_256 = vector.extract %reduce_sum3A_255[15] : i32 from vector<16xi32>
    %add3A_257 = arith.addi %add3A_240, %reduce_sum3A_256 : i32
    %get3A_258 = arith.constant 192 : index
    %get3A_259 = tpu.vector_load %arg8[%get3A_258] {strides = array<i32>} : memref<256xi32, #tpu.memory_space<vmem>>, vector<16xi32>,
    %broadcast_in_dim3A_260 = arith.constant true
    %broadcast_in_dim3A_261 = vector.broadcast %broadcast_in_dim3A_260 : i1 to vector<16xi1>
    %masked_cumsum3A_262 = tpu.scan <sum>, %get3A_259 masked %broadcast_in_dim3A_261 : vector<16xi32>, vector<16xi1> -> vector<16xi32>
    %sub3A_263 = arith.subi %masked_cumsum3A_262, %get3A_259 : vector<16xi32>
    %add3A_264 = vector.broadcast %add3A_257 : i32 to vector<16xi32>
    %add3A_265 = arith.addi %sub3A_263, %add3A_264 : vector<16xi32>
    %swap3A_266 = arith.constant 192 : index
    %swap3A_267 = tpu.vector_load %arg9[%swap3A_266] {strides = array<i32>} : memref<256xi32, #tpu.memory_space<vmem>>, vector<16xi32>,
    tpu.vector_store %arg9[%swap3A_266], %add3A_265 {strides = array<i32>} : memref<256xi32, #tpu.memory_space<vmem>>, vector<16xi32>,
    %swap3A_268 = arith.constant 192 : index
    %swap3A_269 = tpu.vector_load %arg10[%swap3A_268] {strides = array<i32>} : memref<256xi32, #tpu.memory_space<vmem>>, vector<16xi32>,
    tpu.vector_store %arg10[%swap3A_268], %add3A_265 {strides = array<i32>} : memref<256xi32, #tpu.memory_space<vmem>>, vector<16xi32>,
    %reduce_sum3A_270 = arith.constant true
    %reduce_sum3A_271 = vector.broadcast %reduce_sum3A_270 : i1 to vector<16xi1>
    %reduce_sum3A_272 = tpu.scan <sum>, %get3A_259 masked %reduce_sum3A_271 : vector<16xi32>, vector<16xi1> -> vector<16xi32>
    %reduce_sum3A_273 = vector.extract %reduce_sum3A_272[15] : i32 from vector<16xi32>
    %add3A_274 = arith.addi %add3A_257, %reduce_sum3A_273 : i32
    %get3A_275 = arith.constant 208 : index
    %get3A_276 = tpu.vector_load %arg8[%get3A_275] {strides = array<i32>} : memref<256xi32, #tpu.memory_space<vmem>>, vector<16xi32>,
    %broadcast_in_dim3A_277 = arith.constant true
    %broadcast_in_dim3A_278 = vector.broadcast %broadcast_in_dim3A_277 : i1 to vector<16xi1>
    %masked_cumsum3A_279 = tpu.scan <sum>, %get3A_276 masked %broadcast_in_dim3A_278 : vector<16xi32>, vector<16xi1> -> vector<16xi32>
    %sub3A_280 = arith.subi %masked_cumsum3A_279, %get3A_276 : vector<16xi32>
    %add3A_281 = vector.broadcast %add3A_274 : i32 to vector<16xi32>
    %add3A_282 = arith.addi %sub3A_280, %add3A_281 : vector<16xi32>
    %swap3A_283 = arith.constant 208 : index
    %swap3A_284 = tpu.vector_load %arg9[%swap3A_283] {strides = array<i32>} : memref<256xi32, #tpu.memory_space<vmem>>, vector<16xi32>,
    tpu.vector_store %arg9[%swap3A_283], %add3A_282 {strides = array<i32>} : memref<256xi32, #tpu.memory_space<vmem>>, vector<16xi32>,
    %swap3A_285 = arith.constant 208 : index
    %swap3A_286 = tpu.vector_load %arg10[%swap3A_285] {strides = array<i32>} : memref<256xi32, #tpu.memory_space<vmem>>, vector<16xi32>,
    tpu.vector_store %arg10[%swap3A_285], %add3A_282 {strides = array<i32>} : memref<256xi32, #tpu.memory_space<vmem>>, vector<16xi32>,
    %reduce_sum3A_287 = arith.constant true
    %reduce_sum3A_288 = vector.broadcast %reduce_sum3A_287 : i1 to vector<16xi1>
    %reduce_sum3A_289 = tpu.scan <sum>, %get3A_276 masked %reduce_sum3A_288 : vector<16xi32>, vector<16xi1> -> vector<16xi32>
    %reduce_sum3A_290 = vector.extract %reduce_sum3A_289[15] : i32 from vector<16xi32>
    %add3A_291 = arith.addi %add3A_274, %reduce_sum3A_290 : i32
    %get3A_292 = arith.constant 224 : index
    %get3A_293 = tpu.vector_load %arg8[%get3A_292] {strides = array<i32>} : memref<256xi32, #tpu.memory_space<vmem>>, vector<16xi32>,
    %broadcast_in_dim3A_294 = arith.constant true
    %broadcast_in_dim3A_295 = vector.broadcast %broadcast_in_dim3A_294 : i1 to vector<16xi1>
    %masked_cumsum3A_296 = tpu.scan <sum>, %get3A_293 masked %broadcast_in_dim3A_295 : vector<16xi32>, vector<16xi1> -> vector<16xi32>
    %sub3A_297 = arith.subi %masked_cumsum3A_296, %get3A_293 : vector<16xi32>
    %add3A_298 = vector.broadcast %add3A_291 : i32 to vector<16xi32>
    %add3A_299 = arith.addi %sub3A_297, %add3A_298 : vector<16xi32>
    %swap3A_300 = arith.constant 224 : index
    %swap3A_301 = tpu.vector_load %arg9[%swap3A_300] {strides = array<i32>} : memref<256xi32, #tpu.memory_space<vmem>>, vector<16xi32>,
    tpu.vector_store %arg9[%swap3A_300], %add3A_299 {strides = array<i32>} : memref<256xi32, #tpu.memory_space<vmem>>, vector<16xi32>,
    %swap3A_302 = arith.constant 224 : index
    %swap3A_303 = tpu.vector_load %arg10[%swap3A_302] {strides = array<i32>} : memref<256xi32, #tpu.memory_space<vmem>>, vector<16xi32>,
    tpu.vector_store %arg10[%swap3A_302], %add3A_299 {strides = array<i32>} : memref<256xi32, #tpu.memory_space<vmem>>, vector<16xi32>,
    %reduce_sum3A_304 = arith.constant true
    %reduce_sum3A_305 = vector.broadcast %reduce_sum3A_304 : i1 to vector<16xi1>
    %reduce_sum3A_306 = tpu.scan <sum>, %get3A_293 masked %reduce_sum3A_305 : vector<16xi32>, vector<16xi1> -> vector<16xi32>
    %reduce_sum3A_307 = vector.extract %reduce_sum3A_306[15] : i32 from vector<16xi32>
    %add3A_308 = arith.addi %add3A_291, %reduce_sum3A_307 : i32
    %get3A_309 = arith.constant 240 : index
    %get3A_310 = tpu.vector_load %arg8[%get3A_309] {strides = array<i32>} : memref<256xi32, #tpu.memory_space<vmem>>, vector<16xi32>,
    %broadcast_in_dim3A_311 = arith.constant true
    %broadcast_in_dim3A_312 = vector.broadcast %broadcast_in_dim3A_311 : i1 to vector<16xi1>
    %masked_cumsum3A_313 = tpu.scan <sum>, %get3A_310 masked %broadcast_in_dim3A_312 : vector<16xi32>, vector<16xi1> -> vector<16xi32>
    %sub3A_314 = arith.subi %masked_cumsum3A_313, %get3A_310 : vector<16xi32>
    %add3A_315 = vector.broadcast %add3A_308 : i32 to vector<16xi32>
    %add3A_316 = arith.addi %sub3A_314, %add3A_315 : vector<16xi32>
    %swap3A_317 = arith.constant 240 : index
    %swap3A_318 = tpu.vector_load %arg9[%swap3A_317] {strides = array<i32>} : memref<256xi32, #tpu.memory_space<vmem>>, vector<16xi32>,
    tpu.vector_store %arg9[%swap3A_317], %add3A_316 {strides = array<i32>} : memref<256xi32, #tpu.memory_space<vmem>>, vector<16xi32>,
    %swap3A_319 = arith.constant 240 : index
    %swap3A_320 = tpu.vector_load %arg10[%swap3A_319] {strides = array<i32>} : memref<256xi32, #tpu.memory_space<vmem>>, vector<16xi32>,
    tpu.vector_store %arg10[%swap3A_319], %add3A_316 {strides = array<i32>} : memref<256xi32, #tpu.memory_space<vmem>>, vector<16xi32>,
    %reduce_sum3A_321 = arith.constant true
    %reduce_sum3A_322 = vector.broadcast %reduce_sum3A_321 : i1 to vector<16xi1>
    %reduce_sum3A_323 = tpu.scan <sum>, %get3A_310 masked %reduce_sum3A_322 : vector<16xi32>, vector<16xi1> -> vector<16xi32>
    %reduce_sum3A_324 = vector.extract %reduce_sum3A_323[15] : i32 from vector<16xi32>
    %add3A_325 = arith.addi %add3A_308, %reduce_sum3A_324 : i32
    %while3A_326 = arith.constant 0 : i32
    %while3A_327 = arith.constant 0 : i32
    %while3A_328 = arith.subi %scan3A_15, %while3A_327 : i32
    %while3A_329 = arith.addi %while3A_327, %while3A_328 : i32
    %while3A_330 = arith.constant 1 : i32
    %while3A_331 = arith.divsi %while3A_328, %while3A_330 : i32
    %while3A_332 = arith.muli %while3A_331, %while3A_330 : i32
    %while3A_333 = arith.addi %while3A_327, %while3A_332 : i32
    %while3A_334 = arith.constant 1 : i32
    scf.for %while3A_579 = %while3A_327 to %while3A_333 step %while3A_334  : i32 {
      %rem3A_580 = arith.constant 16 : i32
      %rem3A_581 = arith.remsi %while3A_579, %rem3A_580 : i32
      %sub3A_582 = arith.subi %while3A_579, %rem3A_581 : i32
      %multiple_of3A_583 = tpu.assume_multiple %sub3A_582, 16 : i32
      %get3A_584 = arith.index_cast %multiple_of3A_583 : i32 to index
      %get3A_585 = tpu.vector_load %arg6[%get3A_584] {strides = array<i32>} : memref<16400xi32, #tpu.memory_space<vmem>>, vector<16xi32>,
      %eq3A_586 = vector.broadcast %rem3A_581 : i32 to vector<16xi32>
      %eq3A_587 = arith.cmpi eq, %iota3A, %eq3A_586 : vector<16xi32>
      %jit3A_588 = arith.constant 0 : i32
      %broadcast_in_dim3A_589 = vector.broadcast %jit3A_588 : i32 to vector<16xi32>
      %select_n3A_590 = arith.select %eq3A_587, %get3A_585, %broadcast_in_dim3A_589 : vector<16xi1>, vector<16xi32>
      %reduce_sum3A_591 = arith.constant true
      %reduce_sum3A_592 = vector.broadcast %reduce_sum3A_591 : i1 to vector<16xi1>
      %reduce_sum3A_593 = tpu.scan <sum>, %select_n3A_590 masked %reduce_sum3A_592 : vector<16xi32>, vector<16xi1> -> vector<16xi32>
      %reduce_sum3A_594 = vector.extract %reduce_sum3A_593[15] : i32 from vector<16xi32>
      %add3A_595 = vector.broadcast %reduce_sum3A_594 : i32 to vector<16xi32>
      %add3A_596 = arith.addi %mul3A_10, %add3A_595 : vector<16xi32>
      %shift_right_logical3A = arith.constant 21 : i32
      %shift_right_logical3A_597 = vector.broadcast %shift_right_logical3A : i32 to vector<16xi32>
      %shift_right_logical3A_598 = arith.shrui %add3A_596, %shift_right_logical3A_597 : vector<16xi32>
      %gather3A = tpu.vector_load_idx %arg9[%shift_right_logical3A_598] : memref<256xi32, #tpu.memory_space<vmem>>[vector<16xi32>], vector<16xi32>,
      tpu.vector_store_idx %arg7[%gather3A], %add3A_596 masked %eq3A_7 : memref<16400xi32, #tpu.memory_space<vmem>>[vector<16xi32>], vector<16xi32>, vector<16xi1>
      %add3A_599 = arith.constant 1 : i32
      %add3A_600 = vector.broadcast %add3A_599 : i32 to vector<16xi32>
      %add3A_601 = arith.addi %gather3A, %add3A_600 : vector<16xi32>
      tpu.vector_store_idx %arg9[%shift_right_logical3A_598], %add3A_601 masked %eq3A_7 : memref<256xi32, #tpu.memory_space<vmem>>[vector<16xi32>], vector<16xi32>, vector<16xi1>
    }
    %while3A_335 = arith.constant 1 : i32
    scf.for %while3A_579 = %while3A_333 to %while3A_329 step %while3A_335  : i32 {
      %rem3A_580 = arith.constant 16 : i32
      %rem3A_581 = arith.remsi %while3A_579, %rem3A_580 : i32
      %sub3A_582 = arith.subi %while3A_579, %rem3A_581 : i32
      %multiple_of3A_583 = tpu.assume_multiple %sub3A_582, 16 : i32
      %get3A_584 = arith.index_cast %multiple_of3A_583 : i32 to index
      %get3A_585 = tpu.vector_load %arg6[%get3A_584] {strides = array<i32>} : memref<16400xi32, #tpu.memory_space<vmem>>, vector<16xi32>,
      %eq3A_586 = vector.broadcast %rem3A_581 : i32 to vector<16xi32>
      %eq3A_587 = arith.cmpi eq, %iota3A, %eq3A_586 : vector<16xi32>
      %jit3A_588 = arith.constant 0 : i32
      %broadcast_in_dim3A_589 = vector.broadcast %jit3A_588 : i32 to vector<16xi32>
      %select_n3A_590 = arith.select %eq3A_587, %get3A_585, %broadcast_in_dim3A_589 : vector<16xi1>, vector<16xi32>
      %reduce_sum3A_591 = arith.constant true
      %reduce_sum3A_592 = vector.broadcast %reduce_sum3A_591 : i1 to vector<16xi1>
      %reduce_sum3A_593 = tpu.scan <sum>, %select_n3A_590 masked %reduce_sum3A_592 : vector<16xi32>, vector<16xi1> -> vector<16xi32>
      %reduce_sum3A_594 = vector.extract %reduce_sum3A_593[15] : i32 from vector<16xi32>
      %add3A_595 = vector.broadcast %reduce_sum3A_594 : i32 to vector<16xi32>
      %add3A_596 = arith.addi %mul3A_10, %add3A_595 : vector<16xi32>
      %shift_right_logical3A = arith.constant 21 : i32
      %shift_right_logical3A_597 = vector.broadcast %shift_right_logical3A : i32 to vector<16xi32>
      %shift_right_logical3A_598 = arith.shrui %add3A_596, %shift_right_logical3A_597 : vector<16xi32>
      %gather3A = tpu.vector_load_idx %arg9[%shift_right_logical3A_598] : memref<256xi32, #tpu.memory_space<vmem>>[vector<16xi32>], vector<16xi32>,
      tpu.vector_store_idx %arg7[%gather3A], %add3A_596 masked %eq3A_7 : memref<16400xi32, #tpu.memory_space<vmem>>[vector<16xi32>], vector<16xi32>, vector<16xi1>
      %add3A_599 = arith.constant 1 : i32
      %add3A_600 = vector.broadcast %add3A_599 : i32 to vector<16xi32>
      %add3A_601 = arith.addi %gather3A, %add3A_600 : vector<16xi32>
      tpu.vector_store_idx %arg9[%shift_right_logical3A_598], %add3A_601 masked %eq3A_7 : memref<256xi32, #tpu.memory_space<vmem>>[vector<16xi32>], vector<16xi32>, vector<16xi1>
    }
    %rem3A = arith.constant 0 : i32
    %rem3A_336 = arith.constant 16 : i32
    %rem3A_337 = arith.remsi %rem3A, %rem3A_336 : i32
    %sub3A_338 = arith.constant 0 : i32
    %sub3A_339 = arith.subi %sub3A_338, %rem3A_337 : i32
    %multiple_of3A = tpu.assume_multiple %sub3A_339, 16 : i32
    %get3A_340 = arith.index_cast %multiple_of3A : i32 to index
    %get3A_341 = tpu.vector_load %arg10[%get3A_340] {strides = array<i32>} : memref<256xi32, #tpu.memory_space<vmem>>, vector<16xi32>,
    %eq3A_342 = vector.broadcast %rem3A_337 : i32 to vector<16xi32>
    %eq3A_343 = arith.cmpi eq, %iota3A, %eq3A_342 : vector<16xi32>
    %jit3A = arith.constant 0 : i32
    %broadcast_in_dim3A_344 = vector.broadcast %jit3A : i32 to vector<16xi32>
    %select_n3A = arith.select %eq3A_343, %get3A_341, %broadcast_in_dim3A_344 : vector<16xi1>, vector<16xi32>
    %reduce_sum3A_345 = arith.constant true
    %reduce_sum3A_346 = vector.broadcast %reduce_sum3A_345 : i1 to vector<16xi1>
    %reduce_sum3A_347 = tpu.scan <sum>, %select_n3A masked %reduce_sum3A_346 : vector<16xi32>, vector<16xi1> -> vector<16xi32>
    %reduce_sum3A_348 = vector.extract %reduce_sum3A_347[15] : i32 from vector<16xi32>
    %add3A_349 = vector.broadcast %reduce_sum3A_348 : i32 to vector<16xi32>
    %add3A_350 = arith.addi %mul3A_10, %add3A_349 : vector<16xi32>
    %rem3A_351 = arith.constant 2 : i32
    %rem3A_352 = arith.constant 16 : i32
    %rem3A_353 = arith.remsi %rem3A_351, %rem3A_352 : i32
    %sub3A_354 = arith.constant 2 : i32
    %sub3A_355 = arith.subi %sub3A_354, %rem3A_353 : i32
    %multiple_of3A_356 = tpu.assume_multiple %sub3A_355, 16 : i32
    %get3A_357 = arith.index_cast %multiple_of3A_356 : i32 to index
    %get3A_358 = tpu.vector_load %arg10[%get3A_357] {strides = array<i32>} : memref<256xi32, #tpu.memory_space<vmem>>, vector<16xi32>,
    %eq3A_359 = vector.broadcast %rem3A_353 : i32 to vector<16xi32>
    %eq3A_360 = arith.cmpi eq, %iota3A, %eq3A_359 : vector<16xi32>
    %jit3A_361 = arith.constant 0 : i32
    %broadcast_in_dim3A_362 = vector.broadcast %jit3A_361 : i32 to vector<16xi32>
    %select_n3A_363 = arith.select %eq3A_360, %get3A_358, %broadcast_in_dim3A_362 : vector<16xi1>, vector<16xi32>
    %reduce_sum3A_364 = arith.constant true
    %reduce_sum3A_365 = vector.broadcast %reduce_sum3A_364 : i1 to vector<16xi1>
    %reduce_sum3A_366 = tpu.scan <sum>, %select_n3A_363 masked %reduce_sum3A_365 : vector<16xi32>, vector<16xi1> -> vector<16xi32>
    %reduce_sum3A_367 = vector.extract %reduce_sum3A_366[15] : i32 from vector<16xi32>
    %add3A_368 = vector.broadcast %reduce_sum3A_367 : i32 to vector<16xi32>
    %add3A_369 = arith.addi %mul3A_10, %add3A_368 : vector<16xi32>
    %jit3A_370 = arith.constant 0 : i32
    %broadcast_in_dim3A_371 = vector.broadcast %jit3A_370 : i32 to vector<16xi32>
    %select_n3A_372 = arith.select %eq3A_7, %add3A_350, %broadcast_in_dim3A_371 : vector<16xi1>, vector<16xi32>
    %reduce_sum3A_373 = arith.constant true
    %reduce_sum3A_374 = vector.broadcast %reduce_sum3A_373 : i1 to vector<16xi1>
    %reduce_sum3A_375 = tpu.scan <sum>, %select_n3A_372 masked %reduce_sum3A_374 : vector<16xi32>, vector<16xi1> -> vector<16xi32>
    %reduce_sum3A_376 = vector.extract %reduce_sum3A_375[15] : i32 from vector<16xi32>
    %jit3A_377 = arith.constant 0 : i32
    %broadcast_in_dim3A_378 = vector.broadcast %jit3A_377 : i32 to vector<16xi32>
    %select_n3A_379 = arith.select %eq3A_7, %add3A_369, %broadcast_in_dim3A_378 : vector<16xi1>, vector<16xi32>
    %reduce_sum3A_380 = arith.constant true
    %reduce_sum3A_381 = vector.broadcast %reduce_sum3A_380 : i1 to vector<16xi1>
    %reduce_sum3A_382 = tpu.scan <sum>, %select_n3A_379 masked %reduce_sum3A_381 : vector<16xi32>, vector<16xi1> -> vector<16xi32>
    %reduce_sum3A_383 = vector.extract %reduce_sum3A_382[15] : i32 from vector<16xi32>
    %gt3A = arith.cmpi sgt, %reduce_sum3A_383, %reduce_sum3A_376 : i32
    %and3A = arith.constant true
    %and3A_384 = arith.andi %and3A, %gt3A : i1
    %convert_element_type3A = arith.extui %and3A_384 : i1 to i32
    %cond3A = arith.constant 0 : i32
    %cond3A_385 = arith.cmpi ne, %convert_element_type3A, %cond3A : i32
    scf.if %cond3A_385 {
      %add3A_579 = arith.constant 0 : i32
      %add3A_580 = arith.addi %mul3A_2, %add3A_579 : i32
      %min3A_581 = arith.constant 7811 : i32
      %min3A_582 = arith.minsi %add3A_580, %min3A_581 : i32
      %mul3A_583 = arith.constant 128 : i32
      %mul3A_584 = arith.muli %min3A_582, %mul3A_583 : i32
      %multiple_of3A_585 = tpu.assume_multiple %mul3A_584, 128 : i32
      %rem3A_586 = arith.constant 0 : i32
      %rem3A_587 = arith.constant 4 : i32
      %rem3A_588 = arith.remsi %rem3A_586, %rem3A_587 : i32
      %dma_start3A = arith.constant 0 : i32
      %dma_start3A_589 = arith.constant 0 : i32
      %dma_start3A_590 = tpu.memref_slice %arg11[%rem3A_588, %dma_start3A, %dma_start3A_589] : memref<4x64x256xf32, #tpu.memory_space<vmem>> -> memref<1x64x256xf32, #tpu.memory_space<vmem>>
      %dma_start3A_591 = tpu.memref_squeeze %dma_start3A_590 : memref<1x64x256xf32, #tpu.memory_space<vmem>> -> memref<64x256xf32, #tpu.memory_space<vmem>>
      %dma_start3A_592 = arith.constant 0 : i32
      %dma_start3A_593 = tpu.memref_slice %arg3[%dma_start3A_592, %multiple_of3A_585] : memref<64x1000000xf32, #tpu.memory_space<hbm>> -> memref<64x256xf32, #tpu.memory_space<hbm>>
      %dma_start3A_594 = tpu.memref_slice %arg13[%rem3A_588] : memref<4x!tpu.dma_semaphore, #tpu.memory_space<semaphore_mem>> -> memref<1x!tpu.dma_semaphore, #tpu.memory_space<semaphore_mem>>
      %dma_start3A_595 = tpu.memref_squeeze %dma_start3A_594 : memref<1x!tpu.dma_semaphore, #tpu.memory_space<semaphore_mem>> -> memref<!tpu.dma_semaphore, #tpu.memory_space<semaphore_mem>>
      %dma_start3A_596 = arith.constant 0 : i32
      %dma_start3A_597 = arith.constant 0 : i32
      %dma_start3A_598 = tpu.memref_slice %arg11[%rem3A_588, %dma_start3A_596, %dma_start3A_597] : memref<4x64x256xf32, #tpu.memory_space<vmem>> -> memref<1x64x256xf32, #tpu.memory_space<vmem>>
      %dma_start3A_599 = tpu.memref_squeeze %dma_start3A_598 : memref<1x64x256xf32, #tpu.memory_space<vmem>> -> memref<64x256xf32, #tpu.memory_space<vmem>>
      %dma_start3A_600 = arith.constant 0 : i32
      %dma_start3A_601 = tpu.memref_slice %arg3[%dma_start3A_600, %multiple_of3A_585] : memref<64x1000000xf32, #tpu.memory_space<hbm>> -> memref<64x256xf32, #tpu.memory_space<hbm>>
      tpu.enqueue_dma source(%dma_start3A_601 : memref<64x256xf32, #tpu.memory_space<hbm>>) target(%dma_start3A_599 : memref<64x256xf32, #tpu.memory_space<vmem>>) target_semaphore(%dma_start3A_595 : memref<!tpu.dma_semaphore, #tpu.memory_space<semaphore_mem>>)
    } else {
    }
    %rem3A_386 = arith.constant 2 : i32
    %rem3A_387 = arith.constant 16 : i32
    %rem3A_388 = arith.remsi %rem3A_386, %rem3A_387 : i32
    %sub3A_389 = arith.constant 2 : i32
    %sub3A_390 = arith.subi %sub3A_389, %rem3A_388 : i32
    %multiple_of3A_391 = tpu.assume_multiple %sub3A_390, 16 : i32
    %get3A_392 = arith.index_cast %multiple_of3A_391 : i32 to index
    %get3A_393 = tpu.vector_load %arg10[%get3A_392] {strides = array<i32>} : memref<256xi32, #tpu.memory_space<vmem>>, vector<16xi32>,
    %eq3A_394 = vector.broadcast %rem3A_388 : i32 to vector<16xi32>
    %eq3A_395 = arith.cmpi eq, %iota3A, %eq3A_394 : vector<16xi32>
    %jit3A_396 = arith.constant 0 : i32
    %broadcast_in_dim3A_397 = vector.broadcast %jit3A_396 : i32 to vector<16xi32>
    %select_n3A_398 = arith.select %eq3A_395, %get3A_393, %broadcast_in_dim3A_397 : vector<16xi1>, vector<16xi32>
    %reduce_sum3A_399 = arith.constant true
    %reduce_sum3A_400 = vector.broadcast %reduce_sum3A_399 : i1 to vector<16xi1>
    %reduce_sum3A_401 = tpu.scan <sum>, %select_n3A_398 masked %reduce_sum3A_400 : vector<16xi32>, vector<16xi1> -> vector<16xi32>
    %reduce_sum3A_402 = vector.extract %reduce_sum3A_401[15] : i32 from vector<16xi32>
    %add3A_403 = vector.broadcast %reduce_sum3A_402 : i32 to vector<16xi32>
    %add3A_404 = arith.addi %mul3A_10, %add3A_403 : vector<16xi32>
    %rem3A_405 = arith.constant 4 : i32
    %rem3A_406 = arith.constant 16 : i32
    %rem3A_407 = arith.remsi %rem3A_405, %rem3A_406 : i32
    %sub3A_408 = arith.constant 4 : i32
    %sub3A_409 = arith.subi %sub3A_408, %rem3A_407 : i32
    %multiple_of3A_410 = tpu.assume_multiple %sub3A_409, 16 : i32
    %get3A_411 = arith.index_cast %multiple_of3A_410 : i32 to index
    %get3A_412 = tpu.vector_load %arg10[%get3A_411] {strides = array<i32>} : memref<256xi32, #tpu.memory_space<vmem>>, vector<16xi32>,
    %eq3A_413 = vector.broadcast %rem3A_407 : i32 to vector<16xi32>
    %eq3A_414 = arith.cmpi eq, %iota3A, %eq3A_413 : vector<16xi32>
    %jit3A_415 = arith.constant 0 : i32
    %broadcast_in_dim3A_416 = vector.broadcast %jit3A_415 : i32 to vector<16xi32>
    %select_n3A_417 = arith.select %eq3A_414, %get3A_412, %broadcast_in_dim3A_416 : vector<16xi1>, vector<16xi32>
    %reduce_sum3A_418 = arith.constant true
    %reduce_sum3A_419 = vector.broadcast %reduce_sum3A_418 : i1 to vector<16xi1>
    %reduce_sum3A_420 = tpu.scan <sum>, %select_n3A_417 masked %reduce_sum3A_419 : vector<16xi32>, vector<16xi1> -> vector<16xi32>
    %reduce_sum3A_421 = vector.extract %reduce_sum3A_420[15] : i32 from vector<16xi32>
    %add3A_422 = vector.broadcast %reduce_sum3A_421 : i32 to vector<16xi32>
    %add3A_423 = arith.addi %mul3A_10, %add3A_422 : vector<16xi32>
    %jit3A_424 = arith.constant 0 : i32
    %broadcast_in_dim3A_425 = vector.broadcast %jit3A_424 : i32 to vector<16xi32>
    %select_n3A_426 = arith.select %eq3A_7, %add3A_404, %broadcast_in_dim3A_425 : vector<16xi1>, vector<16xi32>
    %reduce_sum3A_427 = arith.constant true
    %reduce_sum3A_428 = vector.broadcast %reduce_sum3A_427 : i1 to vector<16xi1>
    %reduce_sum3A_429 = tpu.scan <sum>, %select_n3A_426 masked %reduce_sum3A_428 : vector<16xi32>, vector<16xi1> -> vector<16xi32>
    %reduce_sum3A_430 = vector.extract %reduce_sum3A_429[15] : i32 from vector<16xi32>
    %jit3A_431 = arith.constant 0 : i32
    %broadcast_in_dim3A_432 = vector.broadcast %jit3A_431 : i32 to vector<16xi32>
    %select_n3A_433 = arith.select %eq3A_7, %add3A_423, %broadcast_in_dim3A_432 : vector<16xi1>, vector<16xi32>
    %reduce_sum3A_434 = arith.constant true
    %reduce_sum3A_435 = vector.broadcast %reduce_sum3A_434 : i1 to vector<16xi1>
    %reduce_sum3A_436 = tpu.scan <sum>, %select_n3A_433 masked %reduce_sum3A_435 : vector<16xi32>, vector<16xi1> -> vector<16xi32>
    %reduce_sum3A_437 = vector.extract %reduce_sum3A_436[15] : i32 from vector<16xi32>
    %gt3A_438 = arith.cmpi sgt, %reduce_sum3A_437, %reduce_sum3A_430 : i32
    %and3A_439 = arith.constant true
    %and3A_440 = arith.andi %and3A_439, %gt3A_438 : i1
    %convert_element_type3A_441 = arith.extui %and3A_440 : i1 to i32
    %cond3A_442 = arith.constant 0 : i32
    %cond3A_443 = arith.cmpi ne, %convert_element_type3A_441, %cond3A_442 : i32
    scf.if %cond3A_443 {
      %add3A_579 = arith.constant 2 : i32
      %add3A_580 = arith.addi %mul3A_2, %add3A_579 : i32
      %min3A_581 = arith.constant 7811 : i32
      %min3A_582 = arith.minsi %add3A_580, %min3A_581 : i32
      %mul3A_583 = arith.constant 128 : i32
      %mul3A_584 = arith.muli %min3A_582, %mul3A_583 : i32
      %multiple_of3A_585 = tpu.assume_multiple %mul3A_584, 128 : i32
      %rem3A_586 = arith.constant 1 : i32
      %rem3A_587 = arith.constant 4 : i32
      %rem3A_588 = arith.remsi %rem3A_586, %rem3A_587 : i32
      %dma_start3A = arith.constant 0 : i32
      %dma_start3A_589 = arith.constant 0 : i32
      %dma_start3A_590 = tpu.memref_slice %arg11[%rem3A_588, %dma_start3A, %dma_start3A_589] : memref<4x64x256xf32, #tpu.memory_space<vmem>> -> memref<1x64x256xf32, #tpu.memory_space<vmem>>
      %dma_start3A_591 = tpu.memref_squeeze %dma_start3A_590 : memref<1x64x256xf32, #tpu.memory_space<vmem>> -> memref<64x256xf32, #tpu.memory_space<vmem>>
      %dma_start3A_592 = arith.constant 0 : i32
      %dma_start3A_593 = tpu.memref_slice %arg3[%dma_start3A_592, %multiple_of3A_585] : memref<64x1000000xf32, #tpu.memory_space<hbm>> -> memref<64x256xf32, #tpu.memory_space<hbm>>
      %dma_start3A_594 = tpu.memref_slice %arg13[%rem3A_588] : memref<4x!tpu.dma_semaphore, #tpu.memory_space<semaphore_mem>> -> memref<1x!tpu.dma_semaphore, #tpu.memory_space<semaphore_mem>>
      %dma_start3A_595 = tpu.memref_squeeze %dma_start3A_594 : memref<1x!tpu.dma_semaphore, #tpu.memory_space<semaphore_mem>> -> memref<!tpu.dma_semaphore, #tpu.memory_space<semaphore_mem>>
      %dma_start3A_596 = arith.constant 0 : i32
      %dma_start3A_597 = arith.constant 0 : i32
      %dma_start3A_598 = tpu.memref_slice %arg11[%rem3A_588, %dma_start3A_596, %dma_start3A_597] : memref<4x64x256xf32, #tpu.memory_space<vmem>> -> memref<1x64x256xf32, #tpu.memory_space<vmem>>
      %dma_start3A_599 = tpu.memref_squeeze %dma_start3A_598 : memref<1x64x256xf32, #tpu.memory_space<vmem>> -> memref<64x256xf32, #tpu.memory_space<vmem>>
      %dma_start3A_600 = arith.constant 0 : i32
      %dma_start3A_601 = tpu.memref_slice %arg3[%dma_start3A_600, %multiple_of3A_585] : memref<64x1000000xf32, #tpu.memory_space<hbm>> -> memref<64x256xf32, #tpu.memory_space<hbm>>
      tpu.enqueue_dma source(%dma_start3A_601 : memref<64x256xf32, #tpu.memory_space<hbm>>) target(%dma_start3A_599 : memref<64x256xf32, #tpu.memory_space<vmem>>) target_semaphore(%dma_start3A_595 : memref<!tpu.dma_semaphore, #tpu.memory_space<semaphore_mem>>)
    } else {
    }
    %rem3A_444 = arith.constant 4 : i32
    %rem3A_445 = arith.constant 16 : i32
    %rem3A_446 = arith.remsi %rem3A_444, %rem3A_445 : i32
    %sub3A_447 = arith.constant 4 : i32
    %sub3A_448 = arith.subi %sub3A_447, %rem3A_446 : i32
    %multiple_of3A_449 = tpu.assume_multiple %sub3A_448, 16 : i32
    %get3A_450 = arith.index_cast %multiple_of3A_449 : i32 to index
    %get3A_451 = tpu.vector_load %arg10[%get3A_450] {strides = array<i32>} : memref<256xi32, #tpu.memory_space<vmem>>, vector<16xi32>,
    %eq3A_452 = vector.broadcast %rem3A_446 : i32 to vector<16xi32>
    %eq3A_453 = arith.cmpi eq, %iota3A, %eq3A_452 : vector<16xi32>
    %jit3A_454 = arith.constant 0 : i32
    %broadcast_in_dim3A_455 = vector.broadcast %jit3A_454 : i32 to vector<16xi32>
    %select_n3A_456 = arith.select %eq3A_453, %get3A_451, %broadcast_in_dim3A_455 : vector<16xi1>, vector<16xi32>
    %reduce_sum3A_457 = arith.constant true
    %reduce_sum3A_458 = vector.broadcast %reduce_sum3A_457 : i1 to vector<16xi1>
    %reduce_sum3A_459 = tpu.scan <sum>, %select_n3A_456 masked %reduce_sum3A_458 : vector<16xi32>, vector<16xi1> -> vector<16xi32>
    %reduce_sum3A_460 = vector.extract %reduce_sum3A_459[15] : i32 from vector<16xi32>
    %add3A_461 = vector.broadcast %reduce_sum3A_460 : i32 to vector<16xi32>
    %add3A_462 = arith.addi %mul3A_10, %add3A_461 : vector<16xi32>
    %rem3A_463 = arith.constant 6 : i32
    %rem3A_464 = arith.constant 16 : i32
    %rem3A_465 = arith.remsi %rem3A_463, %rem3A_464 : i32
    %sub3A_466 = arith.constant 6 : i32
    %sub3A_467 = arith.subi %sub3A_466, %rem3A_465 : i32
    %multiple_of3A_468 = tpu.assume_multiple %sub3A_467, 16 : i32
    %get3A_469 = arith.index_cast %multiple_of3A_468 : i32 to index
    %get3A_470 = tpu.vector_load %arg10[%get3A_469] {strides = array<i32>} : memref<256xi32, #tpu.memory_space<vmem>>, vector<16xi32>,
    %eq3A_471 = vector.broadcast %rem3A_465 : i32 to vector<16xi32>
    %eq3A_472 = arith.cmpi eq, %iota3A, %eq3A_471 : vector<16xi32>
    %jit3A_473 = arith.constant 0 : i32
    %broadcast_in_dim3A_474 = vector.broadcast %jit3A_473 : i32 to vector<16xi32>
    %select_n3A_475 = arith.select %eq3A_472, %get3A_470, %broadcast_in_dim3A_474 : vector<16xi1>, vector<16xi32>
    %reduce_sum3A_476 = arith.constant true
    %reduce_sum3A_477 = vector.broadcast %reduce_sum3A_476 : i1 to vector<16xi1>
    %reduce_sum3A_478 = tpu.scan <sum>, %select_n3A_475 masked %reduce_sum3A_477 : vector<16xi32>, vector<16xi1> -> vector<16xi32>
    %reduce_sum3A_479 = vector.extract %reduce_sum3A_478[15] : i32 from vector<16xi32>
    %add3A_480 = vector.broadcast %reduce_sum3A_479 : i32 to vector<16xi32>
    %add3A_481 = arith.addi %mul3A_10, %add3A_480 : vector<16xi32>
    %jit3A_482 = arith.constant 0 : i32
    %broadcast_in_dim3A_483 = vector.broadcast %jit3A_482 : i32 to vector<16xi32>
    %select_n3A_484 = arith.select %eq3A_7, %add3A_462, %broadcast_in_dim3A_483 : vector<16xi1>, vector<16xi32>
    %reduce_sum3A_485 = arith.constant true
    %reduce_sum3A_486 = vector.broadcast %reduce_sum3A_485 : i1 to vector<16xi1>
    %reduce_sum3A_487 = tpu.scan <sum>, %select_n3A_484 masked %reduce_sum3A_486 : vector<16xi32>, vector<16xi1> -> vector<16xi32>
    %reduce_sum3A_488 = vector.extract %reduce_sum3A_487[15] : i32 from vector<16xi32>
    %jit3A_489 = arith.constant 0 : i32
    %broadcast_in_dim3A_490 = vector.broadcast %jit3A_489 : i32 to vector<16xi32>
    %select_n3A_491 = arith.select %eq3A_7, %add3A_481, %broadcast_in_dim3A_490 : vector<16xi1>, vector<16xi32>
    %reduce_sum3A_492 = arith.constant true
    %reduce_sum3A_493 = vector.broadcast %reduce_sum3A_492 : i1 to vector<16xi1>
    %reduce_sum3A_494 = tpu.scan <sum>, %select_n3A_491 masked %reduce_sum3A_493 : vector<16xi32>, vector<16xi1> -> vector<16xi32>
    %reduce_sum3A_495 = vector.extract %reduce_sum3A_494[15] : i32 from vector<16xi32>
    %gt3A_496 = arith.cmpi sgt, %reduce_sum3A_495, %reduce_sum3A_488 : i32
    %and3A_497 = arith.constant true
    %and3A_498 = arith.andi %and3A_497, %gt3A_496 : i1
    %convert_element_type3A_499 = arith.extui %and3A_498 : i1 to i32
    %cond3A_500 = arith.constant 0 : i32
    %cond3A_501 = arith.cmpi ne, %convert_element_type3A_499, %cond3A_500 : i32
    scf.if %cond3A_501 {
      %add3A_579 = arith.constant 4 : i32
      %add3A_580 = arith.addi %mul3A_2, %add3A_579 : i32
      %min3A_581 = arith.constant 7811 : i32
      %min3A_582 = arith.minsi %add3A_580, %min3A_581 : i32
      %mul3A_583 = arith.constant 128 : i32
      %mul3A_584 = arith.muli %min3A_582, %mul3A_583 : i32
      %multiple_of3A_585 = tpu.assume_multiple %mul3A_584, 128 : i32
      %rem3A_586 = arith.constant 2 : i32
      %rem3A_587 = arith.constant 4 : i32
      %rem3A_588 = arith.remsi %rem3A_586, %rem3A_587 : i32
      %dma_start3A = arith.constant 0 : i32
      %dma_start3A_589 = arith.constant 0 : i32
      %dma_start3A_590 = tpu.memref_slice %arg11[%rem3A_588, %dma_start3A, %dma_start3A_589] : memref<4x64x256xf32, #tpu.memory_space<vmem>> -> memref<1x64x256xf32, #tpu.memory_space<vmem>>
      %dma_start3A_591 = tpu.memref_squeeze %dma_start3A_590 : memref<1x64x256xf32, #tpu.memory_space<vmem>> -> memref<64x256xf32, #tpu.memory_space<vmem>>
      %dma_start3A_592 = arith.constant 0 : i32
      %dma_start3A_593 = tpu.memref_slice %arg3[%dma_start3A_592, %multiple_of3A_585] : memref<64x1000000xf32, #tpu.memory_space<hbm>> -> memref<64x256xf32, #tpu.memory_space<hbm>>
      %dma_start3A_594 = tpu.memref_slice %arg13[%rem3A_588] : memref<4x!tpu.dma_semaphore, #tpu.memory_space<semaphore_mem>> -> memref<1x!tpu.dma_semaphore, #tpu.memory_space<semaphore_mem>>
      %dma_start3A_595 = tpu.memref_squeeze %dma_start3A_594 : memref<1x!tpu.dma_semaphore, #tpu.memory_space<semaphore_mem>> -> memref<!tpu.dma_semaphore, #tpu.memory_space<semaphore_mem>>
      %dma_start3A_596 = arith.constant 0 : i32
      %dma_start3A_597 = arith.constant 0 : i32
      %dma_start3A_598 = tpu.memref_slice %arg11[%rem3A_588, %dma_start3A_596, %dma_start3A_597] : memref<4x64x256xf32, #tpu.memory_space<vmem>> -> memref<1x64x256xf32, #tpu.memory_space<vmem>>
      %dma_start3A_599 = tpu.memref_squeeze %dma_start3A_598 : memref<1x64x256xf32, #tpu.memory_space<vmem>> -> memref<64x256xf32, #tpu.memory_space<vmem>>
      %dma_start3A_600 = arith.constant 0 : i32
      %dma_start3A_601 = tpu.memref_slice %arg3[%dma_start3A_600, %multiple_of3A_585] : memref<64x1000000xf32, #tpu.memory_space<hbm>> -> memref<64x256xf32, #tpu.memory_space<hbm>>
      tpu.enqueue_dma source(%dma_start3A_601 : memref<64x256xf32, #tpu.memory_space<hbm>>) target(%dma_start3A_599 : memref<64x256xf32, #tpu.memory_space<vmem>>) target_semaphore(%dma_start3A_595 : memref<!tpu.dma_semaphore, #tpu.memory_space<semaphore_mem>>)
    } else {
    }
    %scan3A_502 = arith.constant 0 : i32
    %scan3A_503 = arith.constant 0 : i32
    %scan3A_504 = arith.constant 123 : i32
    %scan3A_505 = arith.addi %scan3A_503, %scan3A_504 : i32
    %scan3A_506 = arith.constant 1 : i32
    scf.for %scan3A_579 = %scan3A_503 to %scan3A_505 step %scan3A_506  : i32 {
      %add3A_580 = arith.constant 4 : i32
      %add3A_581 = arith.addi %scan3A_579, %add3A_580 : i32
      %sub3A_582 = arith.constant 1 : i32
      %sub3A_583 = arith.subi %add3A_581, %sub3A_582 : i32
      %mul3A_584 = arith.constant 2 : i32
      %mul3A_585 = arith.muli %sub3A_583, %mul3A_584 : i32
      %rem3A_586 = arith.constant 16 : i32
      %rem3A_587 = arith.remsi %mul3A_585, %rem3A_586 : i32
      %sub3A_588 = arith.subi %mul3A_585, %rem3A_587 : i32
      %multiple_of3A_589 = tpu.assume_multiple %sub3A_588, 16 : i32
      %get3A_590 = arith.index_cast %multiple_of3A_589 : i32 to index
      %get3A_591 = tpu.vector_load %arg10[%get3A_590] {strides = array<i32>} : memref<256xi32, #tpu.memory_space<vmem>>, vector<16xi32>,
      %eq3A_592 = vector.broadcast %rem3A_587 : i32 to vector<16xi32>
      %eq3A_593 = arith.cmpi eq, %iota3A, %eq3A_592 : vector<16xi32>
      %jit3A_594 = arith.constant 0 : i32
      %broadcast_in_dim3A_595 = vector.broadcast %jit3A_594 : i32 to vector<16xi32>
      %select_n3A_596 = arith.select %eq3A_593, %get3A_591, %broadcast_in_dim3A_595 : vector<16xi1>, vector<16xi32>
      %reduce_sum3A_597 = arith.constant true
      %reduce_sum3A_598 = vector.broadcast %reduce_sum3A_597 : i1 to vector<16xi1>
      %reduce_sum3A_599 = tpu.scan <sum>, %select_n3A_596 masked %reduce_sum3A_598 : vector<16xi32>, vector<16xi1> -> vector<16xi32>
      %reduce_sum3A_600 = vector.extract %reduce_sum3A_599[15] : i32 from vector<16xi32>
      %add3A_601 = vector.broadcast %reduce_sum3A_600 : i32 to vector<16xi32>
      %add3A_602 = arith.addi %mul3A_10, %add3A_601 : vector<16xi32>
      %mul3A_603 = arith.constant 2 : i32
      %mul3A_604 = arith.muli %sub3A_583, %mul3A_603 : i32
      %add3A_605 = arith.constant 2 : i32
      %add3A_606 = arith.addi %mul3A_604, %add3A_605 : i32
      %rem3A_607 = arith.constant 16 : i32
      %rem3A_608 = arith.remsi %add3A_606, %rem3A_607 : i32
      %sub3A_609 = arith.subi %add3A_606, %rem3A_608 : i32
      %multiple_of3A_610 = tpu.assume_multiple %sub3A_609, 16 : i32
      %get3A_611 = arith.index_cast %multiple_of3A_610 : i32 to index
      %get3A_612 = tpu.vector_load %arg10[%get3A_611] {strides = array<i32>} : memref<256xi32, #tpu.memory_space<vmem>>, vector<16xi32>,
      %eq3A_613 = vector.broadcast %rem3A_608 : i32 to vector<16xi32>
      %eq3A_614 = arith.cmpi eq, %iota3A, %eq3A_613 : vector<16xi32>
      %jit3A_615 = arith.constant 0 : i32
      %broadcast_in_dim3A_616 = vector.broadcast %jit3A_615 : i32 to vector<16xi32>
      %select_n3A_617 = arith.select %eq3A_614, %get3A_612, %broadcast_in_dim3A_616 : vector<16xi1>, vector<16xi32>
      %reduce_sum3A_618 = arith.constant true
      %reduce_sum3A_619 = vector.broadcast %reduce_sum3A_618 : i1 to vector<16xi1>
      %reduce_sum3A_620 = tpu.scan <sum>, %select_n3A_617 masked %reduce_sum3A_619 : vector<16xi32>, vector<16xi1> -> vector<16xi32>
      %reduce_sum3A_621 = vector.extract %reduce_sum3A_620[15] : i32 from vector<16xi32>
      %add3A_622 = vector.broadcast %reduce_sum3A_621 : i32 to vector<16xi32>
      %add3A_623 = arith.addi %mul3A_10, %add3A_622 : vector<16xi32>
      %jit3A_624 = arith.constant 0 : i32
      %broadcast_in_dim3A_625 = vector.broadcast %jit3A_624 : i32 to vector<16xi32>
      %select_n3A_626 = arith.select %eq3A_7, %add3A_602, %broadcast_in_dim3A_625 : vector<16xi1>, vector<16xi32>
      %reduce_sum3A_627 = arith.constant true
      %reduce_sum3A_628 = vector.broadcast %reduce_sum3A_627 : i1 to vector<16xi1>
      %reduce_sum3A_629 = tpu.scan <sum>, %select_n3A_626 masked %reduce_sum3A_628 : vector<16xi32>, vector<16xi1> -> vector<16xi32>
      %reduce_sum3A_630 = vector.extract %reduce_sum3A_629[15] : i32 from vector<16xi32>
      %jit3A_631 = arith.constant 0 : i32
      %broadcast_in_dim3A_632 = vector.broadcast %jit3A_631 : i32 to vector<16xi32>
      %select_n3A_633 = arith.select %eq3A_7, %add3A_623, %broadcast_in_dim3A_632 : vector<16xi1>, vector<16xi32>
      %reduce_sum3A_634 = arith.constant true
      %reduce_sum3A_635 = vector.broadcast %reduce_sum3A_634 : i1 to vector<16xi1>
      %reduce_sum3A_636 = tpu.scan <sum>, %select_n3A_633 masked %reduce_sum3A_635 : vector<16xi32>, vector<16xi1> -> vector<16xi32>
      %reduce_sum3A_637 = vector.extract %reduce_sum3A_636[15] : i32 from vector<16xi32>
      %lt3A = arith.constant 123 : i32
      %lt3A_638 = arith.cmpi slt, %sub3A_583, %lt3A : i32
      %gt3A_639 = arith.cmpi sgt, %reduce_sum3A_637, %reduce_sum3A_630 : i32
      %and3A_640 = arith.andi %lt3A_638, %gt3A_639 : i1
      %convert_element_type3A_641 = arith.extui %and3A_640 : i1 to i32
      %cond3A_642 = arith.constant 0 : i32
      %cond3A_643 = arith.cmpi ne, %convert_element_type3A_641, %cond3A_642 : i32
      scf.if %cond3A_643 {
        %add3A_702 = arith.constant 4 : i32
        %add3A_703 = arith.addi %scan3A_579, %add3A_702 : i32
        %sub3A_704 = arith.constant 1 : i32
        %sub3A_705 = arith.subi %add3A_703, %sub3A_704 : i32
        %mul3A_706 = arith.constant 2 : i32
        %mul3A_707 = arith.muli %sub3A_705, %mul3A_706 : i32
        %add3A_708 = arith.addi %mul3A_2, %mul3A_707 : i32
        %min3A_709 = arith.constant 7811 : i32
        %min3A_710 = arith.minsi %add3A_708, %min3A_709 : i32
        %mul3A_711 = arith.constant 128 : i32
        %mul3A_712 = arith.muli %min3A_710, %mul3A_711 : i32
        %multiple_of3A_713 = tpu.assume_multiple %mul3A_712, 128 : i32
        %rem3A_714 = arith.constant 4 : i32
        %rem3A_715 = arith.remsi %sub3A_705, %rem3A_714 : i32
        %dma_start3A = arith.constant 0 : i32
        %dma_start3A_716 = arith.constant 0 : i32
        %dma_start3A_717 = tpu.memref_slice %arg11[%rem3A_715, %dma_start3A, %dma_start3A_716] : memref<4x64x256xf32, #tpu.memory_space<vmem>> -> memref<1x64x256xf32, #tpu.memory_space<vmem>>
        %dma_start3A_718 = tpu.memref_squeeze %dma_start3A_717 : memref<1x64x256xf32, #tpu.memory_space<vmem>> -> memref<64x256xf32, #tpu.memory_space<vmem>>
        %dma_start3A_719 = arith.constant 0 : i32
        %dma_start3A_720 = tpu.memref_slice %arg3[%dma_start3A_719, %multiple_of3A_713] : memref<64x1000000xf32, #tpu.memory_space<hbm>> -> memref<64x256xf32, #tpu.memory_space<hbm>>
        %dma_start3A_721 = tpu.memref_slice %arg13[%rem3A_715] : memref<4x!tpu.dma_semaphore, #tpu.memory_space<semaphore_mem>> -> memref<1x!tpu.dma_semaphore, #tpu.memory_space<semaphore_mem>>
        %dma_start3A_722 = tpu.memref_squeeze %dma_start3A_721 : memref<1x!tpu.dma_semaphore, #tpu.memory_space<semaphore_mem>> -> memref<!tpu.dma_semaphore, #tpu.memory_space<semaphore_mem>>
        %dma_start3A_723 = arith.constant 0 : i32
        %dma_start3A_724 = arith.constant 0 : i32
        %dma_start3A_725 = tpu.memref_slice %arg11[%rem3A_715, %dma_start3A_723, %dma_start3A_724] : memref<4x64x256xf32, #tpu.memory_space<vmem>> -> memref<1x64x256xf32, #tpu.memory_space<vmem>>
        %dma_start3A_726 = tpu.memref_squeeze %dma_start3A_725 : memref<1x64x256xf32, #tpu.memory_space<vmem>> -> memref<64x256xf32, #tpu.memory_space<vmem>>
        %dma_start3A_727 = arith.constant 0 : i32
        %dma_start3A_728 = tpu.memref_slice %arg3[%dma_start3A_727, %multiple_of3A_713] : memref<64x1000000xf32, #tpu.memory_space<hbm>> -> memref<64x256xf32, #tpu.memory_space<hbm>>
        tpu.enqueue_dma source(%dma_start3A_728 : memref<64x256xf32, #tpu.memory_space<hbm>>) target(%dma_start3A_726 : memref<64x256xf32, #tpu.memory_space<vmem>>) target_semaphore(%dma_start3A_722 : memref<!tpu.dma_semaphore, #tpu.memory_space<semaphore_mem>>)
      } else {
      }
      %mul3A_644 = arith.constant 2 : i32
      %mul3A_645 = arith.muli %scan3A_579, %mul3A_644 : i32
      %rem3A_646 = arith.constant 16 : i32
      %rem3A_647 = arith.remsi %mul3A_645, %rem3A_646 : i32
      %sub3A_648 = arith.subi %mul3A_645, %rem3A_647 : i32
      %multiple_of3A_649 = tpu.assume_multiple %sub3A_648, 16 : i32
      %get3A_650 = arith.index_cast %multiple_of3A_649 : i32 to index
      %get3A_651 = tpu.vector_load %arg10[%get3A_650] {strides = array<i32>} : memref<256xi32, #tpu.memory_space<vmem>>, vector<16xi32>,
      %eq3A_652 = vector.broadcast %rem3A_647 : i32 to vector<16xi32>
      %eq3A_653 = arith.cmpi eq, %iota3A, %eq3A_652 : vector<16xi32>
      %jit3A_654 = arith.constant 0 : i32
      %broadcast_in_dim3A_655 = vector.broadcast %jit3A_654 : i32 to vector<16xi32>
      %select_n3A_656 = arith.select %eq3A_653, %get3A_651, %broadcast_in_dim3A_655 : vector<16xi1>, vector<16xi32>
      %reduce_sum3A_657 = arith.constant true
      %reduce_sum3A_658 = vector.broadcast %reduce_sum3A_657 : i1 to vector<16xi1>
      %reduce_sum3A_659 = tpu.scan <sum>, %select_n3A_656 masked %reduce_sum3A_658 : vector<16xi32>, vector<16xi1> -> vector<16xi32>
      %reduce_sum3A_660 = vector.extract %reduce_sum3A_659[15] : i32 from vector<16xi32>
      %add3A_661 = vector.broadcast %reduce_sum3A_660 : i32 to vector<16xi32>
      %add3A_662 = arith.addi %mul3A_10, %add3A_661 : vector<16xi32>
      %mul3A_663 = arith.constant 2 : i32
      %mul3A_664 = arith.muli %scan3A_579, %mul3A_663 : i32
      %add3A_665 = arith.constant 2 : i32
      %add3A_666 = arith.addi %mul3A_664, %add3A_665 : i32
      %rem3A_667 = arith.constant 16 : i32
      %rem3A_668 = arith.remsi %add3A_666, %rem3A_667 : i32
      %sub3A_669 = arith.subi %add3A_666, %rem3A_668 : i32
      %multiple_of3A_670 = tpu.assume_multiple %sub3A_669, 16 : i32
      %get3A_671 = arith.index_cast %multiple_of3A_670 : i32 to index
      %get3A_672 = tpu.vector_load %arg10[%get3A_671] {strides = array<i32>} : memref<256xi32, #tpu.memory_space<vmem>>, vector<16xi32>,
      %eq3A_673 = vector.broadcast %rem3A_668 : i32 to vector<16xi32>
      %eq3A_674 = arith.cmpi eq, %iota3A, %eq3A_673 : vector<16xi32>
      %jit3A_675 = arith.constant 0 : i32
      %broadcast_in_dim3A_676 = vector.broadcast %jit3A_675 : i32 to vector<16xi32>
      %select_n3A_677 = arith.select %eq3A_674, %get3A_672, %broadcast_in_dim3A_676 : vector<16xi1>, vector<16xi32>
      %reduce_sum3A_678 = arith.constant true
      %reduce_sum3A_679 = vector.broadcast %reduce_sum3A_678 : i1 to vector<16xi1>
      %reduce_sum3A_680 = tpu.scan <sum>, %select_n3A_677 masked %reduce_sum3A_679 : vector<16xi32>, vector<16xi1> -> vector<16xi32>
      %reduce_sum3A_681 = vector.extract %reduce_sum3A_680[15] : i32 from vector<16xi32>
      %add3A_682 = vector.broadcast %reduce_sum3A_681 : i32 to vector<16xi32>
      %add3A_683 = arith.addi %mul3A_10, %add3A_682 : vector<16xi32>
      %jit3A_684 = arith.constant 0 : i32
      %broadcast_in_dim3A_685 = vector.broadcast %jit3A_684 : i32 to vector<16xi32>
      %select_n3A_686 = arith.select %eq3A_7, %add3A_662, %broadcast_in_dim3A_685 : vector<16xi1>, vector<16xi32>
      %reduce_sum3A_687 = arith.constant true
      %reduce_sum3A_688 = vector.broadcast %reduce_sum3A_687 : i1 to vector<16xi1>
      %reduce_sum3A_689 = tpu.scan <sum>, %select_n3A_686 masked %reduce_sum3A_688 : vector<16xi32>, vector<16xi1> -> vector<16xi32>
      %reduce_sum3A_690 = vector.extract %reduce_sum3A_689[15] : i32 from vector<16xi32>
      %jit3A_691 = arith.constant 0 : i32
      %broadcast_in_dim3A_692 = vector.broadcast %jit3A_691 : i32 to vector<16xi32>
      %select_n3A_693 = arith.select %eq3A_7, %add3A_683, %broadcast_in_dim3A_692 : vector<16xi1>, vector<16xi32>
      %reduce_sum3A_694 = arith.constant true
      %reduce_sum3A_695 = vector.broadcast %reduce_sum3A_694 : i1 to vector<16xi1>
      %reduce_sum3A_696 = tpu.scan <sum>, %select_n3A_693 masked %reduce_sum3A_695 : vector<16xi32>, vector<16xi1> -> vector<16xi32>
      %reduce_sum3A_697 = vector.extract %reduce_sum3A_696[15] : i32 from vector<16xi32>
      %gt3A_698 = arith.cmpi sgt, %reduce_sum3A_697, %reduce_sum3A_690 : i32
      %convert_element_type3A_699 = arith.extui %gt3A_698 : i1 to i32
      %cond3A_700 = arith.constant 0 : i32
      %cond3A_701 = arith.cmpi ne, %convert_element_type3A_699, %cond3A_700 : i32
      scf.if %cond3A_701 {
        %rem3A_702 = arith.constant 4 : i32
        %rem3A_703 = arith.remsi %scan3A_579, %rem3A_702 : i32
        %dma_wait3A = arith.constant 0 : i32
        %dma_wait3A_704 = arith.constant 0 : i32
        %dma_wait3A_705 = tpu.memref_slice %arg11[%rem3A_703, %dma_wait3A, %dma_wait3A_704] : memref<4x64x256xf32, #tpu.memory_space<vmem>> -> memref<1x64x256xf32, #tpu.memory_space<vmem>>
        %dma_wait3A_706 = tpu.memref_squeeze %dma_wait3A_705 : memref<1x64x256xf32, #tpu.memory_space<vmem>> -> memref<64x256xf32, #tpu.memory_space<vmem>>
        %dma_wait3A_707 = arith.constant 0 : i32
        %dma_wait3A_708 = arith.constant 0 : i32
        %dma_wait3A_709 = tpu.memref_slice %arg3[%dma_wait3A_707, %dma_wait3A_708] : memref<64x1000000xf32, #tpu.memory_space<hbm>> -> memref<64x256xf32, #tpu.memory_space<hbm>>
        %dma_wait3A_710 = tpu.memref_slice %arg13[%rem3A_703] : memref<4x!tpu.dma_semaphore, #tpu.memory_space<semaphore_mem>> -> memref<1x!tpu.dma_semaphore, #tpu.memory_space<semaphore_mem>>
        %dma_wait3A_711 = tpu.memref_squeeze %dma_wait3A_710 : memref<1x!tpu.dma_semaphore, #tpu.memory_space<semaphore_mem>> -> memref<!tpu.dma_semaphore, #tpu.memory_space<semaphore_mem>>
        %dma_wait3A_712 = arith.constant 0 : i32
        %dma_wait3A_713 = arith.constant 0 : i32
        %dma_wait3A_714 = tpu.memref_slice %arg11[%rem3A_703, %dma_wait3A_712, %dma_wait3A_713] : memref<4x64x256xf32, #tpu.memory_space<vmem>> -> memref<1x64x256xf32, #tpu.memory_space<vmem>>
        %dma_wait3A_715 = tpu.memref_squeeze %dma_wait3A_714 : memref<1x64x256xf32, #tpu.memory_space<vmem>> -> memref<64x256xf32, #tpu.memory_space<vmem>>
        %dma_wait3A_716 = arith.constant 0 : i32
        %dma_wait3A_717 = arith.constant 0 : i32
        %dma_wait3A_718 = tpu.memref_slice %arg3[%dma_wait3A_716, %dma_wait3A_717] : memref<64x1000000xf32, #tpu.memory_space<hbm>> -> memref<64x256xf32, #tpu.memory_space<hbm>>
        tpu.wait_dma2 semaphore(%dma_wait3A_711 : memref<!tpu.dma_semaphore, #tpu.memory_space<semaphore_mem>>) src(%dma_wait3A_718 : memref<64x256xf32, #tpu.memory_space<hbm>>) dst(%dma_wait3A_715 : memref<64x256xf32, #tpu.memory_space<vmem>>)
        %mul3A_719 = arith.constant 2 : i32
        %mul3A_720 = arith.muli %scan3A_579, %mul3A_719 : i32
        %add3A_721 = arith.addi %mul3A_2, %mul3A_720 : i32
        %min3A_722 = arith.constant 7811 : i32
        %min3A_723 = arith.minsi %add3A_721, %min3A_722 : i32
        %sub3A_724 = arith.subi %mul3A_2, %min3A_723 : i32
        %shift_left3A = arith.constant 7 : i32
        %shift_left3A_725 = arith.shli %sub3A_724, %shift_left3A : i32
        %add3A_726 = vector.broadcast %shift_left3A_725 : i32 to vector<16xi32>
        %add3A_727 = arith.addi %mul3A_10, %add3A_726 : vector<16xi32>
        %while3A_728 = arith.constant 0 : i32
        %while3A_729 = arith.subi %reduce_sum3A_697, %reduce_sum3A_690 : i32
        %while3A_730 = arith.addi %reduce_sum3A_690, %while3A_729 : i32
        %while3A_731 = arith.constant 1 : i32
        %while3A_732 = arith.divsi %while3A_729, %while3A_731 : i32
        %while3A_733 = arith.muli %while3A_732, %while3A_731 : i32
        %while3A_734 = arith.addi %reduce_sum3A_690, %while3A_733 : i32
        %while3A_735 = arith.constant 1 : i32
        scf.for %while3A_737 = %reduce_sum3A_690 to %while3A_734 step %while3A_735  : i32 {
          %rem3A_738 = arith.constant 16 : i32
          %rem3A_739 = arith.remsi %while3A_737, %rem3A_738 : i32
          %sub3A_740 = arith.subi %while3A_737, %rem3A_739 : i32
          %multiple_of3A_741 = tpu.assume_multiple %sub3A_740, 16 : i32
          %get3A_742 = arith.index_cast %multiple_of3A_741 : i32 to index
          %get3A_743 = tpu.vector_load %arg7[%get3A_742] {strides = array<i32>} : memref<16400xi32, #tpu.memory_space<vmem>>, vector<16xi32>,
          %eq3A_744 = vector.broadcast %rem3A_739 : i32 to vector<16xi32>
          %eq3A_745 = arith.cmpi eq, %iota3A, %eq3A_744 : vector<16xi32>
          %jit3A_746 = arith.constant 0 : i32
          %broadcast_in_dim3A_747 = vector.broadcast %jit3A_746 : i32 to vector<16xi32>
          %select_n3A_748 = arith.select %eq3A_745, %get3A_743, %broadcast_in_dim3A_747 : vector<16xi1>, vector<16xi32>
          %reduce_sum3A_749 = arith.constant true
          %reduce_sum3A_750 = vector.broadcast %reduce_sum3A_749 : i1 to vector<16xi1>
          %reduce_sum3A_751 = tpu.scan <sum>, %select_n3A_748 masked %reduce_sum3A_750 : vector<16xi32>, vector<16xi1> -> vector<16xi32>
          %reduce_sum3A_752 = vector.extract %reduce_sum3A_751[15] : i32 from vector<16xi32>
          %add3A_753 = vector.broadcast %reduce_sum3A_752 : i32 to vector<16xi32>
          %add3A_754 = arith.addi %mul3A_10, %add3A_753 : vector<16xi32>
          %shift_right_logical3A = arith.constant 14 : i32
          %shift_right_logical3A_755 = vector.broadcast %shift_right_logical3A : i32 to vector<16xi32>
          %shift_right_logical3A_756 = arith.shrui %add3A_754, %shift_right_logical3A_755 : vector<16xi32>
          %add3A_757 = arith.addi %shift_right_logical3A_756, %add3A_727 : vector<16xi32>
          %and3A_758 = arith.constant 16383 : i32
          %and3A_759 = vector.broadcast %and3A_758 : i32 to vector<16xi32>
          %and3A_760 = arith.andi %add3A_754, %and3A_759 : vector<16xi32>
          %jit3A_761 = arith.constant 0 : i32
          %broadcast_in_dim3A_762 = vector.broadcast %jit3A_761 : i32 to vector<16xi32>
          %select_n3A_763 = arith.select %eq3A_7, %and3A_760, %broadcast_in_dim3A_762 : vector<16xi1>, vector<16xi32>
          %reduce_sum3A_764 = arith.constant true
          %reduce_sum3A_765 = vector.broadcast %reduce_sum3A_764 : i1 to vector<16xi1>
          %reduce_sum3A_766 = tpu.scan <sum>, %select_n3A_763 masked %reduce_sum3A_765 : vector<16xi32>, vector<16xi1> -> vector<16xi32>
          %reduce_sum3A_767 = vector.extract %reduce_sum3A_766[15] : i32 from vector<16xi32>
          %rem3A_768 = arith.constant 8 : i32
          %rem3A_769 = arith.remsi %while3A_737, %rem3A_768 : i32
          %ge3A_770 = arith.constant 8 : i32
          %ge3A_771 = arith.cmpi sge, %while3A_737, %ge3A_770 : i32
          %convert_element_type3A_772 = arith.extui %ge3A_771 : i1 to i32
          %cond3A_773 = arith.constant 0 : i32
          %cond3A_774 = arith.cmpi ne, %convert_element_type3A_772, %cond3A_773 : i32
          scf.if %cond3A_774 {
            %dma_wait3A_830 = arith.constant 0 : i32
            %dma_wait3A_831 = tpu.memref_slice %arg12[%rem3A_769, %dma_wait3A_830] : memref<8x64xf32, #tpu.memory_space<vmem>> -> memref<1x64xf32, #tpu.memory_space<vmem>>
            %dma_wait3A_832 = tpu.memref_squeeze %dma_wait3A_831 : memref<1x64xf32, #tpu.memory_space<vmem>> -> memref<64xf32, #tpu.memory_space<vmem>>
            %dma_wait3A_833 = arith.constant 0 : i32
            %dma_wait3A_834 = tpu.memref_slice %arg4[%dma_wait3A_833] : memref<1048576xf32, #tpu.memory_space<hbm>> -> memref<64xf32, #tpu.memory_space<hbm>>
            %dma_wait3A_835 = tpu.memref_slice %arg14[%rem3A_769] : memref<8x!tpu.dma_semaphore, #tpu.memory_space<semaphore_mem>> -> memref<1x!tpu.dma_semaphore, #tpu.memory_space<semaphore_mem>>
            %dma_wait3A_836 = tpu.memref_squeeze %dma_wait3A_835 : memref<1x!tpu.dma_semaphore, #tpu.memory_space<semaphore_mem>> -> memref<!tpu.dma_semaphore, #tpu.memory_space<semaphore_mem>>
            %dma_wait3A_837 = arith.constant 0 : i32
            %dma_wait3A_838 = tpu.memref_slice %arg4[%dma_wait3A_837] : memref<1048576xf32, #tpu.memory_space<hbm>> -> memref<64xf32, #tpu.memory_space<hbm>>
            %dma_wait3A_839 = arith.constant 0 : i32
            %dma_wait3A_840 = tpu.memref_slice %arg12[%rem3A_769, %dma_wait3A_839] : memref<8x64xf32, #tpu.memory_space<vmem>> -> memref<1x64xf32, #tpu.memory_space<vmem>>
            %dma_wait3A_841 = tpu.memref_squeeze %dma_wait3A_840 : memref<1x64xf32, #tpu.memory_space<vmem>> -> memref<64xf32, #tpu.memory_space<vmem>>
            tpu.wait_dma2 semaphore(%dma_wait3A_836 : memref<!tpu.dma_semaphore, #tpu.memory_space<semaphore_mem>>) src(%dma_wait3A_841 : memref<64xf32, #tpu.memory_space<vmem>>) dst(%dma_wait3A_838 : memref<64xf32, #tpu.memory_space<hbm>>)
          } else {
          }
          %add3A_775 = arith.constant 0 : i32
          %add3A_776 = vector.broadcast %add3A_775 : i32 to vector<16xi32>
          %add3A_777 = arith.addi %iota3A, %add3A_776 : vector<16xi32>
          %gather3A = arith.constant 0 : i32
          %gather3A_778 = arith.constant 0 : i32
          %gather3A_779 = tpu.memref_slice %arg11[%rem3A_703, %gather3A, %gather3A_778] : memref<4x64x256xf32, #tpu.memory_space<vmem>> -> memref<1x64x256xf32, #tpu.memory_space<vmem>>
          %gather3A_780 = tpu.memref_squeeze %gather3A_779 : memref<1x64x256xf32, #tpu.memory_space<vmem>> -> memref<64x256xf32, #tpu.memory_space<vmem>>
          %gather3A_781 = tpu.vector_load_idx %gather3A_780[%add3A_777, %add3A_757] : memref<64x256xf32, #tpu.memory_space<vmem>>[vector<16xi32>, vector<16xi32>], vector<16xf32>,
          %swap3A_782 = arith.index_cast %rem3A_769 : i32 to index
          %swap3A_783 = arith.constant 0 : index
          %swap3A_784 = tpu.vector_load %arg12[%swap3A_782, %swap3A_783] {strides = array<i32>} : memref<8x64xf32, #tpu.memory_space<vmem>>, vector<16xf32>,
          tpu.vector_store %arg12[%swap3A_782, %swap3A_783], %gather3A_781 {strides = array<i32>} : memref<8x64xf32, #tpu.memory_space<vmem>>, vector<16xf32>,
          %add3A_785 = arith.constant 16 : i32
          %add3A_786 = vector.broadcast %add3A_785 : i32 to vector<16xi32>
          %add3A_787 = arith.addi %iota3A, %add3A_786 : vector<16xi32>
          %gather3A_788 = arith.constant 0 : i32
          %gather3A_789 = arith.constant 0 : i32
          %gather3A_790 = tpu.memref_slice %arg11[%rem3A_703, %gather3A_788, %gather3A_789] : memref<4x64x256xf32, #tpu.memory_space<vmem>> -> memref<1x64x256xf32, #tpu.memory_space<vmem>>
          %gather3A_791 = tpu.memref_squeeze %gather3A_790 : memref<1x64x256xf32, #tpu.memory_space<vmem>> -> memref<64x256xf32, #tpu.memory_space<vmem>>
          %gather3A_792 = tpu.vector_load_idx %gather3A_791[%add3A_787, %add3A_757] : memref<64x256xf32, #tpu.memory_space<vmem>>[vector<16xi32>, vector<16xi32>], vector<16xf32>,
          %swap3A_793 = arith.index_cast %rem3A_769 : i32 to index
          %swap3A_794 = arith.constant 16 : index
          %swap3A_795 = tpu.vector_load %arg12[%swap3A_793, %swap3A_794] {strides = array<i32>} : memref<8x64xf32, #tpu.memory_space<vmem>>, vector<16xf32>,
          tpu.vector_store %arg12[%swap3A_793, %swap3A_794], %gather3A_792 {strides = array<i32>} : memref<8x64xf32, #tpu.memory_space<vmem>>, vector<16xf32>,
          %add3A_796 = arith.constant 32 : i32
          %add3A_797 = vector.broadcast %add3A_796 : i32 to vector<16xi32>
          %add3A_798 = arith.addi %iota3A, %add3A_797 : vector<16xi32>
          %gather3A_799 = arith.constant 0 : i32
          %gather3A_800 = arith.constant 0 : i32
          %gather3A_801 = tpu.memref_slice %arg11[%rem3A_703, %gather3A_799, %gather3A_800] : memref<4x64x256xf32, #tpu.memory_space<vmem>> -> memref<1x64x256xf32, #tpu.memory_space<vmem>>
          %gather3A_802 = tpu.memref_squeeze %gather3A_801 : memref<1x64x256xf32, #tpu.memory_space<vmem>> -> memref<64x256xf32, #tpu.memory_space<vmem>>
          %gather3A_803 = tpu.vector_load_idx %gather3A_802[%add3A_798, %add3A_757] : memref<64x256xf32, #tpu.memory_space<vmem>>[vector<16xi32>, vector<16xi32>], vector<16xf32>,
          %swap3A_804 = arith.index_cast %rem3A_769 : i32 to index
          %swap3A_805 = arith.constant 32 : index
          %swap3A_806 = tpu.vector_load %arg12[%swap3A_804, %swap3A_805] {strides = array<i32>} : memref<8x64xf32, #tpu.memory_space<vmem>>, vector<16xf32>,
          tpu.vector_store %arg12[%swap3A_804, %swap3A_805], %gather3A_803 {strides = array<i32>} : memref<8x64xf32, #tpu.memory_space<vmem>>, vector<16xf32>,
          %add3A_807 = arith.constant 48 : i32
          %add3A_808 = vector.broadcast %add3A_807 : i32 to vector<16xi32>
          %add3A_809 = arith.addi %iota3A, %add3A_808 : vector<16xi32>
          %gather3A_810 = arith.constant 0 : i32
          %gather3A_811 = arith.constant 0 : i32
          %gather3A_812 = tpu.memref_slice %arg11[%rem3A_703, %gather3A_810, %gather3A_811] : memref<4x64x256xf32, #tpu.memory_space<vmem>> -> memref<1x64x256xf32, #tpu.memory_space<vmem>>
          %gather3A_813 = tpu.memref_squeeze %gather3A_812 : memref<1x64x256xf32, #tpu.memory_space<vmem>> -> memref<64x256xf32, #tpu.memory_space<vmem>>
          %gather3A_814 = tpu.vector_load_idx %gather3A_813[%add3A_809, %add3A_757] : memref<64x256xf32, #tpu.memory_space<vmem>>[vector<16xi32>, vector<16xi32>], vector<16xf32>,
          %swap3A_815 = arith.index_cast %rem3A_769 : i32 to index
          %swap3A_816 = arith.constant 48 : index
          %swap3A_817 = tpu.vector_load %arg12[%swap3A_815, %swap3A_816] {strides = array<i32>} : memref<8x64xf32, #tpu.memory_space<vmem>>, vector<16xf32>,
          tpu.vector_store %arg12[%swap3A_815, %swap3A_816], %gather3A_814 {strides = array<i32>} : memref<8x64xf32, #tpu.memory_space<vmem>>, vector<16xf32>,
          %mul3A_818 = arith.constant 64 : i32
          %mul3A_819 = arith.muli %reduce_sum3A_767, %mul3A_818 : i32
          %multiple_of3A_820 = tpu.assume_multiple %mul3A_819, 8 : i32
          %dma_start3A = arith.constant 0 : i32
          %dma_start3A_821 = tpu.memref_slice %arg12[%rem3A_769, %dma_start3A] : memref<8x64xf32, #tpu.memory_space<vmem>> -> memref<1x64xf32, #tpu.memory_space<vmem>>
          %dma_start3A_822 = tpu.memref_squeeze %dma_start3A_821 : memref<1x64xf32, #tpu.memory_space<vmem>> -> memref<64xf32, #tpu.memory_space<vmem>>
          %dma_start3A_823 = tpu.memref_slice %arg4[%multiple_of3A_820] : memref<1048576xf32, #tpu.memory_space<hbm>> -> memref<64xf32, #tpu.memory_space<hbm>>
          %dma_start3A_824 = tpu.memref_slice %arg14[%rem3A_769] : memref<8x!tpu.dma_semaphore, #tpu.memory_space<semaphore_mem>> -> memref<1x!tpu.dma_semaphore, #tpu.memory_space<semaphore_mem>>
          %dma_start3A_825 = tpu.memref_squeeze %dma_start3A_824 : memref<1x!tpu.dma_semaphore, #tpu.memory_space<semaphore_mem>> -> memref<!tpu.dma_semaphore, #tpu.memory_space<semaphore_mem>>
          %dma_start3A_826 = tpu.memref_slice %arg4[%multiple_of3A_820] : memref<1048576xf32, #tpu.memory_space<hbm>> -> memref<64xf32, #tpu.memory_space<hbm>>
          %dma_start3A_827 = arith.constant 0 : i32
          %dma_start3A_828 = tpu.memref_slice %arg12[%rem3A_769, %dma_start3A_827] : memref<8x64xf32, #tpu.memory_space<vmem>> -> memref<1x64xf32, #tpu.memory_space<vmem>>
          %dma_start3A_829 = tpu.memref_squeeze %dma_start3A_828 : memref<1x64xf32, #tpu.memory_space<vmem>> -> memref<64xf32, #tpu.memory_space<vmem>>
          tpu.enqueue_dma source(%dma_start3A_829 : memref<64xf32, #tpu.memory_space<vmem>>) target(%dma_start3A_826 : memref<64xf32, #tpu.memory_space<hbm>>) target_semaphore(%dma_start3A_825 : memref<!tpu.dma_semaphore, #tpu.memory_space<semaphore_mem>>)
        }
        %while3A_736 = arith.constant 1 : i32
        scf.for %while3A_737 = %while3A_734 to %while3A_730 step %while3A_736  : i32 {
          %rem3A_738 = arith.constant 16 : i32
          %rem3A_739 = arith.remsi %while3A_737, %rem3A_738 : i32
          %sub3A_740 = arith.subi %while3A_737, %rem3A_739 : i32
          %multiple_of3A_741 = tpu.assume_multiple %sub3A_740, 16 : i32
          %get3A_742 = arith.index_cast %multiple_of3A_741 : i32 to index
          %get3A_743 = tpu.vector_load %arg7[%get3A_742] {strides = array<i32>} : memref<16400xi32, #tpu.memory_space<vmem>>, vector<16xi32>,
          %eq3A_744 = vector.broadcast %rem3A_739 : i32 to vector<16xi32>
          %eq3A_745 = arith.cmpi eq, %iota3A, %eq3A_744 : vector<16xi32>
          %jit3A_746 = arith.constant 0 : i32
          %broadcast_in_dim3A_747 = vector.broadcast %jit3A_746 : i32 to vector<16xi32>
          %select_n3A_748 = arith.select %eq3A_745, %get3A_743, %broadcast_in_dim3A_747 : vector<16xi1>, vector<16xi32>
          %reduce_sum3A_749 = arith.constant true
          %reduce_sum3A_750 = vector.broadcast %reduce_sum3A_749 : i1 to vector<16xi1>
          %reduce_sum3A_751 = tpu.scan <sum>, %select_n3A_748 masked %reduce_sum3A_750 : vector<16xi32>, vector<16xi1> -> vector<16xi32>
          %reduce_sum3A_752 = vector.extract %reduce_sum3A_751[15] : i32 from vector<16xi32>
          %add3A_753 = vector.broadcast %reduce_sum3A_752 : i32 to vector<16xi32>
          %add3A_754 = arith.addi %mul3A_10, %add3A_753 : vector<16xi32>
          %shift_right_logical3A = arith.constant 14 : i32
          %shift_right_logical3A_755 = vector.broadcast %shift_right_logical3A : i32 to vector<16xi32>
          %shift_right_logical3A_756 = arith.shrui %add3A_754, %shift_right_logical3A_755 : vector<16xi32>
          %add3A_757 = arith.addi %shift_right_logical3A_756, %add3A_727 : vector<16xi32>
          %and3A_758 = arith.constant 16383 : i32
          %and3A_759 = vector.broadcast %and3A_758 : i32 to vector<16xi32>
          %and3A_760 = arith.andi %add3A_754, %and3A_759 : vector<16xi32>
          %jit3A_761 = arith.constant 0 : i32
          %broadcast_in_dim3A_762 = vector.broadcast %jit3A_761 : i32 to vector<16xi32>
          %select_n3A_763 = arith.select %eq3A_7, %and3A_760, %broadcast_in_dim3A_762 : vector<16xi1>, vector<16xi32>
          %reduce_sum3A_764 = arith.constant true
          %reduce_sum3A_765 = vector.broadcast %reduce_sum3A_764 : i1 to vector<16xi1>
          %reduce_sum3A_766 = tpu.scan <sum>, %select_n3A_763 masked %reduce_sum3A_765 : vector<16xi32>, vector<16xi1> -> vector<16xi32>
          %reduce_sum3A_767 = vector.extract %reduce_sum3A_766[15] : i32 from vector<16xi32>
          %rem3A_768 = arith.constant 8 : i32
          %rem3A_769 = arith.remsi %while3A_737, %rem3A_768 : i32
          %ge3A_770 = arith.constant 8 : i32
          %ge3A_771 = arith.cmpi sge, %while3A_737, %ge3A_770 : i32
          %convert_element_type3A_772 = arith.extui %ge3A_771 : i1 to i32
          %cond3A_773 = arith.constant 0 : i32
          %cond3A_774 = arith.cmpi ne, %convert_element_type3A_772, %cond3A_773 : i32
          scf.if %cond3A_774 {
            %dma_wait3A_830 = arith.constant 0 : i32
            %dma_wait3A_831 = tpu.memref_slice %arg12[%rem3A_769, %dma_wait3A_830] : memref<8x64xf32, #tpu.memory_space<vmem>> -> memref<1x64xf32, #tpu.memory_space<vmem>>
            %dma_wait3A_832 = tpu.memref_squeeze %dma_wait3A_831 : memref<1x64xf32, #tpu.memory_space<vmem>> -> memref<64xf32, #tpu.memory_space<vmem>>
            %dma_wait3A_833 = arith.constant 0 : i32
            %dma_wait3A_834 = tpu.memref_slice %arg4[%dma_wait3A_833] : memref<1048576xf32, #tpu.memory_space<hbm>> -> memref<64xf32, #tpu.memory_space<hbm>>
            %dma_wait3A_835 = tpu.memref_slice %arg14[%rem3A_769] : memref<8x!tpu.dma_semaphore, #tpu.memory_space<semaphore_mem>> -> memref<1x!tpu.dma_semaphore, #tpu.memory_space<semaphore_mem>>
            %dma_wait3A_836 = tpu.memref_squeeze %dma_wait3A_835 : memref<1x!tpu.dma_semaphore, #tpu.memory_space<semaphore_mem>> -> memref<!tpu.dma_semaphore, #tpu.memory_space<semaphore_mem>>
            %dma_wait3A_837 = arith.constant 0 : i32
            %dma_wait3A_838 = tpu.memref_slice %arg4[%dma_wait3A_837] : memref<1048576xf32, #tpu.memory_space<hbm>> -> memref<64xf32, #tpu.memory_space<hbm>>
            %dma_wait3A_839 = arith.constant 0 : i32
            %dma_wait3A_840 = tpu.memref_slice %arg12[%rem3A_769, %dma_wait3A_839] : memref<8x64xf32, #tpu.memory_space<vmem>> -> memref<1x64xf32, #tpu.memory_space<vmem>>
            %dma_wait3A_841 = tpu.memref_squeeze %dma_wait3A_840 : memref<1x64xf32, #tpu.memory_space<vmem>> -> memref<64xf32, #tpu.memory_space<vmem>>
            tpu.wait_dma2 semaphore(%dma_wait3A_836 : memref<!tpu.dma_semaphore, #tpu.memory_space<semaphore_mem>>) src(%dma_wait3A_841 : memref<64xf32, #tpu.memory_space<vmem>>) dst(%dma_wait3A_838 : memref<64xf32, #tpu.memory_space<hbm>>)
          } else {
          }
          %add3A_775 = arith.constant 0 : i32
          %add3A_776 = vector.broadcast %add3A_775 : i32 to vector<16xi32>
          %add3A_777 = arith.addi %iota3A, %add3A_776 : vector<16xi32>
          %gather3A = arith.constant 0 : i32
          %gather3A_778 = arith.constant 0 : i32
          %gather3A_779 = tpu.memref_slice %arg11[%rem3A_703, %gather3A, %gather3A_778] : memref<4x64x256xf32, #tpu.memory_space<vmem>> -> memref<1x64x256xf32, #tpu.memory_space<vmem>>
          %gather3A_780 = tpu.memref_squeeze %gather3A_779 : memref<1x64x256xf32, #tpu.memory_space<vmem>> -> memref<64x256xf32, #tpu.memory_space<vmem>>
          %gather3A_781 = tpu.vector_load_idx %gather3A_780[%add3A_777, %add3A_757] : memref<64x256xf32, #tpu.memory_space<vmem>>[vector<16xi32>, vector<16xi32>], vector<16xf32>,
          %swap3A_782 = arith.index_cast %rem3A_769 : i32 to index
          %swap3A_783 = arith.constant 0 : index
          %swap3A_784 = tpu.vector_load %arg12[%swap3A_782, %swap3A_783] {strides = array<i32>} : memref<8x64xf32, #tpu.memory_space<vmem>>, vector<16xf32>,
          tpu.vector_store %arg12[%swap3A_782, %swap3A_783], %gather3A_781 {strides = array<i32>} : memref<8x64xf32, #tpu.memory_space<vmem>>, vector<16xf32>,
          %add3A_785 = arith.constant 16 : i32
          %add3A_786 = vector.broadcast %add3A_785 : i32 to vector<16xi32>
          %add3A_787 = arith.addi %iota3A, %add3A_786 : vector<16xi32>
          %gather3A_788 = arith.constant 0 : i32
          %gather3A_789 = arith.constant 0 : i32
          %gather3A_790 = tpu.memref_slice %arg11[%rem3A_703, %gather3A_788, %gather3A_789] : memref<4x64x256xf32, #tpu.memory_space<vmem>> -> memref<1x64x256xf32, #tpu.memory_space<vmem>>
          %gather3A_791 = tpu.memref_squeeze %gather3A_790 : memref<1x64x256xf32, #tpu.memory_space<vmem>> -> memref<64x256xf32, #tpu.memory_space<vmem>>
          %gather3A_792 = tpu.vector_load_idx %gather3A_791[%add3A_787, %add3A_757] : memref<64x256xf32, #tpu.memory_space<vmem>>[vector<16xi32>, vector<16xi32>], vector<16xf32>,
          %swap3A_793 = arith.index_cast %rem3A_769 : i32 to index
          %swap3A_794 = arith.constant 16 : index
          %swap3A_795 = tpu.vector_load %arg12[%swap3A_793, %swap3A_794] {strides = array<i32>} : memref<8x64xf32, #tpu.memory_space<vmem>>, vector<16xf32>,
          tpu.vector_store %arg12[%swap3A_793, %swap3A_794], %gather3A_792 {strides = array<i32>} : memref<8x64xf32, #tpu.memory_space<vmem>>, vector<16xf32>,
          %add3A_796 = arith.constant 32 : i32
          %add3A_797 = vector.broadcast %add3A_796 : i32 to vector<16xi32>
          %add3A_798 = arith.addi %iota3A, %add3A_797 : vector<16xi32>
          %gather3A_799 = arith.constant 0 : i32
          %gather3A_800 = arith.constant 0 : i32
          %gather3A_801 = tpu.memref_slice %arg11[%rem3A_703, %gather3A_799, %gather3A_800] : memref<4x64x256xf32, #tpu.memory_space<vmem>> -> memref<1x64x256xf32, #tpu.memory_space<vmem>>
          %gather3A_802 = tpu.memref_squeeze %gather3A_801 : memref<1x64x256xf32, #tpu.memory_space<vmem>> -> memref<64x256xf32, #tpu.memory_space<vmem>>
          %gather3A_803 = tpu.vector_load_idx %gather3A_802[%add3A_798, %add3A_757] : memref<64x256xf32, #tpu.memory_space<vmem>>[vector<16xi32>, vector<16xi32>], vector<16xf32>,
          %swap3A_804 = arith.index_cast %rem3A_769 : i32 to index
          %swap3A_805 = arith.constant 32 : index
          %swap3A_806 = tpu.vector_load %arg12[%swap3A_804, %swap3A_805] {strides = array<i32>} : memref<8x64xf32, #tpu.memory_space<vmem>>, vector<16xf32>,
          tpu.vector_store %arg12[%swap3A_804, %swap3A_805], %gather3A_803 {strides = array<i32>} : memref<8x64xf32, #tpu.memory_space<vmem>>, vector<16xf32>,
          %add3A_807 = arith.constant 48 : i32
          %add3A_808 = vector.broadcast %add3A_807 : i32 to vector<16xi32>
          %add3A_809 = arith.addi %iota3A, %add3A_808 : vector<16xi32>
          %gather3A_810 = arith.constant 0 : i32
          %gather3A_811 = arith.constant 0 : i32
          %gather3A_812 = tpu.memref_slice %arg11[%rem3A_703, %gather3A_810, %gather3A_811] : memref<4x64x256xf32, #tpu.memory_space<vmem>> -> memref<1x64x256xf32, #tpu.memory_space<vmem>>
          %gather3A_813 = tpu.memref_squeeze %gather3A_812 : memref<1x64x256xf32, #tpu.memory_space<vmem>> -> memref<64x256xf32, #tpu.memory_space<vmem>>
          %gather3A_814 = tpu.vector_load_idx %gather3A_813[%add3A_809, %add3A_757] : memref<64x256xf32, #tpu.memory_space<vmem>>[vector<16xi32>, vector<16xi32>], vector<16xf32>,
          %swap3A_815 = arith.index_cast %rem3A_769 : i32 to index
          %swap3A_816 = arith.constant 48 : index
          %swap3A_817 = tpu.vector_load %arg12[%swap3A_815, %swap3A_816] {strides = array<i32>} : memref<8x64xf32, #tpu.memory_space<vmem>>, vector<16xf32>,
          tpu.vector_store %arg12[%swap3A_815, %swap3A_816], %gather3A_814 {strides = array<i32>} : memref<8x64xf32, #tpu.memory_space<vmem>>, vector<16xf32>,
          %mul3A_818 = arith.constant 64 : i32
          %mul3A_819 = arith.muli %reduce_sum3A_767, %mul3A_818 : i32
          %multiple_of3A_820 = tpu.assume_multiple %mul3A_819, 8 : i32
          %dma_start3A = arith.constant 0 : i32
          %dma_start3A_821 = tpu.memref_slice %arg12[%rem3A_769, %dma_start3A] : memref<8x64xf32, #tpu.memory_space<vmem>> -> memref<1x64xf32, #tpu.memory_space<vmem>>
          %dma_start3A_822 = tpu.memref_squeeze %dma_start3A_821 : memref<1x64xf32, #tpu.memory_space<vmem>> -> memref<64xf32, #tpu.memory_space<vmem>>
          %dma_start3A_823 = tpu.memref_slice %arg4[%multiple_of3A_820] : memref<1048576xf32, #tpu.memory_space<hbm>> -> memref<64xf32, #tpu.memory_space<hbm>>
          %dma_start3A_824 = tpu.memref_slice %arg14[%rem3A_769] : memref<8x!tpu.dma_semaphore, #tpu.memory_space<semaphore_mem>> -> memref<1x!tpu.dma_semaphore, #tpu.memory_space<semaphore_mem>>
          %dma_start3A_825 = tpu.memref_squeeze %dma_start3A_824 : memref<1x!tpu.dma_semaphore, #tpu.memory_space<semaphore_mem>> -> memref<!tpu.dma_semaphore, #tpu.memory_space<semaphore_mem>>
          %dma_start3A_826 = tpu.memref_slice %arg4[%multiple_of3A_820] : memref<1048576xf32, #tpu.memory_space<hbm>> -> memref<64xf32, #tpu.memory_space<hbm>>
          %dma_start3A_827 = arith.constant 0 : i32
          %dma_start3A_828 = tpu.memref_slice %arg12[%rem3A_769, %dma_start3A_827] : memref<8x64xf32, #tpu.memory_space<vmem>> -> memref<1x64xf32, #tpu.memory_space<vmem>>
          %dma_start3A_829 = tpu.memref_squeeze %dma_start3A_828 : memref<1x64xf32, #tpu.memory_space<vmem>> -> memref<64xf32, #tpu.memory_space<vmem>>
          tpu.enqueue_dma source(%dma_start3A_829 : memref<64xf32, #tpu.memory_space<vmem>>) target(%dma_start3A_826 : memref<64xf32, #tpu.memory_space<hbm>>) target_semaphore(%dma_start3A_825 : memref<!tpu.dma_semaphore, #tpu.memory_space<semaphore_mem>>)
        }
      } else {
      }
    }
    %scan3A_507 = arith.constant 123 : i32
    %sub3A_508 = arith.constant 8 : i32
    %sub3A_509 = arith.subi %scan3A_15, %sub3A_508 : i32
    %add3A_510 = arith.constant 0 : i32
    %add3A_511 = arith.addi %sub3A_509, %add3A_510 : i32
    %ge3A = arith.constant 0 : i32
    %ge3A_512 = arith.cmpi sge, %add3A_511, %ge3A : i32
    %convert_element_type3A_513 = arith.extui %ge3A_512 : i1 to i32
    %cond3A_514 = arith.constant 0 : i32
    %cond3A_515 = arith.cmpi ne, %convert_element_type3A_513, %cond3A_514 : i32
    scf.if %cond3A_515 {
      %sub3A_579 = arith.constant 8 : i32
      %sub3A_580 = arith.subi %scan3A_15, %sub3A_579 : i32
      %add3A_581 = arith.constant 0 : i32
      %add3A_582 = arith.addi %sub3A_580, %add3A_581 : i32
      %rem3A_583 = arith.constant 8 : i32
      %rem3A_584 = arith.remsi %add3A_582, %rem3A_583 : i32
      %dma_wait3A = arith.constant 0 : i32
      %dma_wait3A_585 = tpu.memref_slice %arg12[%rem3A_584, %dma_wait3A] : memref<8x64xf32, #tpu.memory_space<vmem>> -> memref<1x64xf32, #tpu.memory_space<vmem>>
      %dma_wait3A_586 = tpu.memref_squeeze %dma_wait3A_585 : memref<1x64xf32, #tpu.memory_space<vmem>> -> memref<64xf32, #tpu.memory_space<vmem>>
      %dma_wait3A_587 = arith.constant 0 : i32
      %dma_wait3A_588 = tpu.memref_slice %arg4[%dma_wait3A_587] : memref<1048576xf32, #tpu.memory_space<hbm>> -> memref<64xf32, #tpu.memory_space<hbm>>
      %dma_wait3A_589 = tpu.memref_slice %arg14[%rem3A_584] : memref<8x!tpu.dma_semaphore, #tpu.memory_space<semaphore_mem>> -> memref<1x!tpu.dma_semaphore, #tpu.memory_space<semaphore_mem>>
      %dma_wait3A_590 = tpu.memref_squeeze %dma_wait3A_589 : memref<1x!tpu.dma_semaphore, #tpu.memory_space<semaphore_mem>> -> memref<!tpu.dma_semaphore, #tpu.memory_space<semaphore_mem>>
      %dma_wait3A_591 = arith.constant 0 : i32
      %dma_wait3A_592 = tpu.memref_slice %arg4[%dma_wait3A_591] : memref<1048576xf32, #tpu.memory_space<hbm>> -> memref<64xf32, #tpu.memory_space<hbm>>
      %dma_wait3A_593 = arith.constant 0 : i32
      %dma_wait3A_594 = tpu.memref_slice %arg12[%rem3A_584, %dma_wait3A_593] : memref<8x64xf32, #tpu.memory_space<vmem>> -> memref<1x64xf32, #tpu.memory_space<vmem>>
      %dma_wait3A_595 = tpu.memref_squeeze %dma_wait3A_594 : memref<1x64xf32, #tpu.memory_space<vmem>> -> memref<64xf32, #tpu.memory_space<vmem>>
      tpu.wait_dma2 semaphore(%dma_wait3A_590 : memref<!tpu.dma_semaphore, #tpu.memory_space<semaphore_mem>>) src(%dma_wait3A_595 : memref<64xf32, #tpu.memory_space<vmem>>) dst(%dma_wait3A_592 : memref<64xf32, #tpu.memory_space<hbm>>)
    } else {
    }
    %sub3A_516 = arith.constant 8 : i32
    %sub3A_517 = arith.subi %scan3A_15, %sub3A_516 : i32
    %add3A_518 = arith.constant 1 : i32
    %add3A_519 = arith.addi %sub3A_517, %add3A_518 : i32
    %ge3A_520 = arith.constant 0 : i32
    %ge3A_521 = arith.cmpi sge, %add3A_519, %ge3A_520 : i32
    %convert_element_type3A_522 = arith.extui %ge3A_521 : i1 to i32
    %cond3A_523 = arith.constant 0 : i32
    %cond3A_524 = arith.cmpi ne, %convert_element_type3A_522, %cond3A_523 : i32
    scf.if %cond3A_524 {
      %sub3A_579 = arith.constant 8 : i32
      %sub3A_580 = arith.subi %scan3A_15, %sub3A_579 : i32
      %add3A_581 = arith.constant 1 : i32
      %add3A_582 = arith.addi %sub3A_580, %add3A_581 : i32
      %rem3A_583 = arith.constant 8 : i32
      %rem3A_584 = arith.remsi %add3A_582, %rem3A_583 : i32
      %dma_wait3A = arith.constant 0 : i32
      %dma_wait3A_585 = tpu.memref_slice %arg12[%rem3A_584, %dma_wait3A] : memref<8x64xf32, #tpu.memory_space<vmem>> -> memref<1x64xf32, #tpu.memory_space<vmem>>
      %dma_wait3A_586 = tpu.memref_squeeze %dma_wait3A_585 : memref<1x64xf32, #tpu.memory_space<vmem>> -> memref<64xf32, #tpu.memory_space<vmem>>
      %dma_wait3A_587 = arith.constant 0 : i32
      %dma_wait3A_588 = tpu.memref_slice %arg4[%dma_wait3A_587] : memref<1048576xf32, #tpu.memory_space<hbm>> -> memref<64xf32, #tpu.memory_space<hbm>>
      %dma_wait3A_589 = tpu.memref_slice %arg14[%rem3A_584] : memref<8x!tpu.dma_semaphore, #tpu.memory_space<semaphore_mem>> -> memref<1x!tpu.dma_semaphore, #tpu.memory_space<semaphore_mem>>
      %dma_wait3A_590 = tpu.memref_squeeze %dma_wait3A_589 : memref<1x!tpu.dma_semaphore, #tpu.memory_space<semaphore_mem>> -> memref<!tpu.dma_semaphore, #tpu.memory_space<semaphore_mem>>
      %dma_wait3A_591 = arith.constant 0 : i32
      %dma_wait3A_592 = tpu.memref_slice %arg4[%dma_wait3A_591] : memref<1048576xf32, #tpu.memory_space<hbm>> -> memref<64xf32, #tpu.memory_space<hbm>>
      %dma_wait3A_593 = arith.constant 0 : i32
      %dma_wait3A_594 = tpu.memref_slice %arg12[%rem3A_584, %dma_wait3A_593] : memref<8x64xf32, #tpu.memory_space<vmem>> -> memref<1x64xf32, #tpu.memory_space<vmem>>
      %dma_wait3A_595 = tpu.memref_squeeze %dma_wait3A_594 : memref<1x64xf32, #tpu.memory_space<vmem>> -> memref<64xf32, #tpu.memory_space<vmem>>
      tpu.wait_dma2 semaphore(%dma_wait3A_590 : memref<!tpu.dma_semaphore, #tpu.memory_space<semaphore_mem>>) src(%dma_wait3A_595 : memref<64xf32, #tpu.memory_space<vmem>>) dst(%dma_wait3A_592 : memref<64xf32, #tpu.memory_space<hbm>>)
    } else {
    }
    %sub3A_525 = arith.constant 8 : i32
    %sub3A_526 = arith.subi %scan3A_15, %sub3A_525 : i32
    %add3A_527 = arith.constant 2 : i32
    %add3A_528 = arith.addi %sub3A_526, %add3A_527 : i32
    %ge3A_529 = arith.constant 0 : i32
    %ge3A_530 = arith.cmpi sge, %add3A_528, %ge3A_529 : i32
    %convert_element_type3A_531 = arith.extui %ge3A_530 : i1 to i32
    %cond3A_532 = arith.constant 0 : i32
    %cond3A_533 = arith.cmpi ne, %convert_element_type3A_531, %cond3A_532 : i32
    scf.if %cond3A_533 {
      %sub3A_579 = arith.constant 8 : i32
      %sub3A_580 = arith.subi %scan3A_15, %sub3A_579 : i32
      %add3A_581 = arith.constant 2 : i32
      %add3A_582 = arith.addi %sub3A_580, %add3A_581 : i32
      %rem3A_583 = arith.constant 8 : i32
      %rem3A_584 = arith.remsi %add3A_582, %rem3A_583 : i32
      %dma_wait3A = arith.constant 0 : i32
      %dma_wait3A_585 = tpu.memref_slice %arg12[%rem3A_584, %dma_wait3A] : memref<8x64xf32, #tpu.memory_space<vmem>> -> memref<1x64xf32, #tpu.memory_space<vmem>>
      %dma_wait3A_586 = tpu.memref_squeeze %dma_wait3A_585 : memref<1x64xf32, #tpu.memory_space<vmem>> -> memref<64xf32, #tpu.memory_space<vmem>>
      %dma_wait3A_587 = arith.constant 0 : i32
      %dma_wait3A_588 = tpu.memref_slice %arg4[%dma_wait3A_587] : memref<1048576xf32, #tpu.memory_space<hbm>> -> memref<64xf32, #tpu.memory_space<hbm>>
      %dma_wait3A_589 = tpu.memref_slice %arg14[%rem3A_584] : memref<8x!tpu.dma_semaphore, #tpu.memory_space<semaphore_mem>> -> memref<1x!tpu.dma_semaphore, #tpu.memory_space<semaphore_mem>>
      %dma_wait3A_590 = tpu.memref_squeeze %dma_wait3A_589 : memref<1x!tpu.dma_semaphore, #tpu.memory_space<semaphore_mem>> -> memref<!tpu.dma_semaphore, #tpu.memory_space<semaphore_mem>>
      %dma_wait3A_591 = arith.constant 0 : i32
      %dma_wait3A_592 = tpu.memref_slice %arg4[%dma_wait3A_591] : memref<1048576xf32, #tpu.memory_space<hbm>> -> memref<64xf32, #tpu.memory_space<hbm>>
      %dma_wait3A_593 = arith.constant 0 : i32
      %dma_wait3A_594 = tpu.memref_slice %arg12[%rem3A_584, %dma_wait3A_593] : memref<8x64xf32, #tpu.memory_space<vmem>> -> memref<1x64xf32, #tpu.memory_space<vmem>>
      %dma_wait3A_595 = tpu.memref_squeeze %dma_wait3A_594 : memref<1x64xf32, #tpu.memory_space<vmem>> -> memref<64xf32, #tpu.memory_space<vmem>>
      tpu.wait_dma2 semaphore(%dma_wait3A_590 : memref<!tpu.dma_semaphore, #tpu.memory_space<semaphore_mem>>) src(%dma_wait3A_595 : memref<64xf32, #tpu.memory_space<vmem>>) dst(%dma_wait3A_592 : memref<64xf32, #tpu.memory_space<hbm>>)
    } else {
    }
    %sub3A_534 = arith.constant 8 : i32
    %sub3A_535 = arith.subi %scan3A_15, %sub3A_534 : i32
    %add3A_536 = arith.constant 3 : i32
    %add3A_537 = arith.addi %sub3A_535, %add3A_536 : i32
    %ge3A_538 = arith.constant 0 : i32
    %ge3A_539 = arith.cmpi sge, %add3A_537, %ge3A_538 : i32
    %convert_element_type3A_540 = arith.extui %ge3A_539 : i1 to i32
    %cond3A_541 = arith.constant 0 : i32
    %cond3A_542 = arith.cmpi ne, %convert_element_type3A_540, %cond3A_541 : i32
    scf.if %cond3A_542 {
      %sub3A_579 = arith.constant 8 : i32
      %sub3A_580 = arith.subi %scan3A_15, %sub3A_579 : i32
      %add3A_581 = arith.constant 3 : i32
      %add3A_582 = arith.addi %sub3A_580, %add3A_581 : i32
      %rem3A_583 = arith.constant 8 : i32
      %rem3A_584 = arith.remsi %add3A_582, %rem3A_583 : i32
      %dma_wait3A = arith.constant 0 : i32
      %dma_wait3A_585 = tpu.memref_slice %arg12[%rem3A_584, %dma_wait3A] : memref<8x64xf32, #tpu.memory_space<vmem>> -> memref<1x64xf32, #tpu.memory_space<vmem>>
      %dma_wait3A_586 = tpu.memref_squeeze %dma_wait3A_585 : memref<1x64xf32, #tpu.memory_space<vmem>> -> memref<64xf32, #tpu.memory_space<vmem>>
      %dma_wait3A_587 = arith.constant 0 : i32
      %dma_wait3A_588 = tpu.memref_slice %arg4[%dma_wait3A_587] : memref<1048576xf32, #tpu.memory_space<hbm>> -> memref<64xf32, #tpu.memory_space<hbm>>
      %dma_wait3A_589 = tpu.memref_slice %arg14[%rem3A_584] : memref<8x!tpu.dma_semaphore, #tpu.memory_space<semaphore_mem>> -> memref<1x!tpu.dma_semaphore, #tpu.memory_space<semaphore_mem>>
      %dma_wait3A_590 = tpu.memref_squeeze %dma_wait3A_589 : memref<1x!tpu.dma_semaphore, #tpu.memory_space<semaphore_mem>> -> memref<!tpu.dma_semaphore, #tpu.memory_space<semaphore_mem>>
      %dma_wait3A_591 = arith.constant 0 : i32
      %dma_wait3A_592 = tpu.memref_slice %arg4[%dma_wait3A_591] : memref<1048576xf32, #tpu.memory_space<hbm>> -> memref<64xf32, #tpu.memory_space<hbm>>
      %dma_wait3A_593 = arith.constant 0 : i32
      %dma_wait3A_594 = tpu.memref_slice %arg12[%rem3A_584, %dma_wait3A_593] : memref<8x64xf32, #tpu.memory_space<vmem>> -> memref<1x64xf32, #tpu.memory_space<vmem>>
      %dma_wait3A_595 = tpu.memref_squeeze %dma_wait3A_594 : memref<1x64xf32, #tpu.memory_space<vmem>> -> memref<64xf32, #tpu.memory_space<vmem>>
      tpu.wait_dma2 semaphore(%dma_wait3A_590 : memref<!tpu.dma_semaphore, #tpu.memory_space<semaphore_mem>>) src(%dma_wait3A_595 : memref<64xf32, #tpu.memory_space<vmem>>) dst(%dma_wait3A_592 : memref<64xf32, #tpu.memory_space<hbm>>)
    } else {
    }
    %sub3A_543 = arith.constant 8 : i32
    %sub3A_544 = arith.subi %scan3A_15, %sub3A_543 : i32
    %add3A_545 = arith.constant 4 : i32
    %add3A_546 = arith.addi %sub3A_544, %add3A_545 : i32
    %ge3A_547 = arith.constant 0 : i32
    %ge3A_548 = arith.cmpi sge, %add3A_546, %ge3A_547 : i32
    %convert_element_type3A_549 = arith.extui %ge3A_548 : i1 to i32
    %cond3A_550 = arith.constant 0 : i32
    %cond3A_551 = arith.cmpi ne, %convert_element_type3A_549, %cond3A_550 : i32
    scf.if %cond3A_551 {
      %sub3A_579 = arith.constant 8 : i32
      %sub3A_580 = arith.subi %scan3A_15, %sub3A_579 : i32
      %add3A_581 = arith.constant 4 : i32
      %add3A_582 = arith.addi %sub3A_580, %add3A_581 : i32
      %rem3A_583 = arith.constant 8 : i32
      %rem3A_584 = arith.remsi %add3A_582, %rem3A_583 : i32
      %dma_wait3A = arith.constant 0 : i32
      %dma_wait3A_585 = tpu.memref_slice %arg12[%rem3A_584, %dma_wait3A] : memref<8x64xf32, #tpu.memory_space<vmem>> -> memref<1x64xf32, #tpu.memory_space<vmem>>
      %dma_wait3A_586 = tpu.memref_squeeze %dma_wait3A_585 : memref<1x64xf32, #tpu.memory_space<vmem>> -> memref<64xf32, #tpu.memory_space<vmem>>
      %dma_wait3A_587 = arith.constant 0 : i32
      %dma_wait3A_588 = tpu.memref_slice %arg4[%dma_wait3A_587] : memref<1048576xf32, #tpu.memory_space<hbm>> -> memref<64xf32, #tpu.memory_space<hbm>>
      %dma_wait3A_589 = tpu.memref_slice %arg14[%rem3A_584] : memref<8x!tpu.dma_semaphore, #tpu.memory_space<semaphore_mem>> -> memref<1x!tpu.dma_semaphore, #tpu.memory_space<semaphore_mem>>
      %dma_wait3A_590 = tpu.memref_squeeze %dma_wait3A_589 : memref<1x!tpu.dma_semaphore, #tpu.memory_space<semaphore_mem>> -> memref<!tpu.dma_semaphore, #tpu.memory_space<semaphore_mem>>
      %dma_wait3A_591 = arith.constant 0 : i32
      %dma_wait3A_592 = tpu.memref_slice %arg4[%dma_wait3A_591] : memref<1048576xf32, #tpu.memory_space<hbm>> -> memref<64xf32, #tpu.memory_space<hbm>>
      %dma_wait3A_593 = arith.constant 0 : i32
      %dma_wait3A_594 = tpu.memref_slice %arg12[%rem3A_584, %dma_wait3A_593] : memref<8x64xf32, #tpu.memory_space<vmem>> -> memref<1x64xf32, #tpu.memory_space<vmem>>
      %dma_wait3A_595 = tpu.memref_squeeze %dma_wait3A_594 : memref<1x64xf32, #tpu.memory_space<vmem>> -> memref<64xf32, #tpu.memory_space<vmem>>
      tpu.wait_dma2 semaphore(%dma_wait3A_590 : memref<!tpu.dma_semaphore, #tpu.memory_space<semaphore_mem>>) src(%dma_wait3A_595 : memref<64xf32, #tpu.memory_space<vmem>>) dst(%dma_wait3A_592 : memref<64xf32, #tpu.memory_space<hbm>>)
    } else {
    }
    %sub3A_552 = arith.constant 8 : i32
    %sub3A_553 = arith.subi %scan3A_15, %sub3A_552 : i32
    %add3A_554 = arith.constant 5 : i32
    %add3A_555 = arith.addi %sub3A_553, %add3A_554 : i32
    %ge3A_556 = arith.constant 0 : i32
    %ge3A_557 = arith.cmpi sge, %add3A_555, %ge3A_556 : i32
    %convert_element_type3A_558 = arith.extui %ge3A_557 : i1 to i32
    %cond3A_559 = arith.constant 0 : i32
    %cond3A_560 = arith.cmpi ne, %convert_element_type3A_558, %cond3A_559 : i32
    scf.if %cond3A_560 {
      %sub3A_579 = arith.constant 8 : i32
      %sub3A_580 = arith.subi %scan3A_15, %sub3A_579 : i32
      %add3A_581 = arith.constant 5 : i32
      %add3A_582 = arith.addi %sub3A_580, %add3A_581 : i32
      %rem3A_583 = arith.constant 8 : i32
      %rem3A_584 = arith.remsi %add3A_582, %rem3A_583 : i32
      %dma_wait3A = arith.constant 0 : i32
      %dma_wait3A_585 = tpu.memref_slice %arg12[%rem3A_584, %dma_wait3A] : memref<8x64xf32, #tpu.memory_space<vmem>> -> memref<1x64xf32, #tpu.memory_space<vmem>>
      %dma_wait3A_586 = tpu.memref_squeeze %dma_wait3A_585 : memref<1x64xf32, #tpu.memory_space<vmem>> -> memref<64xf32, #tpu.memory_space<vmem>>
      %dma_wait3A_587 = arith.constant 0 : i32
      %dma_wait3A_588 = tpu.memref_slice %arg4[%dma_wait3A_587] : memref<1048576xf32, #tpu.memory_space<hbm>> -> memref<64xf32, #tpu.memory_space<hbm>>
      %dma_wait3A_589 = tpu.memref_slice %arg14[%rem3A_584] : memref<8x!tpu.dma_semaphore, #tpu.memory_space<semaphore_mem>> -> memref<1x!tpu.dma_semaphore, #tpu.memory_space<semaphore_mem>>
      %dma_wait3A_590 = tpu.memref_squeeze %dma_wait3A_589 : memref<1x!tpu.dma_semaphore, #tpu.memory_space<semaphore_mem>> -> memref<!tpu.dma_semaphore, #tpu.memory_space<semaphore_mem>>
      %dma_wait3A_591 = arith.constant 0 : i32
      %dma_wait3A_592 = tpu.memref_slice %arg4[%dma_wait3A_591] : memref<1048576xf32, #tpu.memory_space<hbm>> -> memref<64xf32, #tpu.memory_space<hbm>>
      %dma_wait3A_593 = arith.constant 0 : i32
      %dma_wait3A_594 = tpu.memref_slice %arg12[%rem3A_584, %dma_wait3A_593] : memref<8x64xf32, #tpu.memory_space<vmem>> -> memref<1x64xf32, #tpu.memory_space<vmem>>
      %dma_wait3A_595 = tpu.memref_squeeze %dma_wait3A_594 : memref<1x64xf32, #tpu.memory_space<vmem>> -> memref<64xf32, #tpu.memory_space<vmem>>
      tpu.wait_dma2 semaphore(%dma_wait3A_590 : memref<!tpu.dma_semaphore, #tpu.memory_space<semaphore_mem>>) src(%dma_wait3A_595 : memref<64xf32, #tpu.memory_space<vmem>>) dst(%dma_wait3A_592 : memref<64xf32, #tpu.memory_space<hbm>>)
    } else {
    }
    %sub3A_561 = arith.constant 8 : i32
    %sub3A_562 = arith.subi %scan3A_15, %sub3A_561 : i32
    %add3A_563 = arith.constant 6 : i32
    %add3A_564 = arith.addi %sub3A_562, %add3A_563 : i32
    %ge3A_565 = arith.constant 0 : i32
    %ge3A_566 = arith.cmpi sge, %add3A_564, %ge3A_565 : i32
    %convert_element_type3A_567 = arith.extui %ge3A_566 : i1 to i32
    %cond3A_568 = arith.constant 0 : i32
    %cond3A_569 = arith.cmpi ne, %convert_element_type3A_567, %cond3A_568 : i32
    scf.if %cond3A_569 {
      %sub3A_579 = arith.constant 8 : i32
      %sub3A_580 = arith.subi %scan3A_15, %sub3A_579 : i32
      %add3A_581 = arith.constant 6 : i32
      %add3A_582 = arith.addi %sub3A_580, %add3A_581 : i32
      %rem3A_583 = arith.constant 8 : i32
      %rem3A_584 = arith.remsi %add3A_582, %rem3A_583 : i32
      %dma_wait3A = arith.constant 0 : i32
      %dma_wait3A_585 = tpu.memref_slice %arg12[%rem3A_584, %dma_wait3A] : memref<8x64xf32, #tpu.memory_space<vmem>> -> memref<1x64xf32, #tpu.memory_space<vmem>>
      %dma_wait3A_586 = tpu.memref_squeeze %dma_wait3A_585 : memref<1x64xf32, #tpu.memory_space<vmem>> -> memref<64xf32, #tpu.memory_space<vmem>>
      %dma_wait3A_587 = arith.constant 0 : i32
      %dma_wait3A_588 = tpu.memref_slice %arg4[%dma_wait3A_587] : memref<1048576xf32, #tpu.memory_space<hbm>> -> memref<64xf32, #tpu.memory_space<hbm>>
      %dma_wait3A_589 = tpu.memref_slice %arg14[%rem3A_584] : memref<8x!tpu.dma_semaphore, #tpu.memory_space<semaphore_mem>> -> memref<1x!tpu.dma_semaphore, #tpu.memory_space<semaphore_mem>>
      %dma_wait3A_590 = tpu.memref_squeeze %dma_wait3A_589 : memref<1x!tpu.dma_semaphore, #tpu.memory_space<semaphore_mem>> -> memref<!tpu.dma_semaphore, #tpu.memory_space<semaphore_mem>>
      %dma_wait3A_591 = arith.constant 0 : i32
      %dma_wait3A_592 = tpu.memref_slice %arg4[%dma_wait3A_591] : memref<1048576xf32, #tpu.memory_space<hbm>> -> memref<64xf32, #tpu.memory_space<hbm>>
      %dma_wait3A_593 = arith.constant 0 : i32
      %dma_wait3A_594 = tpu.memref_slice %arg12[%rem3A_584, %dma_wait3A_593] : memref<8x64xf32, #tpu.memory_space<vmem>> -> memref<1x64xf32, #tpu.memory_space<vmem>>
      %dma_wait3A_595 = tpu.memref_squeeze %dma_wait3A_594 : memref<1x64xf32, #tpu.memory_space<vmem>> -> memref<64xf32, #tpu.memory_space<vmem>>
      tpu.wait_dma2 semaphore(%dma_wait3A_590 : memref<!tpu.dma_semaphore, #tpu.memory_space<semaphore_mem>>) src(%dma_wait3A_595 : memref<64xf32, #tpu.memory_space<vmem>>) dst(%dma_wait3A_592 : memref<64xf32, #tpu.memory_space<hbm>>)
    } else {
    }
    %sub3A_570 = arith.constant 8 : i32
    %sub3A_571 = arith.subi %scan3A_15, %sub3A_570 : i32
    %add3A_572 = arith.constant 7 : i32
    %add3A_573 = arith.addi %sub3A_571, %add3A_572 : i32
    %ge3A_574 = arith.constant 0 : i32
    %ge3A_575 = arith.cmpi sge, %add3A_573, %ge3A_574 : i32
    %convert_element_type3A_576 = arith.extui %ge3A_575 : i1 to i32
    %cond3A_577 = arith.constant 0 : i32
    %cond3A_578 = arith.cmpi ne, %convert_element_type3A_576, %cond3A_577 : i32
    scf.if %cond3A_578 {
      %sub3A_579 = arith.constant 8 : i32
      %sub3A_580 = arith.subi %scan3A_15, %sub3A_579 : i32
      %add3A_581 = arith.constant 7 : i32
      %add3A_582 = arith.addi %sub3A_580, %add3A_581 : i32
      %rem3A_583 = arith.constant 8 : i32
      %rem3A_584 = arith.remsi %add3A_582, %rem3A_583 : i32
      %dma_wait3A = arith.constant 0 : i32
      %dma_wait3A_585 = tpu.memref_slice %arg12[%rem3A_584, %dma_wait3A] : memref<8x64xf32, #tpu.memory_space<vmem>> -> memref<1x64xf32, #tpu.memory_space<vmem>>
      %dma_wait3A_586 = tpu.memref_squeeze %dma_wait3A_585 : memref<1x64xf32, #tpu.memory_space<vmem>> -> memref<64xf32, #tpu.memory_space<vmem>>
      %dma_wait3A_587 = arith.constant 0 : i32
      %dma_wait3A_588 = tpu.memref_slice %arg4[%dma_wait3A_587] : memref<1048576xf32, #tpu.memory_space<hbm>> -> memref<64xf32, #tpu.memory_space<hbm>>
      %dma_wait3A_589 = tpu.memref_slice %arg14[%rem3A_584] : memref<8x!tpu.dma_semaphore, #tpu.memory_space<semaphore_mem>> -> memref<1x!tpu.dma_semaphore, #tpu.memory_space<semaphore_mem>>
      %dma_wait3A_590 = tpu.memref_squeeze %dma_wait3A_589 : memref<1x!tpu.dma_semaphore, #tpu.memory_space<semaphore_mem>> -> memref<!tpu.dma_semaphore, #tpu.memory_space<semaphore_mem>>
      %dma_wait3A_591 = arith.constant 0 : i32
      %dma_wait3A_592 = tpu.memref_slice %arg4[%dma_wait3A_591] : memref<1048576xf32, #tpu.memory_space<hbm>> -> memref<64xf32, #tpu.memory_space<hbm>>
      %dma_wait3A_593 = arith.constant 0 : i32
      %dma_wait3A_594 = tpu.memref_slice %arg12[%rem3A_584, %dma_wait3A_593] : memref<8x64xf32, #tpu.memory_space<vmem>> -> memref<1x64xf32, #tpu.memory_space<vmem>>
      %dma_wait3A_595 = tpu.memref_squeeze %dma_wait3A_594 : memref<1x64xf32, #tpu.memory_space<vmem>> -> memref<64xf32, #tpu.memory_space<vmem>>
      tpu.wait_dma2 semaphore(%dma_wait3A_590 : memref<!tpu.dma_semaphore, #tpu.memory_space<semaphore_mem>>) src(%dma_wait3A_595 : memref<64xf32, #tpu.memory_space<vmem>>) dst(%dma_wait3A_592 : memref<64xf32, #tpu.memory_space<hbm>>)
    } else {
    }
    return
  }
}

#map = affine_map<(d0, d1) -> (0)>
#map1 = affine_map<(d0, d1) -> (0, 0)>
module attributes {stable_mosaic.version = 14 : i64} {
  func.func @_mask_body(%arg0: i32, %arg1: i32, %arg2: memref<1048576xf32, #tpu.memory_space<hbm>>, %arg3: memref<64x16384xf32, #tpu.memory_space<hbm>>, %arg4: memref<64x16384xf32, #tpu.memory_space<hbm>>, %arg5: memref<32768xf32, #tpu.memory_space<vmem>>, %arg6: memref<64x512xf32, #tpu.memory_space<vmem>>, %arg7: memref<!tpu.dma_semaphore, #tpu.memory_space<semaphore_mem>>) attributes {dimension_semantics = [#tpu.dimension_semantics<core_parallel>, #tpu.dimension_semantics<subcore_parallel>], iteration_bounds = array<i64: 2, 16>, scalar_prefetch = 0 : i64, scratch_operands = 3 : i64, tpu.core_type = #tpu.core_type<sc_vector_subcore>, window_params = [{transform_indices = #map}, {transform_indices = #map1}, {transform_indices = #map1}]} {
    %mul3A = arith.constant 2 : i32
    %mul3A_0 = arith.muli %arg1, %mul3A : i32
    %add3A = arith.addi %mul3A_0, %arg0 : i32
    %mul3A_1 = arith.constant 512 : i32
    %mul3A_2 = arith.muli %add3A, %mul3A_1 : i32
    %iota3A = tpu.iota {dimensions = array<i32: 0>} : vector<16xi32>
    %dma_start3A = arith.constant 0 : i32
    %dma_start3A_3 = tpu.memref_slice %arg3[%dma_start3A, %mul3A_2] : memref<64x16384xf32, #tpu.memory_space<hbm>> -> memref<64x512xf32, #tpu.memory_space<hbm>>
    %dma_start3A_4 = arith.constant 0 : i32
    %dma_start3A_5 = tpu.memref_slice %arg3[%dma_start3A_4, %mul3A_2] : memref<64x16384xf32, #tpu.memory_space<hbm>> -> memref<64x512xf32, #tpu.memory_space<hbm>>
    tpu.enqueue_dma source(%dma_start3A_5 : memref<64x512xf32, #tpu.memory_space<hbm>>) target(%arg6 : memref<64x512xf32, #tpu.memory_space<vmem>>) target_semaphore(%arg7 : memref<!tpu.dma_semaphore, #tpu.memory_space<semaphore_mem>>)
    %mul3A_6 = arith.constant 64 : i32
    %mul3A_7 = arith.muli %mul3A_2, %mul3A_6 : i32
    "tpu.region"() ({
      %run_scoped3A = tpu.sem_alloc : memref<!tpu.dma_semaphore, #tpu.memory_space<semaphore_mem>>
      %dma_start3A_16 = tpu.memref_slice %arg2[%mul3A_7] : memref<1048576xf32, #tpu.memory_space<hbm>> -> memref<32768xf32, #tpu.memory_space<hbm>>
      %dma_start3A_17 = tpu.memref_slice %arg2[%mul3A_7] : memref<1048576xf32, #tpu.memory_space<hbm>> -> memref<32768xf32, #tpu.memory_space<hbm>>
      tpu.enqueue_dma source(%dma_start3A_17 : memref<32768xf32, #tpu.memory_space<hbm>>) target(%arg5 : memref<32768xf32, #tpu.memory_space<vmem>>) target_semaphore(%run_scoped3A : memref<!tpu.dma_semaphore, #tpu.memory_space<semaphore_mem>>)
      %dma_wait3A_18 = tpu.memref_slice %arg2[%mul3A_7] : memref<1048576xf32, #tpu.memory_space<hbm>> -> memref<32768xf32, #tpu.memory_space<hbm>>
      %dma_wait3A_19 = tpu.memref_slice %arg2[%mul3A_7] : memref<1048576xf32, #tpu.memory_space<hbm>> -> memref<32768xf32, #tpu.memory_space<hbm>>
      tpu.wait_dma2 semaphore(%run_scoped3A : memref<!tpu.dma_semaphore, #tpu.memory_space<semaphore_mem>>) src(%dma_wait3A_19 : memref<32768xf32, #tpu.memory_space<hbm>>) dst(%arg5 : memref<32768xf32, #tpu.memory_space<vmem>>)
      tpu.yield
    }) : () -> ()
    %dma_wait3A = arith.constant 0 : i32
    %dma_wait3A_8 = tpu.memref_slice %arg3[%dma_wait3A, %mul3A_2] : memref<64x16384xf32, #tpu.memory_space<hbm>> -> memref<64x512xf32, #tpu.memory_space<hbm>>
    %dma_wait3A_9 = arith.constant 0 : i32
    %dma_wait3A_10 = tpu.memref_slice %arg3[%dma_wait3A_9, %mul3A_2] : memref<64x16384xf32, #tpu.memory_space<hbm>> -> memref<64x512xf32, #tpu.memory_space<hbm>>
    tpu.wait_dma2 semaphore(%arg7 : memref<!tpu.dma_semaphore, #tpu.memory_space<semaphore_mem>>) src(%dma_wait3A_10 : memref<64x512xf32, #tpu.memory_space<hbm>>) dst(%arg6 : memref<64x512xf32, #tpu.memory_space<vmem>>)
    %scan3A = arith.constant 0 : i32
    %scan3A_11 = arith.constant 0 : i32
    %scan3A_12 = arith.constant 64 : i32
    %scan3A_13 = arith.addi %scan3A_11, %scan3A_12 : i32
    %scan3A_14 = arith.constant 1 : i32
    scf.for %scan3A_16 = %scan3A_11 to %scan3A_13 step %scan3A_14  : i32 {
      %add3A_17 = arith.constant 0 : i32
      %add3A_18 = vector.broadcast %add3A_17 : i32 to vector<16xi32>
      %add3A_19 = arith.addi %iota3A, %add3A_18 : vector<16xi32>
      %shift_left3A = arith.constant 6 : i32
      %shift_left3A_20 = vector.broadcast %shift_left3A : i32 to vector<16xi32>
      %shift_left3A_21 = arith.shli %add3A_19, %shift_left3A_20 : vector<16xi32>
      %add3A_22 = vector.broadcast %scan3A_16 : i32 to vector<16xi32>
      %add3A_23 = arith.addi %shift_left3A_21, %add3A_22 : vector<16xi32>
      %gather3A = tpu.vector_load_idx %arg5[%add3A_23] : memref<32768xf32, #tpu.memory_space<vmem>>[vector<16xi32>], vector<16xf32>,
      %get3A = arith.index_cast %scan3A_16 : i32 to index
      %get3A_24 = arith.constant 0 : index
      %get3A_25 = tpu.vector_load %arg6[%get3A, %get3A_24] {strides = array<i32>} : memref<64x512xf32, #tpu.memory_space<vmem>>, vector<16xf32>,
      %mul3A_26 = arith.mulf %get3A_25, %gather3A : vector<16xf32>
      %sub3A = arith.constant 1.000000e+00 : f32
      %sub3A_27 = vector.broadcast %sub3A : f32 to vector<16xf32>
      %sub3A_28 = arith.subf %sub3A_27, %get3A_25 : vector<16xf32>
      %mul3A_29 = arith.constant -1.000000e+09 : f32
      %mul3A_30 = vector.broadcast %mul3A_29 : f32 to vector<16xf32>
      %mul3A_31 = arith.mulf %sub3A_28, %mul3A_30 : vector<16xf32>
      %add3A_32 = arith.addf %mul3A_26, %mul3A_31 : vector<16xf32>
      %swap3A = arith.index_cast %scan3A_16 : i32 to index
      %swap3A_33 = arith.constant 0 : index
      %swap3A_34 = tpu.vector_load %arg6[%swap3A, %swap3A_33] {strides = array<i32>} : memref<64x512xf32, #tpu.memory_space<vmem>>, vector<16xf32>,
      tpu.vector_store %arg6[%swap3A, %swap3A_33], %add3A_32 {strides = array<i32>} : memref<64x512xf32, #tpu.memory_space<vmem>>, vector<16xf32>,
      %add3A_35 = arith.constant 16 : i32
      %add3A_36 = vector.broadcast %add3A_35 : i32 to vector<16xi32>
      %add3A_37 = arith.addi %iota3A, %add3A_36 : vector<16xi32>
      %shift_left3A_38 = arith.constant 6 : i32
      %shift_left3A_39 = vector.broadcast %shift_left3A_38 : i32 to vector<16xi32>
      %shift_left3A_40 = arith.shli %add3A_37, %shift_left3A_39 : vector<16xi32>
      %add3A_41 = vector.broadcast %scan3A_16 : i32 to vector<16xi32>
      %add3A_42 = arith.addi %shift_left3A_40, %add3A_41 : vector<16xi32>
      %gather3A_43 = tpu.vector_load_idx %arg5[%add3A_42] : memref<32768xf32, #tpu.memory_space<vmem>>[vector<16xi32>], vector<16xf32>,
      %get3A_44 = arith.index_cast %scan3A_16 : i32 to index
      %get3A_45 = arith.constant 16 : index
      %get3A_46 = tpu.vector_load %arg6[%get3A_44, %get3A_45] {strides = array<i32>} : memref<64x512xf32, #tpu.memory_space<vmem>>, vector<16xf32>,
      %mul3A_47 = arith.mulf %get3A_46, %gather3A_43 : vector<16xf32>
      %sub3A_48 = arith.constant 1.000000e+00 : f32
      %sub3A_49 = vector.broadcast %sub3A_48 : f32 to vector<16xf32>
      %sub3A_50 = arith.subf %sub3A_49, %get3A_46 : vector<16xf32>
      %mul3A_51 = arith.constant -1.000000e+09 : f32
      %mul3A_52 = vector.broadcast %mul3A_51 : f32 to vector<16xf32>
      %mul3A_53 = arith.mulf %sub3A_50, %mul3A_52 : vector<16xf32>
      %add3A_54 = arith.addf %mul3A_47, %mul3A_53 : vector<16xf32>
      %swap3A_55 = arith.index_cast %scan3A_16 : i32 to index
      %swap3A_56 = arith.constant 16 : index
      %swap3A_57 = tpu.vector_load %arg6[%swap3A_55, %swap3A_56] {strides = array<i32>} : memref<64x512xf32, #tpu.memory_space<vmem>>, vector<16xf32>,
      tpu.vector_store %arg6[%swap3A_55, %swap3A_56], %add3A_54 {strides = array<i32>} : memref<64x512xf32, #tpu.memory_space<vmem>>, vector<16xf32>,
      %add3A_58 = arith.constant 32 : i32
      %add3A_59 = vector.broadcast %add3A_58 : i32 to vector<16xi32>
      %add3A_60 = arith.addi %iota3A, %add3A_59 : vector<16xi32>
      %shift_left3A_61 = arith.constant 6 : i32
      %shift_left3A_62 = vector.broadcast %shift_left3A_61 : i32 to vector<16xi32>
      %shift_left3A_63 = arith.shli %add3A_60, %shift_left3A_62 : vector<16xi32>
      %add3A_64 = vector.broadcast %scan3A_16 : i32 to vector<16xi32>
      %add3A_65 = arith.addi %shift_left3A_63, %add3A_64 : vector<16xi32>
      %gather3A_66 = tpu.vector_load_idx %arg5[%add3A_65] : memref<32768xf32, #tpu.memory_space<vmem>>[vector<16xi32>], vector<16xf32>,
      %get3A_67 = arith.index_cast %scan3A_16 : i32 to index
      %get3A_68 = arith.constant 32 : index
      %get3A_69 = tpu.vector_load %arg6[%get3A_67, %get3A_68] {strides = array<i32>} : memref<64x512xf32, #tpu.memory_space<vmem>>, vector<16xf32>,
      %mul3A_70 = arith.mulf %get3A_69, %gather3A_66 : vector<16xf32>
      %sub3A_71 = arith.constant 1.000000e+00 : f32
      %sub3A_72 = vector.broadcast %sub3A_71 : f32 to vector<16xf32>
      %sub3A_73 = arith.subf %sub3A_72, %get3A_69 : vector<16xf32>
      %mul3A_74 = arith.constant -1.000000e+09 : f32
      %mul3A_75 = vector.broadcast %mul3A_74 : f32 to vector<16xf32>
      %mul3A_76 = arith.mulf %sub3A_73, %mul3A_75 : vector<16xf32>
      %add3A_77 = arith.addf %mul3A_70, %mul3A_76 : vector<16xf32>
      %swap3A_78 = arith.index_cast %scan3A_16 : i32 to index
      %swap3A_79 = arith.constant 32 : index
      %swap3A_80 = tpu.vector_load %arg6[%swap3A_78, %swap3A_79] {strides = array<i32>} : memref<64x512xf32, #tpu.memory_space<vmem>>, vector<16xf32>,
      tpu.vector_store %arg6[%swap3A_78, %swap3A_79], %add3A_77 {strides = array<i32>} : memref<64x512xf32, #tpu.memory_space<vmem>>, vector<16xf32>,
      %add3A_81 = arith.constant 48 : i32
      %add3A_82 = vector.broadcast %add3A_81 : i32 to vector<16xi32>
      %add3A_83 = arith.addi %iota3A, %add3A_82 : vector<16xi32>
      %shift_left3A_84 = arith.constant 6 : i32
      %shift_left3A_85 = vector.broadcast %shift_left3A_84 : i32 to vector<16xi32>
      %shift_left3A_86 = arith.shli %add3A_83, %shift_left3A_85 : vector<16xi32>
      %add3A_87 = vector.broadcast %scan3A_16 : i32 to vector<16xi32>
      %add3A_88 = arith.addi %shift_left3A_86, %add3A_87 : vector<16xi32>
      %gather3A_89 = tpu.vector_load_idx %arg5[%add3A_88] : memref<32768xf32, #tpu.memory_space<vmem>>[vector<16xi32>], vector<16xf32>,
      %get3A_90 = arith.index_cast %scan3A_16 : i32 to index
      %get3A_91 = arith.constant 48 : index
      %get3A_92 = tpu.vector_load %arg6[%get3A_90, %get3A_91] {strides = array<i32>} : memref<64x512xf32, #tpu.memory_space<vmem>>, vector<16xf32>,
      %mul3A_93 = arith.mulf %get3A_92, %gather3A_89 : vector<16xf32>
      %sub3A_94 = arith.constant 1.000000e+00 : f32
      %sub3A_95 = vector.broadcast %sub3A_94 : f32 to vector<16xf32>
      %sub3A_96 = arith.subf %sub3A_95, %get3A_92 : vector<16xf32>
      %mul3A_97 = arith.constant -1.000000e+09 : f32
      %mul3A_98 = vector.broadcast %mul3A_97 : f32 to vector<16xf32>
      %mul3A_99 = arith.mulf %sub3A_96, %mul3A_98 : vector<16xf32>
      %add3A_100 = arith.addf %mul3A_93, %mul3A_99 : vector<16xf32>
      %swap3A_101 = arith.index_cast %scan3A_16 : i32 to index
      %swap3A_102 = arith.constant 48 : index
      %swap3A_103 = tpu.vector_load %arg6[%swap3A_101, %swap3A_102] {strides = array<i32>} : memref<64x512xf32, #tpu.memory_space<vmem>>, vector<16xf32>,
      tpu.vector_store %arg6[%swap3A_101, %swap3A_102], %add3A_100 {strides = array<i32>} : memref<64x512xf32, #tpu.memory_space<vmem>>, vector<16xf32>,
      %add3A_104 = arith.constant 64 : i32
      %add3A_105 = vector.broadcast %add3A_104 : i32 to vector<16xi32>
      %add3A_106 = arith.addi %iota3A, %add3A_105 : vector<16xi32>
      %shift_left3A_107 = arith.constant 6 : i32
      %shift_left3A_108 = vector.broadcast %shift_left3A_107 : i32 to vector<16xi32>
      %shift_left3A_109 = arith.shli %add3A_106, %shift_left3A_108 : vector<16xi32>
      %add3A_110 = vector.broadcast %scan3A_16 : i32 to vector<16xi32>
      %add3A_111 = arith.addi %shift_left3A_109, %add3A_110 : vector<16xi32>
      %gather3A_112 = tpu.vector_load_idx %arg5[%add3A_111] : memref<32768xf32, #tpu.memory_space<vmem>>[vector<16xi32>], vector<16xf32>,
      %get3A_113 = arith.index_cast %scan3A_16 : i32 to index
      %get3A_114 = arith.constant 64 : index
      %get3A_115 = tpu.vector_load %arg6[%get3A_113, %get3A_114] {strides = array<i32>} : memref<64x512xf32, #tpu.memory_space<vmem>>, vector<16xf32>,
      %mul3A_116 = arith.mulf %get3A_115, %gather3A_112 : vector<16xf32>
      %sub3A_117 = arith.constant 1.000000e+00 : f32
      %sub3A_118 = vector.broadcast %sub3A_117 : f32 to vector<16xf32>
      %sub3A_119 = arith.subf %sub3A_118, %get3A_115 : vector<16xf32>
      %mul3A_120 = arith.constant -1.000000e+09 : f32
      %mul3A_121 = vector.broadcast %mul3A_120 : f32 to vector<16xf32>
      %mul3A_122 = arith.mulf %sub3A_119, %mul3A_121 : vector<16xf32>
      %add3A_123 = arith.addf %mul3A_116, %mul3A_122 : vector<16xf32>
      %swap3A_124 = arith.index_cast %scan3A_16 : i32 to index
      %swap3A_125 = arith.constant 64 : index
      %swap3A_126 = tpu.vector_load %arg6[%swap3A_124, %swap3A_125] {strides = array<i32>} : memref<64x512xf32, #tpu.memory_space<vmem>>, vector<16xf32>,
      tpu.vector_store %arg6[%swap3A_124, %swap3A_125], %add3A_123 {strides = array<i32>} : memref<64x512xf32, #tpu.memory_space<vmem>>, vector<16xf32>,
      %add3A_127 = arith.constant 80 : i32
      %add3A_128 = vector.broadcast %add3A_127 : i32 to vector<16xi32>
      %add3A_129 = arith.addi %iota3A, %add3A_128 : vector<16xi32>
      %shift_left3A_130 = arith.constant 6 : i32
      %shift_left3A_131 = vector.broadcast %shift_left3A_130 : i32 to vector<16xi32>
      %shift_left3A_132 = arith.shli %add3A_129, %shift_left3A_131 : vector<16xi32>
      %add3A_133 = vector.broadcast %scan3A_16 : i32 to vector<16xi32>
      %add3A_134 = arith.addi %shift_left3A_132, %add3A_133 : vector<16xi32>
      %gather3A_135 = tpu.vector_load_idx %arg5[%add3A_134] : memref<32768xf32, #tpu.memory_space<vmem>>[vector<16xi32>], vector<16xf32>,
      %get3A_136 = arith.index_cast %scan3A_16 : i32 to index
      %get3A_137 = arith.constant 80 : index
      %get3A_138 = tpu.vector_load %arg6[%get3A_136, %get3A_137] {strides = array<i32>} : memref<64x512xf32, #tpu.memory_space<vmem>>, vector<16xf32>,
      %mul3A_139 = arith.mulf %get3A_138, %gather3A_135 : vector<16xf32>
      %sub3A_140 = arith.constant 1.000000e+00 : f32
      %sub3A_141 = vector.broadcast %sub3A_140 : f32 to vector<16xf32>
      %sub3A_142 = arith.subf %sub3A_141, %get3A_138 : vector<16xf32>
      %mul3A_143 = arith.constant -1.000000e+09 : f32
      %mul3A_144 = vector.broadcast %mul3A_143 : f32 to vector<16xf32>
      %mul3A_145 = arith.mulf %sub3A_142, %mul3A_144 : vector<16xf32>
      %add3A_146 = arith.addf %mul3A_139, %mul3A_145 : vector<16xf32>
      %swap3A_147 = arith.index_cast %scan3A_16 : i32 to index
      %swap3A_148 = arith.constant 80 : index
      %swap3A_149 = tpu.vector_load %arg6[%swap3A_147, %swap3A_148] {strides = array<i32>} : memref<64x512xf32, #tpu.memory_space<vmem>>, vector<16xf32>,
      tpu.vector_store %arg6[%swap3A_147, %swap3A_148], %add3A_146 {strides = array<i32>} : memref<64x512xf32, #tpu.memory_space<vmem>>, vector<16xf32>,
      %add3A_150 = arith.constant 96 : i32
      %add3A_151 = vector.broadcast %add3A_150 : i32 to vector<16xi32>
      %add3A_152 = arith.addi %iota3A, %add3A_151 : vector<16xi32>
      %shift_left3A_153 = arith.constant 6 : i32
      %shift_left3A_154 = vector.broadcast %shift_left3A_153 : i32 to vector<16xi32>
      %shift_left3A_155 = arith.shli %add3A_152, %shift_left3A_154 : vector<16xi32>
      %add3A_156 = vector.broadcast %scan3A_16 : i32 to vector<16xi32>
      %add3A_157 = arith.addi %shift_left3A_155, %add3A_156 : vector<16xi32>
      %gather3A_158 = tpu.vector_load_idx %arg5[%add3A_157] : memref<32768xf32, #tpu.memory_space<vmem>>[vector<16xi32>], vector<16xf32>,
      %get3A_159 = arith.index_cast %scan3A_16 : i32 to index
      %get3A_160 = arith.constant 96 : index
      %get3A_161 = tpu.vector_load %arg6[%get3A_159, %get3A_160] {strides = array<i32>} : memref<64x512xf32, #tpu.memory_space<vmem>>, vector<16xf32>,
      %mul3A_162 = arith.mulf %get3A_161, %gather3A_158 : vector<16xf32>
      %sub3A_163 = arith.constant 1.000000e+00 : f32
      %sub3A_164 = vector.broadcast %sub3A_163 : f32 to vector<16xf32>
      %sub3A_165 = arith.subf %sub3A_164, %get3A_161 : vector<16xf32>
      %mul3A_166 = arith.constant -1.000000e+09 : f32
      %mul3A_167 = vector.broadcast %mul3A_166 : f32 to vector<16xf32>
      %mul3A_168 = arith.mulf %sub3A_165, %mul3A_167 : vector<16xf32>
      %add3A_169 = arith.addf %mul3A_162, %mul3A_168 : vector<16xf32>
      %swap3A_170 = arith.index_cast %scan3A_16 : i32 to index
      %swap3A_171 = arith.constant 96 : index
      %swap3A_172 = tpu.vector_load %arg6[%swap3A_170, %swap3A_171] {strides = array<i32>} : memref<64x512xf32, #tpu.memory_space<vmem>>, vector<16xf32>,
      tpu.vector_store %arg6[%swap3A_170, %swap3A_171], %add3A_169 {strides = array<i32>} : memref<64x512xf32, #tpu.memory_space<vmem>>, vector<16xf32>,
      %add3A_173 = arith.constant 112 : i32
      %add3A_174 = vector.broadcast %add3A_173 : i32 to vector<16xi32>
      %add3A_175 = arith.addi %iota3A, %add3A_174 : vector<16xi32>
      %shift_left3A_176 = arith.constant 6 : i32
      %shift_left3A_177 = vector.broadcast %shift_left3A_176 : i32 to vector<16xi32>
      %shift_left3A_178 = arith.shli %add3A_175, %shift_left3A_177 : vector<16xi32>
      %add3A_179 = vector.broadcast %scan3A_16 : i32 to vector<16xi32>
      %add3A_180 = arith.addi %shift_left3A_178, %add3A_179 : vector<16xi32>
      %gather3A_181 = tpu.vector_load_idx %arg5[%add3A_180] : memref<32768xf32, #tpu.memory_space<vmem>>[vector<16xi32>], vector<16xf32>,
      %get3A_182 = arith.index_cast %scan3A_16 : i32 to index
      %get3A_183 = arith.constant 112 : index
      %get3A_184 = tpu.vector_load %arg6[%get3A_182, %get3A_183] {strides = array<i32>} : memref<64x512xf32, #tpu.memory_space<vmem>>, vector<16xf32>,
      %mul3A_185 = arith.mulf %get3A_184, %gather3A_181 : vector<16xf32>
      %sub3A_186 = arith.constant 1.000000e+00 : f32
      %sub3A_187 = vector.broadcast %sub3A_186 : f32 to vector<16xf32>
      %sub3A_188 = arith.subf %sub3A_187, %get3A_184 : vector<16xf32>
      %mul3A_189 = arith.constant -1.000000e+09 : f32
      %mul3A_190 = vector.broadcast %mul3A_189 : f32 to vector<16xf32>
      %mul3A_191 = arith.mulf %sub3A_188, %mul3A_190 : vector<16xf32>
      %add3A_192 = arith.addf %mul3A_185, %mul3A_191 : vector<16xf32>
      %swap3A_193 = arith.index_cast %scan3A_16 : i32 to index
      %swap3A_194 = arith.constant 112 : index
      %swap3A_195 = tpu.vector_load %arg6[%swap3A_193, %swap3A_194] {strides = array<i32>} : memref<64x512xf32, #tpu.memory_space<vmem>>, vector<16xf32>,
      tpu.vector_store %arg6[%swap3A_193, %swap3A_194], %add3A_192 {strides = array<i32>} : memref<64x512xf32, #tpu.memory_space<vmem>>, vector<16xf32>,
      %add3A_196 = arith.constant 128 : i32
      %add3A_197 = vector.broadcast %add3A_196 : i32 to vector<16xi32>
      %add3A_198 = arith.addi %iota3A, %add3A_197 : vector<16xi32>
      %shift_left3A_199 = arith.constant 6 : i32
      %shift_left3A_200 = vector.broadcast %shift_left3A_199 : i32 to vector<16xi32>
      %shift_left3A_201 = arith.shli %add3A_198, %shift_left3A_200 : vector<16xi32>
      %add3A_202 = vector.broadcast %scan3A_16 : i32 to vector<16xi32>
      %add3A_203 = arith.addi %shift_left3A_201, %add3A_202 : vector<16xi32>
      %gather3A_204 = tpu.vector_load_idx %arg5[%add3A_203] : memref<32768xf32, #tpu.memory_space<vmem>>[vector<16xi32>], vector<16xf32>,
      %get3A_205 = arith.index_cast %scan3A_16 : i32 to index
      %get3A_206 = arith.constant 128 : index
      %get3A_207 = tpu.vector_load %arg6[%get3A_205, %get3A_206] {strides = array<i32>} : memref<64x512xf32, #tpu.memory_space<vmem>>, vector<16xf32>,
      %mul3A_208 = arith.mulf %get3A_207, %gather3A_204 : vector<16xf32>
      %sub3A_209 = arith.constant 1.000000e+00 : f32
      %sub3A_210 = vector.broadcast %sub3A_209 : f32 to vector<16xf32>
      %sub3A_211 = arith.subf %sub3A_210, %get3A_207 : vector<16xf32>
      %mul3A_212 = arith.constant -1.000000e+09 : f32
      %mul3A_213 = vector.broadcast %mul3A_212 : f32 to vector<16xf32>
      %mul3A_214 = arith.mulf %sub3A_211, %mul3A_213 : vector<16xf32>
      %add3A_215 = arith.addf %mul3A_208, %mul3A_214 : vector<16xf32>
      %swap3A_216 = arith.index_cast %scan3A_16 : i32 to index
      %swap3A_217 = arith.constant 128 : index
      %swap3A_218 = tpu.vector_load %arg6[%swap3A_216, %swap3A_217] {strides = array<i32>} : memref<64x512xf32, #tpu.memory_space<vmem>>, vector<16xf32>,
      tpu.vector_store %arg6[%swap3A_216, %swap3A_217], %add3A_215 {strides = array<i32>} : memref<64x512xf32, #tpu.memory_space<vmem>>, vector<16xf32>,
      %add3A_219 = arith.constant 144 : i32
      %add3A_220 = vector.broadcast %add3A_219 : i32 to vector<16xi32>
      %add3A_221 = arith.addi %iota3A, %add3A_220 : vector<16xi32>
      %shift_left3A_222 = arith.constant 6 : i32
      %shift_left3A_223 = vector.broadcast %shift_left3A_222 : i32 to vector<16xi32>
      %shift_left3A_224 = arith.shli %add3A_221, %shift_left3A_223 : vector<16xi32>
      %add3A_225 = vector.broadcast %scan3A_16 : i32 to vector<16xi32>
      %add3A_226 = arith.addi %shift_left3A_224, %add3A_225 : vector<16xi32>
      %gather3A_227 = tpu.vector_load_idx %arg5[%add3A_226] : memref<32768xf32, #tpu.memory_space<vmem>>[vector<16xi32>], vector<16xf32>,
      %get3A_228 = arith.index_cast %scan3A_16 : i32 to index
      %get3A_229 = arith.constant 144 : index
      %get3A_230 = tpu.vector_load %arg6[%get3A_228, %get3A_229] {strides = array<i32>} : memref<64x512xf32, #tpu.memory_space<vmem>>, vector<16xf32>,
      %mul3A_231 = arith.mulf %get3A_230, %gather3A_227 : vector<16xf32>
      %sub3A_232 = arith.constant 1.000000e+00 : f32
      %sub3A_233 = vector.broadcast %sub3A_232 : f32 to vector<16xf32>
      %sub3A_234 = arith.subf %sub3A_233, %get3A_230 : vector<16xf32>
      %mul3A_235 = arith.constant -1.000000e+09 : f32
      %mul3A_236 = vector.broadcast %mul3A_235 : f32 to vector<16xf32>
      %mul3A_237 = arith.mulf %sub3A_234, %mul3A_236 : vector<16xf32>
      %add3A_238 = arith.addf %mul3A_231, %mul3A_237 : vector<16xf32>
      %swap3A_239 = arith.index_cast %scan3A_16 : i32 to index
      %swap3A_240 = arith.constant 144 : index
      %swap3A_241 = tpu.vector_load %arg6[%swap3A_239, %swap3A_240] {strides = array<i32>} : memref<64x512xf32, #tpu.memory_space<vmem>>, vector<16xf32>,
      tpu.vector_store %arg6[%swap3A_239, %swap3A_240], %add3A_238 {strides = array<i32>} : memref<64x512xf32, #tpu.memory_space<vmem>>, vector<16xf32>,
      %add3A_242 = arith.constant 160 : i32
      %add3A_243 = vector.broadcast %add3A_242 : i32 to vector<16xi32>
      %add3A_244 = arith.addi %iota3A, %add3A_243 : vector<16xi32>
      %shift_left3A_245 = arith.constant 6 : i32
      %shift_left3A_246 = vector.broadcast %shift_left3A_245 : i32 to vector<16xi32>
      %shift_left3A_247 = arith.shli %add3A_244, %shift_left3A_246 : vector<16xi32>
      %add3A_248 = vector.broadcast %scan3A_16 : i32 to vector<16xi32>
      %add3A_249 = arith.addi %shift_left3A_247, %add3A_248 : vector<16xi32>
      %gather3A_250 = tpu.vector_load_idx %arg5[%add3A_249] : memref<32768xf32, #tpu.memory_space<vmem>>[vector<16xi32>], vector<16xf32>,
      %get3A_251 = arith.index_cast %scan3A_16 : i32 to index
      %get3A_252 = arith.constant 160 : index
      %get3A_253 = tpu.vector_load %arg6[%get3A_251, %get3A_252] {strides = array<i32>} : memref<64x512xf32, #tpu.memory_space<vmem>>, vector<16xf32>,
      %mul3A_254 = arith.mulf %get3A_253, %gather3A_250 : vector<16xf32>
      %sub3A_255 = arith.constant 1.000000e+00 : f32
      %sub3A_256 = vector.broadcast %sub3A_255 : f32 to vector<16xf32>
      %sub3A_257 = arith.subf %sub3A_256, %get3A_253 : vector<16xf32>
      %mul3A_258 = arith.constant -1.000000e+09 : f32
      %mul3A_259 = vector.broadcast %mul3A_258 : f32 to vector<16xf32>
      %mul3A_260 = arith.mulf %sub3A_257, %mul3A_259 : vector<16xf32>
      %add3A_261 = arith.addf %mul3A_254, %mul3A_260 : vector<16xf32>
      %swap3A_262 = arith.index_cast %scan3A_16 : i32 to index
      %swap3A_263 = arith.constant 160 : index
      %swap3A_264 = tpu.vector_load %arg6[%swap3A_262, %swap3A_263] {strides = array<i32>} : memref<64x512xf32, #tpu.memory_space<vmem>>, vector<16xf32>,
      tpu.vector_store %arg6[%swap3A_262, %swap3A_263], %add3A_261 {strides = array<i32>} : memref<64x512xf32, #tpu.memory_space<vmem>>, vector<16xf32>,
      %add3A_265 = arith.constant 176 : i32
      %add3A_266 = vector.broadcast %add3A_265 : i32 to vector<16xi32>
      %add3A_267 = arith.addi %iota3A, %add3A_266 : vector<16xi32>
      %shift_left3A_268 = arith.constant 6 : i32
      %shift_left3A_269 = vector.broadcast %shift_left3A_268 : i32 to vector<16xi32>
      %shift_left3A_270 = arith.shli %add3A_267, %shift_left3A_269 : vector<16xi32>
      %add3A_271 = vector.broadcast %scan3A_16 : i32 to vector<16xi32>
      %add3A_272 = arith.addi %shift_left3A_270, %add3A_271 : vector<16xi32>
      %gather3A_273 = tpu.vector_load_idx %arg5[%add3A_272] : memref<32768xf32, #tpu.memory_space<vmem>>[vector<16xi32>], vector<16xf32>,
      %get3A_274 = arith.index_cast %scan3A_16 : i32 to index
      %get3A_275 = arith.constant 176 : index
      %get3A_276 = tpu.vector_load %arg6[%get3A_274, %get3A_275] {strides = array<i32>} : memref<64x512xf32, #tpu.memory_space<vmem>>, vector<16xf32>,
      %mul3A_277 = arith.mulf %get3A_276, %gather3A_273 : vector<16xf32>
      %sub3A_278 = arith.constant 1.000000e+00 : f32
      %sub3A_279 = vector.broadcast %sub3A_278 : f32 to vector<16xf32>
      %sub3A_280 = arith.subf %sub3A_279, %get3A_276 : vector<16xf32>
      %mul3A_281 = arith.constant -1.000000e+09 : f32
      %mul3A_282 = vector.broadcast %mul3A_281 : f32 to vector<16xf32>
      %mul3A_283 = arith.mulf %sub3A_280, %mul3A_282 : vector<16xf32>
      %add3A_284 = arith.addf %mul3A_277, %mul3A_283 : vector<16xf32>
      %swap3A_285 = arith.index_cast %scan3A_16 : i32 to index
      %swap3A_286 = arith.constant 176 : index
      %swap3A_287 = tpu.vector_load %arg6[%swap3A_285, %swap3A_286] {strides = array<i32>} : memref<64x512xf32, #tpu.memory_space<vmem>>, vector<16xf32>,
      tpu.vector_store %arg6[%swap3A_285, %swap3A_286], %add3A_284 {strides = array<i32>} : memref<64x512xf32, #tpu.memory_space<vmem>>, vector<16xf32>,
      %add3A_288 = arith.constant 192 : i32
      %add3A_289 = vector.broadcast %add3A_288 : i32 to vector<16xi32>
      %add3A_290 = arith.addi %iota3A, %add3A_289 : vector<16xi32>
      %shift_left3A_291 = arith.constant 6 : i32
      %shift_left3A_292 = vector.broadcast %shift_left3A_291 : i32 to vector<16xi32>
      %shift_left3A_293 = arith.shli %add3A_290, %shift_left3A_292 : vector<16xi32>
      %add3A_294 = vector.broadcast %scan3A_16 : i32 to vector<16xi32>
      %add3A_295 = arith.addi %shift_left3A_293, %add3A_294 : vector<16xi32>
      %gather3A_296 = tpu.vector_load_idx %arg5[%add3A_295] : memref<32768xf32, #tpu.memory_space<vmem>>[vector<16xi32>], vector<16xf32>,
      %get3A_297 = arith.index_cast %scan3A_16 : i32 to index
      %get3A_298 = arith.constant 192 : index
      %get3A_299 = tpu.vector_load %arg6[%get3A_297, %get3A_298] {strides = array<i32>} : memref<64x512xf32, #tpu.memory_space<vmem>>, vector<16xf32>,
      %mul3A_300 = arith.mulf %get3A_299, %gather3A_296 : vector<16xf32>
      %sub3A_301 = arith.constant 1.000000e+00 : f32
      %sub3A_302 = vector.broadcast %sub3A_301 : f32 to vector<16xf32>
      %sub3A_303 = arith.subf %sub3A_302, %get3A_299 : vector<16xf32>
      %mul3A_304 = arith.constant -1.000000e+09 : f32
      %mul3A_305 = vector.broadcast %mul3A_304 : f32 to vector<16xf32>
      %mul3A_306 = arith.mulf %sub3A_303, %mul3A_305 : vector<16xf32>
      %add3A_307 = arith.addf %mul3A_300, %mul3A_306 : vector<16xf32>
      %swap3A_308 = arith.index_cast %scan3A_16 : i32 to index
      %swap3A_309 = arith.constant 192 : index
      %swap3A_310 = tpu.vector_load %arg6[%swap3A_308, %swap3A_309] {strides = array<i32>} : memref<64x512xf32, #tpu.memory_space<vmem>>, vector<16xf32>,
      tpu.vector_store %arg6[%swap3A_308, %swap3A_309], %add3A_307 {strides = array<i32>} : memref<64x512xf32, #tpu.memory_space<vmem>>, vector<16xf32>,
      %add3A_311 = arith.constant 208 : i32
      %add3A_312 = vector.broadcast %add3A_311 : i32 to vector<16xi32>
      %add3A_313 = arith.addi %iota3A, %add3A_312 : vector<16xi32>
      %shift_left3A_314 = arith.constant 6 : i32
      %shift_left3A_315 = vector.broadcast %shift_left3A_314 : i32 to vector<16xi32>
      %shift_left3A_316 = arith.shli %add3A_313, %shift_left3A_315 : vector<16xi32>
      %add3A_317 = vector.broadcast %scan3A_16 : i32 to vector<16xi32>
      %add3A_318 = arith.addi %shift_left3A_316, %add3A_317 : vector<16xi32>
      %gather3A_319 = tpu.vector_load_idx %arg5[%add3A_318] : memref<32768xf32, #tpu.memory_space<vmem>>[vector<16xi32>], vector<16xf32>,
      %get3A_320 = arith.index_cast %scan3A_16 : i32 to index
      %get3A_321 = arith.constant 208 : index
      %get3A_322 = tpu.vector_load %arg6[%get3A_320, %get3A_321] {strides = array<i32>} : memref<64x512xf32, #tpu.memory_space<vmem>>, vector<16xf32>,
      %mul3A_323 = arith.mulf %get3A_322, %gather3A_319 : vector<16xf32>
      %sub3A_324 = arith.constant 1.000000e+00 : f32
      %sub3A_325 = vector.broadcast %sub3A_324 : f32 to vector<16xf32>
      %sub3A_326 = arith.subf %sub3A_325, %get3A_322 : vector<16xf32>
      %mul3A_327 = arith.constant -1.000000e+09 : f32
      %mul3A_328 = vector.broadcast %mul3A_327 : f32 to vector<16xf32>
      %mul3A_329 = arith.mulf %sub3A_326, %mul3A_328 : vector<16xf32>
      %add3A_330 = arith.addf %mul3A_323, %mul3A_329 : vector<16xf32>
      %swap3A_331 = arith.index_cast %scan3A_16 : i32 to index
      %swap3A_332 = arith.constant 208 : index
      %swap3A_333 = tpu.vector_load %arg6[%swap3A_331, %swap3A_332] {strides = array<i32>} : memref<64x512xf32, #tpu.memory_space<vmem>>, vector<16xf32>,
      tpu.vector_store %arg6[%swap3A_331, %swap3A_332], %add3A_330 {strides = array<i32>} : memref<64x512xf32, #tpu.memory_space<vmem>>, vector<16xf32>,
      %add3A_334 = arith.constant 224 : i32
      %add3A_335 = vector.broadcast %add3A_334 : i32 to vector<16xi32>
      %add3A_336 = arith.addi %iota3A, %add3A_335 : vector<16xi32>
      %shift_left3A_337 = arith.constant 6 : i32
      %shift_left3A_338 = vector.broadcast %shift_left3A_337 : i32 to vector<16xi32>
      %shift_left3A_339 = arith.shli %add3A_336, %shift_left3A_338 : vector<16xi32>
      %add3A_340 = vector.broadcast %scan3A_16 : i32 to vector<16xi32>
      %add3A_341 = arith.addi %shift_left3A_339, %add3A_340 : vector<16xi32>
      %gather3A_342 = tpu.vector_load_idx %arg5[%add3A_341] : memref<32768xf32, #tpu.memory_space<vmem>>[vector<16xi32>], vector<16xf32>,
      %get3A_343 = arith.index_cast %scan3A_16 : i32 to index
      %get3A_344 = arith.constant 224 : index
      %get3A_345 = tpu.vector_load %arg6[%get3A_343, %get3A_344] {strides = array<i32>} : memref<64x512xf32, #tpu.memory_space<vmem>>, vector<16xf32>,
      %mul3A_346 = arith.mulf %get3A_345, %gather3A_342 : vector<16xf32>
      %sub3A_347 = arith.constant 1.000000e+00 : f32
      %sub3A_348 = vector.broadcast %sub3A_347 : f32 to vector<16xf32>
      %sub3A_349 = arith.subf %sub3A_348, %get3A_345 : vector<16xf32>
      %mul3A_350 = arith.constant -1.000000e+09 : f32
      %mul3A_351 = vector.broadcast %mul3A_350 : f32 to vector<16xf32>
      %mul3A_352 = arith.mulf %sub3A_349, %mul3A_351 : vector<16xf32>
      %add3A_353 = arith.addf %mul3A_346, %mul3A_352 : vector<16xf32>
      %swap3A_354 = arith.index_cast %scan3A_16 : i32 to index
      %swap3A_355 = arith.constant 224 : index
      %swap3A_356 = tpu.vector_load %arg6[%swap3A_354, %swap3A_355] {strides = array<i32>} : memref<64x512xf32, #tpu.memory_space<vmem>>, vector<16xf32>,
      tpu.vector_store %arg6[%swap3A_354, %swap3A_355], %add3A_353 {strides = array<i32>} : memref<64x512xf32, #tpu.memory_space<vmem>>, vector<16xf32>,
      %add3A_357 = arith.constant 240 : i32
      %add3A_358 = vector.broadcast %add3A_357 : i32 to vector<16xi32>
      %add3A_359 = arith.addi %iota3A, %add3A_358 : vector<16xi32>
      %shift_left3A_360 = arith.constant 6 : i32
      %shift_left3A_361 = vector.broadcast %shift_left3A_360 : i32 to vector<16xi32>
      %shift_left3A_362 = arith.shli %add3A_359, %shift_left3A_361 : vector<16xi32>
      %add3A_363 = vector.broadcast %scan3A_16 : i32 to vector<16xi32>
      %add3A_364 = arith.addi %shift_left3A_362, %add3A_363 : vector<16xi32>
      %gather3A_365 = tpu.vector_load_idx %arg5[%add3A_364] : memref<32768xf32, #tpu.memory_space<vmem>>[vector<16xi32>], vector<16xf32>,
      %get3A_366 = arith.index_cast %scan3A_16 : i32 to index
      %get3A_367 = arith.constant 240 : index
      %get3A_368 = tpu.vector_load %arg6[%get3A_366, %get3A_367] {strides = array<i32>} : memref<64x512xf32, #tpu.memory_space<vmem>>, vector<16xf32>,
      %mul3A_369 = arith.mulf %get3A_368, %gather3A_365 : vector<16xf32>
      %sub3A_370 = arith.constant 1.000000e+00 : f32
      %sub3A_371 = vector.broadcast %sub3A_370 : f32 to vector<16xf32>
      %sub3A_372 = arith.subf %sub3A_371, %get3A_368 : vector<16xf32>
      %mul3A_373 = arith.constant -1.000000e+09 : f32
      %mul3A_374 = vector.broadcast %mul3A_373 : f32 to vector<16xf32>
      %mul3A_375 = arith.mulf %sub3A_372, %mul3A_374 : vector<16xf32>
      %add3A_376 = arith.addf %mul3A_369, %mul3A_375 : vector<16xf32>
      %swap3A_377 = arith.index_cast %scan3A_16 : i32 to index
      %swap3A_378 = arith.constant 240 : index
      %swap3A_379 = tpu.vector_load %arg6[%swap3A_377, %swap3A_378] {strides = array<i32>} : memref<64x512xf32, #tpu.memory_space<vmem>>, vector<16xf32>,
      tpu.vector_store %arg6[%swap3A_377, %swap3A_378], %add3A_376 {strides = array<i32>} : memref<64x512xf32, #tpu.memory_space<vmem>>, vector<16xf32>,
      %add3A_380 = arith.constant 256 : i32
      %add3A_381 = vector.broadcast %add3A_380 : i32 to vector<16xi32>
      %add3A_382 = arith.addi %iota3A, %add3A_381 : vector<16xi32>
      %shift_left3A_383 = arith.constant 6 : i32
      %shift_left3A_384 = vector.broadcast %shift_left3A_383 : i32 to vector<16xi32>
      %shift_left3A_385 = arith.shli %add3A_382, %shift_left3A_384 : vector<16xi32>
      %add3A_386 = vector.broadcast %scan3A_16 : i32 to vector<16xi32>
      %add3A_387 = arith.addi %shift_left3A_385, %add3A_386 : vector<16xi32>
      %gather3A_388 = tpu.vector_load_idx %arg5[%add3A_387] : memref<32768xf32, #tpu.memory_space<vmem>>[vector<16xi32>], vector<16xf32>,
      %get3A_389 = arith.index_cast %scan3A_16 : i32 to index
      %get3A_390 = arith.constant 256 : index
      %get3A_391 = tpu.vector_load %arg6[%get3A_389, %get3A_390] {strides = array<i32>} : memref<64x512xf32, #tpu.memory_space<vmem>>, vector<16xf32>,
      %mul3A_392 = arith.mulf %get3A_391, %gather3A_388 : vector<16xf32>
      %sub3A_393 = arith.constant 1.000000e+00 : f32
      %sub3A_394 = vector.broadcast %sub3A_393 : f32 to vector<16xf32>
      %sub3A_395 = arith.subf %sub3A_394, %get3A_391 : vector<16xf32>
      %mul3A_396 = arith.constant -1.000000e+09 : f32
      %mul3A_397 = vector.broadcast %mul3A_396 : f32 to vector<16xf32>
      %mul3A_398 = arith.mulf %sub3A_395, %mul3A_397 : vector<16xf32>
      %add3A_399 = arith.addf %mul3A_392, %mul3A_398 : vector<16xf32>
      %swap3A_400 = arith.index_cast %scan3A_16 : i32 to index
      %swap3A_401 = arith.constant 256 : index
      %swap3A_402 = tpu.vector_load %arg6[%swap3A_400, %swap3A_401] {strides = array<i32>} : memref<64x512xf32, #tpu.memory_space<vmem>>, vector<16xf32>,
      tpu.vector_store %arg6[%swap3A_400, %swap3A_401], %add3A_399 {strides = array<i32>} : memref<64x512xf32, #tpu.memory_space<vmem>>, vector<16xf32>,
      %add3A_403 = arith.constant 272 : i32
      %add3A_404 = vector.broadcast %add3A_403 : i32 to vector<16xi32>
      %add3A_405 = arith.addi %iota3A, %add3A_404 : vector<16xi32>
      %shift_left3A_406 = arith.constant 6 : i32
      %shift_left3A_407 = vector.broadcast %shift_left3A_406 : i32 to vector<16xi32>
      %shift_left3A_408 = arith.shli %add3A_405, %shift_left3A_407 : vector<16xi32>
      %add3A_409 = vector.broadcast %scan3A_16 : i32 to vector<16xi32>
      %add3A_410 = arith.addi %shift_left3A_408, %add3A_409 : vector<16xi32>
      %gather3A_411 = tpu.vector_load_idx %arg5[%add3A_410] : memref<32768xf32, #tpu.memory_space<vmem>>[vector<16xi32>], vector<16xf32>,
      %get3A_412 = arith.index_cast %scan3A_16 : i32 to index
      %get3A_413 = arith.constant 272 : index
      %get3A_414 = tpu.vector_load %arg6[%get3A_412, %get3A_413] {strides = array<i32>} : memref<64x512xf32, #tpu.memory_space<vmem>>, vector<16xf32>,
      %mul3A_415 = arith.mulf %get3A_414, %gather3A_411 : vector<16xf32>
      %sub3A_416 = arith.constant 1.000000e+00 : f32
      %sub3A_417 = vector.broadcast %sub3A_416 : f32 to vector<16xf32>
      %sub3A_418 = arith.subf %sub3A_417, %get3A_414 : vector<16xf32>
      %mul3A_419 = arith.constant -1.000000e+09 : f32
      %mul3A_420 = vector.broadcast %mul3A_419 : f32 to vector<16xf32>
      %mul3A_421 = arith.mulf %sub3A_418, %mul3A_420 : vector<16xf32>
      %add3A_422 = arith.addf %mul3A_415, %mul3A_421 : vector<16xf32>
      %swap3A_423 = arith.index_cast %scan3A_16 : i32 to index
      %swap3A_424 = arith.constant 272 : index
      %swap3A_425 = tpu.vector_load %arg6[%swap3A_423, %swap3A_424] {strides = array<i32>} : memref<64x512xf32, #tpu.memory_space<vmem>>, vector<16xf32>,
      tpu.vector_store %arg6[%swap3A_423, %swap3A_424], %add3A_422 {strides = array<i32>} : memref<64x512xf32, #tpu.memory_space<vmem>>, vector<16xf32>,
      %add3A_426 = arith.constant 288 : i32
      %add3A_427 = vector.broadcast %add3A_426 : i32 to vector<16xi32>
      %add3A_428 = arith.addi %iota3A, %add3A_427 : vector<16xi32>
      %shift_left3A_429 = arith.constant 6 : i32
      %shift_left3A_430 = vector.broadcast %shift_left3A_429 : i32 to vector<16xi32>
      %shift_left3A_431 = arith.shli %add3A_428, %shift_left3A_430 : vector<16xi32>
      %add3A_432 = vector.broadcast %scan3A_16 : i32 to vector<16xi32>
      %add3A_433 = arith.addi %shift_left3A_431, %add3A_432 : vector<16xi32>
      %gather3A_434 = tpu.vector_load_idx %arg5[%add3A_433] : memref<32768xf32, #tpu.memory_space<vmem>>[vector<16xi32>], vector<16xf32>,
      %get3A_435 = arith.index_cast %scan3A_16 : i32 to index
      %get3A_436 = arith.constant 288 : index
      %get3A_437 = tpu.vector_load %arg6[%get3A_435, %get3A_436] {strides = array<i32>} : memref<64x512xf32, #tpu.memory_space<vmem>>, vector<16xf32>,
      %mul3A_438 = arith.mulf %get3A_437, %gather3A_434 : vector<16xf32>
      %sub3A_439 = arith.constant 1.000000e+00 : f32
      %sub3A_440 = vector.broadcast %sub3A_439 : f32 to vector<16xf32>
      %sub3A_441 = arith.subf %sub3A_440, %get3A_437 : vector<16xf32>
      %mul3A_442 = arith.constant -1.000000e+09 : f32
      %mul3A_443 = vector.broadcast %mul3A_442 : f32 to vector<16xf32>
      %mul3A_444 = arith.mulf %sub3A_441, %mul3A_443 : vector<16xf32>
      %add3A_445 = arith.addf %mul3A_438, %mul3A_444 : vector<16xf32>
      %swap3A_446 = arith.index_cast %scan3A_16 : i32 to index
      %swap3A_447 = arith.constant 288 : index
      %swap3A_448 = tpu.vector_load %arg6[%swap3A_446, %swap3A_447] {strides = array<i32>} : memref<64x512xf32, #tpu.memory_space<vmem>>, vector<16xf32>,
      tpu.vector_store %arg6[%swap3A_446, %swap3A_447], %add3A_445 {strides = array<i32>} : memref<64x512xf32, #tpu.memory_space<vmem>>, vector<16xf32>,
      %add3A_449 = arith.constant 304 : i32
      %add3A_450 = vector.broadcast %add3A_449 : i32 to vector<16xi32>
      %add3A_451 = arith.addi %iota3A, %add3A_450 : vector<16xi32>
      %shift_left3A_452 = arith.constant 6 : i32
      %shift_left3A_453 = vector.broadcast %shift_left3A_452 : i32 to vector<16xi32>
      %shift_left3A_454 = arith.shli %add3A_451, %shift_left3A_453 : vector<16xi32>
      %add3A_455 = vector.broadcast %scan3A_16 : i32 to vector<16xi32>
      %add3A_456 = arith.addi %shift_left3A_454, %add3A_455 : vector<16xi32>
      %gather3A_457 = tpu.vector_load_idx %arg5[%add3A_456] : memref<32768xf32, #tpu.memory_space<vmem>>[vector<16xi32>], vector<16xf32>,
      %get3A_458 = arith.index_cast %scan3A_16 : i32 to index
      %get3A_459 = arith.constant 304 : index
      %get3A_460 = tpu.vector_load %arg6[%get3A_458, %get3A_459] {strides = array<i32>} : memref<64x512xf32, #tpu.memory_space<vmem>>, vector<16xf32>,
      %mul3A_461 = arith.mulf %get3A_460, %gather3A_457 : vector<16xf32>
      %sub3A_462 = arith.constant 1.000000e+00 : f32
      %sub3A_463 = vector.broadcast %sub3A_462 : f32 to vector<16xf32>
      %sub3A_464 = arith.subf %sub3A_463, %get3A_460 : vector<16xf32>
      %mul3A_465 = arith.constant -1.000000e+09 : f32
      %mul3A_466 = vector.broadcast %mul3A_465 : f32 to vector<16xf32>
      %mul3A_467 = arith.mulf %sub3A_464, %mul3A_466 : vector<16xf32>
      %add3A_468 = arith.addf %mul3A_461, %mul3A_467 : vector<16xf32>
      %swap3A_469 = arith.index_cast %scan3A_16 : i32 to index
      %swap3A_470 = arith.constant 304 : index
      %swap3A_471 = tpu.vector_load %arg6[%swap3A_469, %swap3A_470] {strides = array<i32>} : memref<64x512xf32, #tpu.memory_space<vmem>>, vector<16xf32>,
      tpu.vector_store %arg6[%swap3A_469, %swap3A_470], %add3A_468 {strides = array<i32>} : memref<64x512xf32, #tpu.memory_space<vmem>>, vector<16xf32>,
      %add3A_472 = arith.constant 320 : i32
      %add3A_473 = vector.broadcast %add3A_472 : i32 to vector<16xi32>
      %add3A_474 = arith.addi %iota3A, %add3A_473 : vector<16xi32>
      %shift_left3A_475 = arith.constant 6 : i32
      %shift_left3A_476 = vector.broadcast %shift_left3A_475 : i32 to vector<16xi32>
      %shift_left3A_477 = arith.shli %add3A_474, %shift_left3A_476 : vector<16xi32>
      %add3A_478 = vector.broadcast %scan3A_16 : i32 to vector<16xi32>
      %add3A_479 = arith.addi %shift_left3A_477, %add3A_478 : vector<16xi32>
      %gather3A_480 = tpu.vector_load_idx %arg5[%add3A_479] : memref<32768xf32, #tpu.memory_space<vmem>>[vector<16xi32>], vector<16xf32>,
      %get3A_481 = arith.index_cast %scan3A_16 : i32 to index
      %get3A_482 = arith.constant 320 : index
      %get3A_483 = tpu.vector_load %arg6[%get3A_481, %get3A_482] {strides = array<i32>} : memref<64x512xf32, #tpu.memory_space<vmem>>, vector<16xf32>,
      %mul3A_484 = arith.mulf %get3A_483, %gather3A_480 : vector<16xf32>
      %sub3A_485 = arith.constant 1.000000e+00 : f32
      %sub3A_486 = vector.broadcast %sub3A_485 : f32 to vector<16xf32>
      %sub3A_487 = arith.subf %sub3A_486, %get3A_483 : vector<16xf32>
      %mul3A_488 = arith.constant -1.000000e+09 : f32
      %mul3A_489 = vector.broadcast %mul3A_488 : f32 to vector<16xf32>
      %mul3A_490 = arith.mulf %sub3A_487, %mul3A_489 : vector<16xf32>
      %add3A_491 = arith.addf %mul3A_484, %mul3A_490 : vector<16xf32>
      %swap3A_492 = arith.index_cast %scan3A_16 : i32 to index
      %swap3A_493 = arith.constant 320 : index
      %swap3A_494 = tpu.vector_load %arg6[%swap3A_492, %swap3A_493] {strides = array<i32>} : memref<64x512xf32, #tpu.memory_space<vmem>>, vector<16xf32>,
      tpu.vector_store %arg6[%swap3A_492, %swap3A_493], %add3A_491 {strides = array<i32>} : memref<64x512xf32, #tpu.memory_space<vmem>>, vector<16xf32>,
      %add3A_495 = arith.constant 336 : i32
      %add3A_496 = vector.broadcast %add3A_495 : i32 to vector<16xi32>
      %add3A_497 = arith.addi %iota3A, %add3A_496 : vector<16xi32>
      %shift_left3A_498 = arith.constant 6 : i32
      %shift_left3A_499 = vector.broadcast %shift_left3A_498 : i32 to vector<16xi32>
      %shift_left3A_500 = arith.shli %add3A_497, %shift_left3A_499 : vector<16xi32>
      %add3A_501 = vector.broadcast %scan3A_16 : i32 to vector<16xi32>
      %add3A_502 = arith.addi %shift_left3A_500, %add3A_501 : vector<16xi32>
      %gather3A_503 = tpu.vector_load_idx %arg5[%add3A_502] : memref<32768xf32, #tpu.memory_space<vmem>>[vector<16xi32>], vector<16xf32>,
      %get3A_504 = arith.index_cast %scan3A_16 : i32 to index
      %get3A_505 = arith.constant 336 : index
      %get3A_506 = tpu.vector_load %arg6[%get3A_504, %get3A_505] {strides = array<i32>} : memref<64x512xf32, #tpu.memory_space<vmem>>, vector<16xf32>,
      %mul3A_507 = arith.mulf %get3A_506, %gather3A_503 : vector<16xf32>
      %sub3A_508 = arith.constant 1.000000e+00 : f32
      %sub3A_509 = vector.broadcast %sub3A_508 : f32 to vector<16xf32>
      %sub3A_510 = arith.subf %sub3A_509, %get3A_506 : vector<16xf32>
      %mul3A_511 = arith.constant -1.000000e+09 : f32
      %mul3A_512 = vector.broadcast %mul3A_511 : f32 to vector<16xf32>
      %mul3A_513 = arith.mulf %sub3A_510, %mul3A_512 : vector<16xf32>
      %add3A_514 = arith.addf %mul3A_507, %mul3A_513 : vector<16xf32>
      %swap3A_515 = arith.index_cast %scan3A_16 : i32 to index
      %swap3A_516 = arith.constant 336 : index
      %swap3A_517 = tpu.vector_load %arg6[%swap3A_515, %swap3A_516] {strides = array<i32>} : memref<64x512xf32, #tpu.memory_space<vmem>>, vector<16xf32>,
      tpu.vector_store %arg6[%swap3A_515, %swap3A_516], %add3A_514 {strides = array<i32>} : memref<64x512xf32, #tpu.memory_space<vmem>>, vector<16xf32>,
      %add3A_518 = arith.constant 352 : i32
      %add3A_519 = vector.broadcast %add3A_518 : i32 to vector<16xi32>
      %add3A_520 = arith.addi %iota3A, %add3A_519 : vector<16xi32>
      %shift_left3A_521 = arith.constant 6 : i32
      %shift_left3A_522 = vector.broadcast %shift_left3A_521 : i32 to vector<16xi32>
      %shift_left3A_523 = arith.shli %add3A_520, %shift_left3A_522 : vector<16xi32>
      %add3A_524 = vector.broadcast %scan3A_16 : i32 to vector<16xi32>
      %add3A_525 = arith.addi %shift_left3A_523, %add3A_524 : vector<16xi32>
      %gather3A_526 = tpu.vector_load_idx %arg5[%add3A_525] : memref<32768xf32, #tpu.memory_space<vmem>>[vector<16xi32>], vector<16xf32>,
      %get3A_527 = arith.index_cast %scan3A_16 : i32 to index
      %get3A_528 = arith.constant 352 : index
      %get3A_529 = tpu.vector_load %arg6[%get3A_527, %get3A_528] {strides = array<i32>} : memref<64x512xf32, #tpu.memory_space<vmem>>, vector<16xf32>,
      %mul3A_530 = arith.mulf %get3A_529, %gather3A_526 : vector<16xf32>
      %sub3A_531 = arith.constant 1.000000e+00 : f32
      %sub3A_532 = vector.broadcast %sub3A_531 : f32 to vector<16xf32>
      %sub3A_533 = arith.subf %sub3A_532, %get3A_529 : vector<16xf32>
      %mul3A_534 = arith.constant -1.000000e+09 : f32
      %mul3A_535 = vector.broadcast %mul3A_534 : f32 to vector<16xf32>
      %mul3A_536 = arith.mulf %sub3A_533, %mul3A_535 : vector<16xf32>
      %add3A_537 = arith.addf %mul3A_530, %mul3A_536 : vector<16xf32>
      %swap3A_538 = arith.index_cast %scan3A_16 : i32 to index
      %swap3A_539 = arith.constant 352 : index
      %swap3A_540 = tpu.vector_load %arg6[%swap3A_538, %swap3A_539] {strides = array<i32>} : memref<64x512xf32, #tpu.memory_space<vmem>>, vector<16xf32>,
      tpu.vector_store %arg6[%swap3A_538, %swap3A_539], %add3A_537 {strides = array<i32>} : memref<64x512xf32, #tpu.memory_space<vmem>>, vector<16xf32>,
      %add3A_541 = arith.constant 368 : i32
      %add3A_542 = vector.broadcast %add3A_541 : i32 to vector<16xi32>
      %add3A_543 = arith.addi %iota3A, %add3A_542 : vector<16xi32>
      %shift_left3A_544 = arith.constant 6 : i32
      %shift_left3A_545 = vector.broadcast %shift_left3A_544 : i32 to vector<16xi32>
      %shift_left3A_546 = arith.shli %add3A_543, %shift_left3A_545 : vector<16xi32>
      %add3A_547 = vector.broadcast %scan3A_16 : i32 to vector<16xi32>
      %add3A_548 = arith.addi %shift_left3A_546, %add3A_547 : vector<16xi32>
      %gather3A_549 = tpu.vector_load_idx %arg5[%add3A_548] : memref<32768xf32, #tpu.memory_space<vmem>>[vector<16xi32>], vector<16xf32>,
      %get3A_550 = arith.index_cast %scan3A_16 : i32 to index
      %get3A_551 = arith.constant 368 : index
      %get3A_552 = tpu.vector_load %arg6[%get3A_550, %get3A_551] {strides = array<i32>} : memref<64x512xf32, #tpu.memory_space<vmem>>, vector<16xf32>,
      %mul3A_553 = arith.mulf %get3A_552, %gather3A_549 : vector<16xf32>
      %sub3A_554 = arith.constant 1.000000e+00 : f32
      %sub3A_555 = vector.broadcast %sub3A_554 : f32 to vector<16xf32>
      %sub3A_556 = arith.subf %sub3A_555, %get3A_552 : vector<16xf32>
      %mul3A_557 = arith.constant -1.000000e+09 : f32
      %mul3A_558 = vector.broadcast %mul3A_557 : f32 to vector<16xf32>
      %mul3A_559 = arith.mulf %sub3A_556, %mul3A_558 : vector<16xf32>
      %add3A_560 = arith.addf %mul3A_553, %mul3A_559 : vector<16xf32>
      %swap3A_561 = arith.index_cast %scan3A_16 : i32 to index
      %swap3A_562 = arith.constant 368 : index
      %swap3A_563 = tpu.vector_load %arg6[%swap3A_561, %swap3A_562] {strides = array<i32>} : memref<64x512xf32, #tpu.memory_space<vmem>>, vector<16xf32>,
      tpu.vector_store %arg6[%swap3A_561, %swap3A_562], %add3A_560 {strides = array<i32>} : memref<64x512xf32, #tpu.memory_space<vmem>>, vector<16xf32>,
      %add3A_564 = arith.constant 384 : i32
      %add3A_565 = vector.broadcast %add3A_564 : i32 to vector<16xi32>
      %add3A_566 = arith.addi %iota3A, %add3A_565 : vector<16xi32>
      %shift_left3A_567 = arith.constant 6 : i32
      %shift_left3A_568 = vector.broadcast %shift_left3A_567 : i32 to vector<16xi32>
      %shift_left3A_569 = arith.shli %add3A_566, %shift_left3A_568 : vector<16xi32>
      %add3A_570 = vector.broadcast %scan3A_16 : i32 to vector<16xi32>
      %add3A_571 = arith.addi %shift_left3A_569, %add3A_570 : vector<16xi32>
      %gather3A_572 = tpu.vector_load_idx %arg5[%add3A_571] : memref<32768xf32, #tpu.memory_space<vmem>>[vector<16xi32>], vector<16xf32>,
      %get3A_573 = arith.index_cast %scan3A_16 : i32 to index
      %get3A_574 = arith.constant 384 : index
      %get3A_575 = tpu.vector_load %arg6[%get3A_573, %get3A_574] {strides = array<i32>} : memref<64x512xf32, #tpu.memory_space<vmem>>, vector<16xf32>,
      %mul3A_576 = arith.mulf %get3A_575, %gather3A_572 : vector<16xf32>
      %sub3A_577 = arith.constant 1.000000e+00 : f32
      %sub3A_578 = vector.broadcast %sub3A_577 : f32 to vector<16xf32>
      %sub3A_579 = arith.subf %sub3A_578, %get3A_575 : vector<16xf32>
      %mul3A_580 = arith.constant -1.000000e+09 : f32
      %mul3A_581 = vector.broadcast %mul3A_580 : f32 to vector<16xf32>
      %mul3A_582 = arith.mulf %sub3A_579, %mul3A_581 : vector<16xf32>
      %add3A_583 = arith.addf %mul3A_576, %mul3A_582 : vector<16xf32>
      %swap3A_584 = arith.index_cast %scan3A_16 : i32 to index
      %swap3A_585 = arith.constant 384 : index
      %swap3A_586 = tpu.vector_load %arg6[%swap3A_584, %swap3A_585] {strides = array<i32>} : memref<64x512xf32, #tpu.memory_space<vmem>>, vector<16xf32>,
      tpu.vector_store %arg6[%swap3A_584, %swap3A_585], %add3A_583 {strides = array<i32>} : memref<64x512xf32, #tpu.memory_space<vmem>>, vector<16xf32>,
      %add3A_587 = arith.constant 400 : i32
      %add3A_588 = vector.broadcast %add3A_587 : i32 to vector<16xi32>
      %add3A_589 = arith.addi %iota3A, %add3A_588 : vector<16xi32>
      %shift_left3A_590 = arith.constant 6 : i32
      %shift_left3A_591 = vector.broadcast %shift_left3A_590 : i32 to vector<16xi32>
      %shift_left3A_592 = arith.shli %add3A_589, %shift_left3A_591 : vector<16xi32>
      %add3A_593 = vector.broadcast %scan3A_16 : i32 to vector<16xi32>
      %add3A_594 = arith.addi %shift_left3A_592, %add3A_593 : vector<16xi32>
      %gather3A_595 = tpu.vector_load_idx %arg5[%add3A_594] : memref<32768xf32, #tpu.memory_space<vmem>>[vector<16xi32>], vector<16xf32>,
      %get3A_596 = arith.index_cast %scan3A_16 : i32 to index
      %get3A_597 = arith.constant 400 : index
      %get3A_598 = tpu.vector_load %arg6[%get3A_596, %get3A_597] {strides = array<i32>} : memref<64x512xf32, #tpu.memory_space<vmem>>, vector<16xf32>,
      %mul3A_599 = arith.mulf %get3A_598, %gather3A_595 : vector<16xf32>
      %sub3A_600 = arith.constant 1.000000e+00 : f32
      %sub3A_601 = vector.broadcast %sub3A_600 : f32 to vector<16xf32>
      %sub3A_602 = arith.subf %sub3A_601, %get3A_598 : vector<16xf32>
      %mul3A_603 = arith.constant -1.000000e+09 : f32
      %mul3A_604 = vector.broadcast %mul3A_603 : f32 to vector<16xf32>
      %mul3A_605 = arith.mulf %sub3A_602, %mul3A_604 : vector<16xf32>
      %add3A_606 = arith.addf %mul3A_599, %mul3A_605 : vector<16xf32>
      %swap3A_607 = arith.index_cast %scan3A_16 : i32 to index
      %swap3A_608 = arith.constant 400 : index
      %swap3A_609 = tpu.vector_load %arg6[%swap3A_607, %swap3A_608] {strides = array<i32>} : memref<64x512xf32, #tpu.memory_space<vmem>>, vector<16xf32>,
      tpu.vector_store %arg6[%swap3A_607, %swap3A_608], %add3A_606 {strides = array<i32>} : memref<64x512xf32, #tpu.memory_space<vmem>>, vector<16xf32>,
      %add3A_610 = arith.constant 416 : i32
      %add3A_611 = vector.broadcast %add3A_610 : i32 to vector<16xi32>
      %add3A_612 = arith.addi %iota3A, %add3A_611 : vector<16xi32>
      %shift_left3A_613 = arith.constant 6 : i32
      %shift_left3A_614 = vector.broadcast %shift_left3A_613 : i32 to vector<16xi32>
      %shift_left3A_615 = arith.shli %add3A_612, %shift_left3A_614 : vector<16xi32>
      %add3A_616 = vector.broadcast %scan3A_16 : i32 to vector<16xi32>
      %add3A_617 = arith.addi %shift_left3A_615, %add3A_616 : vector<16xi32>
      %gather3A_618 = tpu.vector_load_idx %arg5[%add3A_617] : memref<32768xf32, #tpu.memory_space<vmem>>[vector<16xi32>], vector<16xf32>,
      %get3A_619 = arith.index_cast %scan3A_16 : i32 to index
      %get3A_620 = arith.constant 416 : index
      %get3A_621 = tpu.vector_load %arg6[%get3A_619, %get3A_620] {strides = array<i32>} : memref<64x512xf32, #tpu.memory_space<vmem>>, vector<16xf32>,
      %mul3A_622 = arith.mulf %get3A_621, %gather3A_618 : vector<16xf32>
      %sub3A_623 = arith.constant 1.000000e+00 : f32
      %sub3A_624 = vector.broadcast %sub3A_623 : f32 to vector<16xf32>
      %sub3A_625 = arith.subf %sub3A_624, %get3A_621 : vector<16xf32>
      %mul3A_626 = arith.constant -1.000000e+09 : f32
      %mul3A_627 = vector.broadcast %mul3A_626 : f32 to vector<16xf32>
      %mul3A_628 = arith.mulf %sub3A_625, %mul3A_627 : vector<16xf32>
      %add3A_629 = arith.addf %mul3A_622, %mul3A_628 : vector<16xf32>
      %swap3A_630 = arith.index_cast %scan3A_16 : i32 to index
      %swap3A_631 = arith.constant 416 : index
      %swap3A_632 = tpu.vector_load %arg6[%swap3A_630, %swap3A_631] {strides = array<i32>} : memref<64x512xf32, #tpu.memory_space<vmem>>, vector<16xf32>,
      tpu.vector_store %arg6[%swap3A_630, %swap3A_631], %add3A_629 {strides = array<i32>} : memref<64x512xf32, #tpu.memory_space<vmem>>, vector<16xf32>,
      %add3A_633 = arith.constant 432 : i32
      %add3A_634 = vector.broadcast %add3A_633 : i32 to vector<16xi32>
      %add3A_635 = arith.addi %iota3A, %add3A_634 : vector<16xi32>
      %shift_left3A_636 = arith.constant 6 : i32
      %shift_left3A_637 = vector.broadcast %shift_left3A_636 : i32 to vector<16xi32>
      %shift_left3A_638 = arith.shli %add3A_635, %shift_left3A_637 : vector<16xi32>
      %add3A_639 = vector.broadcast %scan3A_16 : i32 to vector<16xi32>
      %add3A_640 = arith.addi %shift_left3A_638, %add3A_639 : vector<16xi32>
      %gather3A_641 = tpu.vector_load_idx %arg5[%add3A_640] : memref<32768xf32, #tpu.memory_space<vmem>>[vector<16xi32>], vector<16xf32>,
      %get3A_642 = arith.index_cast %scan3A_16 : i32 to index
      %get3A_643 = arith.constant 432 : index
      %get3A_644 = tpu.vector_load %arg6[%get3A_642, %get3A_643] {strides = array<i32>} : memref<64x512xf32, #tpu.memory_space<vmem>>, vector<16xf32>,
      %mul3A_645 = arith.mulf %get3A_644, %gather3A_641 : vector<16xf32>
      %sub3A_646 = arith.constant 1.000000e+00 : f32
      %sub3A_647 = vector.broadcast %sub3A_646 : f32 to vector<16xf32>
      %sub3A_648 = arith.subf %sub3A_647, %get3A_644 : vector<16xf32>
      %mul3A_649 = arith.constant -1.000000e+09 : f32
      %mul3A_650 = vector.broadcast %mul3A_649 : f32 to vector<16xf32>
      %mul3A_651 = arith.mulf %sub3A_648, %mul3A_650 : vector<16xf32>
      %add3A_652 = arith.addf %mul3A_645, %mul3A_651 : vector<16xf32>
      %swap3A_653 = arith.index_cast %scan3A_16 : i32 to index
      %swap3A_654 = arith.constant 432 : index
      %swap3A_655 = tpu.vector_load %arg6[%swap3A_653, %swap3A_654] {strides = array<i32>} : memref<64x512xf32, #tpu.memory_space<vmem>>, vector<16xf32>,
      tpu.vector_store %arg6[%swap3A_653, %swap3A_654], %add3A_652 {strides = array<i32>} : memref<64x512xf32, #tpu.memory_space<vmem>>, vector<16xf32>,
      %add3A_656 = arith.constant 448 : i32
      %add3A_657 = vector.broadcast %add3A_656 : i32 to vector<16xi32>
      %add3A_658 = arith.addi %iota3A, %add3A_657 : vector<16xi32>
      %shift_left3A_659 = arith.constant 6 : i32
      %shift_left3A_660 = vector.broadcast %shift_left3A_659 : i32 to vector<16xi32>
      %shift_left3A_661 = arith.shli %add3A_658, %shift_left3A_660 : vector<16xi32>
      %add3A_662 = vector.broadcast %scan3A_16 : i32 to vector<16xi32>
      %add3A_663 = arith.addi %shift_left3A_661, %add3A_662 : vector<16xi32>
      %gather3A_664 = tpu.vector_load_idx %arg5[%add3A_663] : memref<32768xf32, #tpu.memory_space<vmem>>[vector<16xi32>], vector<16xf32>,
      %get3A_665 = arith.index_cast %scan3A_16 : i32 to index
      %get3A_666 = arith.constant 448 : index
      %get3A_667 = tpu.vector_load %arg6[%get3A_665, %get3A_666] {strides = array<i32>} : memref<64x512xf32, #tpu.memory_space<vmem>>, vector<16xf32>,
      %mul3A_668 = arith.mulf %get3A_667, %gather3A_664 : vector<16xf32>
      %sub3A_669 = arith.constant 1.000000e+00 : f32
      %sub3A_670 = vector.broadcast %sub3A_669 : f32 to vector<16xf32>
      %sub3A_671 = arith.subf %sub3A_670, %get3A_667 : vector<16xf32>
      %mul3A_672 = arith.constant -1.000000e+09 : f32
      %mul3A_673 = vector.broadcast %mul3A_672 : f32 to vector<16xf32>
      %mul3A_674 = arith.mulf %sub3A_671, %mul3A_673 : vector<16xf32>
      %add3A_675 = arith.addf %mul3A_668, %mul3A_674 : vector<16xf32>
      %swap3A_676 = arith.index_cast %scan3A_16 : i32 to index
      %swap3A_677 = arith.constant 448 : index
      %swap3A_678 = tpu.vector_load %arg6[%swap3A_676, %swap3A_677] {strides = array<i32>} : memref<64x512xf32, #tpu.memory_space<vmem>>, vector<16xf32>,
      tpu.vector_store %arg6[%swap3A_676, %swap3A_677], %add3A_675 {strides = array<i32>} : memref<64x512xf32, #tpu.memory_space<vmem>>, vector<16xf32>,
      %add3A_679 = arith.constant 464 : i32
      %add3A_680 = vector.broadcast %add3A_679 : i32 to vector<16xi32>
      %add3A_681 = arith.addi %iota3A, %add3A_680 : vector<16xi32>
      %shift_left3A_682 = arith.constant 6 : i32
      %shift_left3A_683 = vector.broadcast %shift_left3A_682 : i32 to vector<16xi32>
      %shift_left3A_684 = arith.shli %add3A_681, %shift_left3A_683 : vector<16xi32>
      %add3A_685 = vector.broadcast %scan3A_16 : i32 to vector<16xi32>
      %add3A_686 = arith.addi %shift_left3A_684, %add3A_685 : vector<16xi32>
      %gather3A_687 = tpu.vector_load_idx %arg5[%add3A_686] : memref<32768xf32, #tpu.memory_space<vmem>>[vector<16xi32>], vector<16xf32>,
      %get3A_688 = arith.index_cast %scan3A_16 : i32 to index
      %get3A_689 = arith.constant 464 : index
      %get3A_690 = tpu.vector_load %arg6[%get3A_688, %get3A_689] {strides = array<i32>} : memref<64x512xf32, #tpu.memory_space<vmem>>, vector<16xf32>,
      %mul3A_691 = arith.mulf %get3A_690, %gather3A_687 : vector<16xf32>
      %sub3A_692 = arith.constant 1.000000e+00 : f32
      %sub3A_693 = vector.broadcast %sub3A_692 : f32 to vector<16xf32>
      %sub3A_694 = arith.subf %sub3A_693, %get3A_690 : vector<16xf32>
      %mul3A_695 = arith.constant -1.000000e+09 : f32
      %mul3A_696 = vector.broadcast %mul3A_695 : f32 to vector<16xf32>
      %mul3A_697 = arith.mulf %sub3A_694, %mul3A_696 : vector<16xf32>
      %add3A_698 = arith.addf %mul3A_691, %mul3A_697 : vector<16xf32>
      %swap3A_699 = arith.index_cast %scan3A_16 : i32 to index
      %swap3A_700 = arith.constant 464 : index
      %swap3A_701 = tpu.vector_load %arg6[%swap3A_699, %swap3A_700] {strides = array<i32>} : memref<64x512xf32, #tpu.memory_space<vmem>>, vector<16xf32>,
      tpu.vector_store %arg6[%swap3A_699, %swap3A_700], %add3A_698 {strides = array<i32>} : memref<64x512xf32, #tpu.memory_space<vmem>>, vector<16xf32>,
      %add3A_702 = arith.constant 480 : i32
      %add3A_703 = vector.broadcast %add3A_702 : i32 to vector<16xi32>
      %add3A_704 = arith.addi %iota3A, %add3A_703 : vector<16xi32>
      %shift_left3A_705 = arith.constant 6 : i32
      %shift_left3A_706 = vector.broadcast %shift_left3A_705 : i32 to vector<16xi32>
      %shift_left3A_707 = arith.shli %add3A_704, %shift_left3A_706 : vector<16xi32>
      %add3A_708 = vector.broadcast %scan3A_16 : i32 to vector<16xi32>
      %add3A_709 = arith.addi %shift_left3A_707, %add3A_708 : vector<16xi32>
      %gather3A_710 = tpu.vector_load_idx %arg5[%add3A_709] : memref<32768xf32, #tpu.memory_space<vmem>>[vector<16xi32>], vector<16xf32>,
      %get3A_711 = arith.index_cast %scan3A_16 : i32 to index
      %get3A_712 = arith.constant 480 : index
      %get3A_713 = tpu.vector_load %arg6[%get3A_711, %get3A_712] {strides = array<i32>} : memref<64x512xf32, #tpu.memory_space<vmem>>, vector<16xf32>,
      %mul3A_714 = arith.mulf %get3A_713, %gather3A_710 : vector<16xf32>
      %sub3A_715 = arith.constant 1.000000e+00 : f32
      %sub3A_716 = vector.broadcast %sub3A_715 : f32 to vector<16xf32>
      %sub3A_717 = arith.subf %sub3A_716, %get3A_713 : vector<16xf32>
      %mul3A_718 = arith.constant -1.000000e+09 : f32
      %mul3A_719 = vector.broadcast %mul3A_718 : f32 to vector<16xf32>
      %mul3A_720 = arith.mulf %sub3A_717, %mul3A_719 : vector<16xf32>
      %add3A_721 = arith.addf %mul3A_714, %mul3A_720 : vector<16xf32>
      %swap3A_722 = arith.index_cast %scan3A_16 : i32 to index
      %swap3A_723 = arith.constant 480 : index
      %swap3A_724 = tpu.vector_load %arg6[%swap3A_722, %swap3A_723] {strides = array<i32>} : memref<64x512xf32, #tpu.memory_space<vmem>>, vector<16xf32>,
      tpu.vector_store %arg6[%swap3A_722, %swap3A_723], %add3A_721 {strides = array<i32>} : memref<64x512xf32, #tpu.memory_space<vmem>>, vector<16xf32>,
      %add3A_725 = arith.constant 496 : i32
      %add3A_726 = vector.broadcast %add3A_725 : i32 to vector<16xi32>
      %add3A_727 = arith.addi %iota3A, %add3A_726 : vector<16xi32>
      %shift_left3A_728 = arith.constant 6 : i32
      %shift_left3A_729 = vector.broadcast %shift_left3A_728 : i32 to vector<16xi32>
      %shift_left3A_730 = arith.shli %add3A_727, %shift_left3A_729 : vector<16xi32>
      %add3A_731 = vector.broadcast %scan3A_16 : i32 to vector<16xi32>
      %add3A_732 = arith.addi %shift_left3A_730, %add3A_731 : vector<16xi32>
      %gather3A_733 = tpu.vector_load_idx %arg5[%add3A_732] : memref<32768xf32, #tpu.memory_space<vmem>>[vector<16xi32>], vector<16xf32>,
      %get3A_734 = arith.index_cast %scan3A_16 : i32 to index
      %get3A_735 = arith.constant 496 : index
      %get3A_736 = tpu.vector_load %arg6[%get3A_734, %get3A_735] {strides = array<i32>} : memref<64x512xf32, #tpu.memory_space<vmem>>, vector<16xf32>,
      %mul3A_737 = arith.mulf %get3A_736, %gather3A_733 : vector<16xf32>
      %sub3A_738 = arith.constant 1.000000e+00 : f32
      %sub3A_739 = vector.broadcast %sub3A_738 : f32 to vector<16xf32>
      %sub3A_740 = arith.subf %sub3A_739, %get3A_736 : vector<16xf32>
      %mul3A_741 = arith.constant -1.000000e+09 : f32
      %mul3A_742 = vector.broadcast %mul3A_741 : f32 to vector<16xf32>
      %mul3A_743 = arith.mulf %sub3A_740, %mul3A_742 : vector<16xf32>
      %add3A_744 = arith.addf %mul3A_737, %mul3A_743 : vector<16xf32>
      %swap3A_745 = arith.index_cast %scan3A_16 : i32 to index
      %swap3A_746 = arith.constant 496 : index
      %swap3A_747 = tpu.vector_load %arg6[%swap3A_745, %swap3A_746] {strides = array<i32>} : memref<64x512xf32, #tpu.memory_space<vmem>>, vector<16xf32>,
      tpu.vector_store %arg6[%swap3A_745, %swap3A_746], %add3A_744 {strides = array<i32>} : memref<64x512xf32, #tpu.memory_space<vmem>>, vector<16xf32>,
    }
    %scan3A_15 = arith.constant 64 : i32
    "tpu.region"() ({
      %run_scoped3A = tpu.sem_alloc : memref<!tpu.dma_semaphore, #tpu.memory_space<semaphore_mem>>
      %dma_start3A_16 = arith.constant 0 : i32
      %dma_start3A_17 = tpu.memref_slice %arg4[%dma_start3A_16, %mul3A_2] : memref<64x16384xf32, #tpu.memory_space<hbm>> -> memref<64x512xf32, #tpu.memory_space<hbm>>
      %dma_start3A_18 = arith.constant 0 : i32
      %dma_start3A_19 = tpu.memref_slice %arg4[%dma_start3A_18, %mul3A_2] : memref<64x16384xf32, #tpu.memory_space<hbm>> -> memref<64x512xf32, #tpu.memory_space<hbm>>
      tpu.enqueue_dma source(%arg6 : memref<64x512xf32, #tpu.memory_space<vmem>>) target(%dma_start3A_19 : memref<64x512xf32, #tpu.memory_space<hbm>>) target_semaphore(%run_scoped3A : memref<!tpu.dma_semaphore, #tpu.memory_space<semaphore_mem>>)
      %dma_wait3A_20 = arith.constant 0 : i32
      %dma_wait3A_21 = tpu.memref_slice %arg4[%dma_wait3A_20, %mul3A_2] : memref<64x16384xf32, #tpu.memory_space<hbm>> -> memref<64x512xf32, #tpu.memory_space<hbm>>
      %dma_wait3A_22 = arith.constant 0 : i32
      %dma_wait3A_23 = tpu.memref_slice %arg4[%dma_wait3A_22, %mul3A_2] : memref<64x16384xf32, #tpu.memory_space<hbm>> -> memref<64x512xf32, #tpu.memory_space<hbm>>
      tpu.wait_dma2 semaphore(%run_scoped3A : memref<!tpu.dma_semaphore, #tpu.memory_space<semaphore_mem>>) src(%arg6 : memref<64x512xf32, #tpu.memory_space<vmem>>) dst(%dma_wait3A_23 : memref<64x512xf32, #tpu.memory_space<hbm>>)
      tpu.yield
    }) : () -> ()
    return
  }
}

</mosaic_0001>

<sc_bundles>
// kernel: kernel.4.cloned.1.call-start
scs
__scs_entry_jumppad:
0x0: {  	(pc) =	sbr.rel $0x88, $3  }
0x1: {  	(tag) =	ssettag $0x0;
	lr =	simm.s32 $0x1  }
0x2: {  	[smem:$0x3F9E] =	sst lr;
	_ =	strace $0xD0000000  }
0x3: {  	_ = 	snop  }
0x4: {  	_ = 	snop  }
0x5: {  	_ = 	snop  }
0x6: {  	_ = 	snop  }
0x7: {  	_ = 	snop  }
__scs_overlays_trampoline_lowered:
0x8: {  	[smem:$0x3FAD] =	sst s0  }
0x9: {  	[smem:$0x3FAE] =	sst s1  }
0xa: {  	[smem:$0x3FAF] =	sst s2  }
0xb: {  	[smem:$0x3FB0] =	sst s3  }
0xc: {  	[smem:$0x3FB1] =	sst s4  }
0xd: {  	[smem:$0x3FB2] =	sst s5  }
0xe: {  	[smem:$0x3FB3] =	sst s6  }
0xf: {  	[smem:$0x3FB4] =	sst s7  }
0x10: {  	[smem:$0x3FB5] =	sst s8  }
0x11: {  	[smem:$0x3FB6] =	sst s9;
	s0 =	simm.s32 @!p0 $0x0  }
0x12: {  	s1 =	sld [smem:$0x3F9C];
	s0 =	simm.s32 @p0 $0x1  }
0x13: {  	[smem:$0x3FB7] =	sst s0;
	s0 =	simm.s32 @!p1 $0x0  }
0x14: {  	s2 =	sld [smem:$0x3F9B];
	s0 =	simm.s32 @p1 $0x1  }
0x15: {  	[smem:$0x3FB8] =	sst s0;
	s0 =	simm.s32 @!p2 $0x0  }
0x16: {  	s3 =	sld [smem:$0x3FDB];
	s0 =	simm.s32 @p2 $0x1  }
0x17: {  	s4 =	simm.s32 $0x1BF5;
	[smem:$0x3FBA] =	sst s0  }
0x18: {  	s0 =	sld [smem:$0x3F9D];
	_ =	swait.ge [sflag:s4], $0x0  }
0x19: {  	s7 =	sld [smem:$0x3F9E]  }
0x1a: {  	s8 =	sadd.s32 $0xFFFFE003, lr  }
0x1b: {  	s9 =	sadd.s32 $0xFFFFFEF7, lr;
	s5 =	simm.s32 $0xFFFFFFFF;
	p2 =	slt.u32 s8, $0xFFFFF086  }
0x1c: {  	p1 =	slt.u32 s9, $0xF7A;
	s5 =	simm.s32 @!p2 $0x0  }
0x1d: {  	s5 =	simm.s32 @p1 $0x1;
	p0 =	seq.s32 s7, s2  }
0x1e: {  	s7 =	smul.u32 @!p0 $0xF7A, s2;
	p2 =	seq.s32 @!p0 s5, $0x0  }
0x1f: {  	s9 =	smul.u32 $0xF7A, s1;
	s8 =	simm.s32 @!p0 $0x1BF5;
	p2 =	por !p2, p0  }
0x20: {  	[sflag:s8] =	ssyncset.s32 @!p0 $0xFFFFF086;
	s6 =	sadd.s32 @!p0 s3, s7;
	s7 =	simm.s32 @!p0 $0x108  }
0x21: {  	s3 =	sadd.s32 s3, s9;
	s6 =	sadd.s32 @!p0 $0x88, s6;
	s7 =	simm.s32 @p2 $0x1082  }
0x22: {  	[simem:s7], [sflag:s8] =	dma.local @!p0 [hbm:s6], $0xF7A  }
0x23: {  	s9 =	sor.u32 $0xD0000000, s2;
	s6 =	simm.s32 $0x108;
	_ =	swait.ge @!p0 [sflag:s8], $0x0  }
0x24: {  	s3 =	sadd.s32 $0x88, s3;
	s6 =	simm.s32 @!p1 $0x1082;
	[sflag:s4] =	ssyncset.s32 $0xFFFFF086  }
0x25: {  	[simem:s6], [sflag:s4] =	dma.local [hbm:s3], $0xF7A  }
0x26: {  	[smem:$0x3F9E] =	sst s1;
	(tag) =	ssettag s2;
	_ =	strace s9  }
0x27: {  	s1 =	sld [smem:$0x3FAE]  }
0x28: {  	s2 =	sld [smem:$0x3FAF]  }
0x29: {  	s4 =	sld [smem:$0x3FB1]  }
0x2a: {  	p0 =	seq.s32 s5, $0x0;
	s5 =	sld [smem:$0x3FB2]  }
0x2b: {  	s6 =	sld [smem:$0x3FB3]  }
0x2c: {  	s7 =	sld [smem:$0x3FB4]  }
0x2d: {  	s3 =	simm.s32 $0x108;
	s8 =	sld [smem:$0x3FB5]  }
0x2e: {  	s3 =	simm.s32 @!p0 $0x1082;
	s9 =	sld [smem:$0x3FB6]  }
0x2f: {  	lr =	sadd.s32 s0, s3;
	s0 =	sld [smem:$0x3FAD]  }
0x30: {  	s3 =	sld [smem:$0x3FB0]  }
0x31: {  	[smem:$0x3FB9] =	sst s10  }
0x32: {  	s10 =	sld [smem:$0x3FB7];
	_ =	sdelay $0x3  }
0x33: {  	p0 =	seq.s32 s10, $0x1;
	s10 =	sld [smem:$0x3FB9];
	_ =	sdelay $0x3  }
0x34: {  	[smem:$0x3FB9] =	sst s10  }
0x35: {  	s10 =	sld [smem:$0x3FB8];
	_ =	sdelay $0x3  }
0x36: {  	p1 =	seq.s32 s10, $0x1;
	s10 =	sld [smem:$0x3FB9];
	_ =	sdelay $0x3  }
0x37: {  	[smem:$0x3FB9] =	sst s10  }
0x38: {  	s10 =	sld [smem:$0x3FBA]  }
0x39: {  	_ = 	snop;
	(pc) =	sbr.ind lr, $3  }
0x3a: {  	_ = 	snop  }
0x3b: {  	_ = 	snop  }
0x3c: {  	p2 =	seq.s32 s10, $0x1;
	s10 =	sld [smem:$0x3FB9]  }
0x3d: {  	_ =	shalt  }
0x3e: {  	_ =	shalt  }
0x3f: {  	_ =	shalt  }
0x40: {  	_ =	shalt  }
0x41: {  	_ =	shalt  }
0x42: {  	_ =	shalt  }
0x43: {  	_ =	shalt  }
0x44: {  	_ =	shalt  }
0x45: {  	_ =	shalt  }
0x46: {  	_ =	shalt  }
0x47: {  	_ =	shalt  }
0x48: {  	_ =	shalt  }
0x49: {  	_ =	shalt  }
0x4a: {  	_ =	shalt  }
0x4b: {  	_ =	shalt  }
0x4c: {  	_ =	shalt  }
0x4d: {  	_ =	shalt  }
0x4e: {  	_ =	shalt  }
0x4f: {  	_ =	shalt  }
0x50: {  	_ =	shalt  }
0x51: {  	_ =	shalt  }
0x52: {  	_ =	shalt  }
0x53: {  	_ =	shalt  }
0x54: {  	_ =	shalt  }
0x55: {  	_ =	shalt  }
0x56: {  	_ =	shalt  }
0x57: {  	_ =	shalt  }
0x58: {  	_ =	shalt  }
0x59: {  	_ =	shalt  }
0x5a: {  	_ =	shalt  }
0x5b: {  	_ =	shalt  }
0x5c: {  	_ =	shalt  }
0x5d: {  	_ =	shalt  }
0x5e: {  	_ =	shalt  }
0x5f: {  	_ =	shalt  }
0x60: {  	_ =	shalt  }
0x61: {  	_ =	shalt  }
0x62: {  	_ =	shalt  }
0x63: {  	_ =	shalt  }
0x64: {  	_ =	shalt  }
0x65: {  	_ =	shalt  }
0x66: {  	_ =	shalt  }
0x67: {  	_ =	shalt  }
0x68: {  	_ =	shalt  }
0x69: {  	_ =	shalt  }
0x6a: {  	_ =	shalt  }
0x6b: {  	_ =	shalt  }
0x6c: {  	_ =	shalt  }
0x6d: {  	_ =	shalt  }
0x6e: {  	_ =	shalt  }
0x6f: {  	_ =	shalt  }
0x70: {  	_ =	shalt  }
0x71: {  	_ =	shalt  }
0x72: {  	_ =	shalt  }
0x73: {  	_ =	shalt  }
0x74: {  	_ =	shalt  }
0x75: {  	_ =	shalt  }
0x76: {  	_ =	shalt  }
0x77: {  	_ =	shalt  }
0x78: {  	_ =	shalt  }
0x79: {  	_ =	shalt  }
0x7a: {  	_ =	shalt  }
0x7b: {  	_ =	shalt  }
0x7c: {  	_ =	shalt  }
0x7d: {  	_ =	shalt  }
0x7e: {  	_ =	shalt  }
0x7f: {  	_ =	shalt  }
0x80: {  	_ =	shalt  }
0x81: {  	_ =	shalt  }
0x82: {  	_ =	shalt  }
0x83: {  	_ =	shalt  }
0x84: {  	_ =	shalt  }
0x85: {  	_ =	shalt  }
0x86: {  	_ =	shalt  }
0x87: {  	_ =	shalt  }
.Lfunc_end0:
.L_simem_size_0:
called_computation_lowered:
.L_overlay_start_0:
0x88: {  	s2 =	sld [smem:$0x3FD9]  }
0x89: {  	s3 =	sld [smem:$0x3FFE];
	_ =	sdelay $0x1  }
0x8a: {  	s1 =	srdreg.scid  }
0x8b: {  	s0 =	sand.u32 $0x1, s1  }
0x8c: {  	s17 =	sshll.u32 s0, $0xA;
	s2 =	sadd.s32 s3, s2  }
0x8d: {  	s2 =	sadd.s32 s2, s17  }
0x8e: {  	[smem:$0x3FC5] =	sst s2  }
0x8f: {  	_ = 	snop  }
0x90: {  	s2 =	sld [smem:$0x3FC9]  }
0x91: {  	s18 =	sld [smem:$0x3FC7];
	(tm) =	ssettm $0x1  }
0x92: {  	s4 =	sld [smem:$0x3FFB];
	_ =	sdelay $0x3  }
0x93: {  	_ =	strace s4  }
0x94: {  	s4 =	sld [smem:$0x3FFC];
	_ =	sdelay $0x3  }
0x95: {  	_ =	strace s4  }
0x96: {  	s4 =	sld [smem:$0x3FFD];
	_ =	sdelay $0x3  }
0x97: {  	_ =	strace s4  }
0x98: {  	_ =	strace $0x8FFFFFFF  }
0x99: {  	s19 =	sld [smem:$0x3FDB];
	_ =	sdelay $0x1  }
0x9a: {  	s5 =	simm.s32 $_scs_section_size  }
0x9b: {  	s6 =	simm.s32 $_size__tile_overlayer_lowered;
	s7 =	simm.s32 $_tile_overlayer_lowered  }
0x9c: {  	s22 =	simm.s32 $0x1BFF;
	s21 =	sshll.u32 s7, $0x1;
	s4 =	sadd.s32 s5, s19  }
0x9d: {  	s8 =	simm.s32 $0x0;
	s20 =	sshll.u32 s6, $0x1;
	s6 =	sadd.s32 s21, s4  }
0x9e: {  	[timem:s8], [sflag:s22] =	dma.local [hbm:s6], s20  }
0x9f: {  	_ =	swait.ge [sflag:s22], s20  }
0xa0: {  	s5 =	ssub.s32 $0x0, s20;
	[sflag:s22] =	ssyncset.done $0x0  }
0xa1: {  	[sflag:s22] =	ssyncadd.s32 s5;
	_ =	sdelay $0x1  }
0xa2: {  	s23 =	simm.s32 $0x1B8B  }
0xa3: {  	_ =	swait.ge [sflag:s23], $0x1  }
0xa4: {  	[sflag:s23] =	ssyncset.done $0x0  }
0xa5: {  	s25 =	simm.s32 $0x1B8E;
	s24 =	sld [smem:$0x3FFE];
	[sflag:s23] =	ssyncadd.s32 $0xFFFFFFFF  }
0xa6: {  	s26 =	simm.s32 $execute0_lowered;
	[smem:$0x3FD2] =	sst s25  }
0xa7: {  	s6 =	sshll.u32 s26, $0x1;
	_ =	strace $0x80000046;
	[dreg:$0x1] =	wrdreg $0xFFFFFFFF  }
0xa8: {  	s28 =	simm.s32 $_size_execute0_lowered;
	s4 =	sadd.s32 s4, s6;
	[dreg:$0x0] =	wrdreg $0x0  }
0xa9: {  	s6 =	sshll.u32 s28, $0x1;
	[dreg:$0x2] =	wrdreg s4  }
0xaa: {  	[dreg:$0x3] =	wrdreg s6  }
0xab: {  	[dreg:$0x4] =	wrdreg $0xC0  }
0xac: {  	_ =	task [dreg:s8], $0x5FFFF  }
0xad: {  	[dreg:$0x1] =	wrdreg $0xFFFFFFFF  }
0xae: {  	[dreg:$0x0] =	wrdreg $0x60  }
0xaf: {  	[dreg:$0x2] =	wrdreg s2  }
0xb0: {  	[dreg:$0x3] =	wrdreg s18  }
0xb1: {  	[dreg:$0x4] =	wrdreg s24  }
0xb2: {  	[dreg:$0x5] =	wrdreg $0x9  }
0xb3: {  	_ =	task.clear_ibuf [dreg:s8], $0x6FFFF;
	_ =	strace $0x90000046  }
0xb4: {  	s29 =	simm.s32 $0x9;
	_ =	strace $0x80000048  }
0xb5: {  	_ =	swait.ge [sflag:s29], $0x1  }
0xb6: {  	[sflag:s29] =	ssyncadd.s32 $0xFFFFFFFF  }
0xb7: {  	_ =	strace $0x90000048  }
0xb8: {  	_ =	sfence  }
0xb9: {  	s30 =	sld [smem:$0x0];
	_ =	sdelay $0x2  }
0xba: {  	s31 =	sshll.u32 s1, $0xD;
	s1 =	sshrl.u32 s1, $0x2  }
0xbb: {  	s3 =	sand.u32 $0x4000, s31;
	s1 =	sadd.s32 s1, s30  }
0xbc: {  	s0 =	sor.u32 s3, s0;
	s1 =	sshll.u32 s1, $0x11  }
0xbd: {  	s0 =	sor.u32 s1, s0  }
0xbe: {  	s0 =	sadd.s32 $0x8F2B, s0  }
0xbf: {  	[sflag:s0] =	ssyncadd.remote.s32 $0x1  }
0xc0: {  	_ =	sfence.sel $0xFFFF  }
0xc1: {  	[dreg:$0x0] =	wrdreg $0xFFFFFFFF;
	(pc) =	sbr.abs _section_cstart, $3  }
0xc2: {  	[dreg:$0x1] =	wrdreg $0xFFFFFFFF  }
0xc3: {  	_ =	task.clear_ibuf [dreg:s8], $0x2FFFF;
	_ =	strace $0x9FFFFFFF  }
0xc4: {  	(tm) =	ssettm $0x7FFFFFFF  }
0xc5: {  	_ =	shalt  }
tec
execute0_lowered:
.L_overlay_start_1:
0x0: {  	(tag) =	ssettag $0x1  }
0x1: {  	v0 =	vimm.s32 $0xB80;
	vm1 =	vcmask $0x300;
	vm2 =	vcmask $0x704  }
0x2: {  	vm3 =	vcmask $0xB08;
	vm4 =	vcmask $0xF0C;
	vm5 =	vcmask $0x1310  }
0x3: {  	vm0 =	vcmask $0x1714;
	v1 =	vimm.s32 $0x1B80;
	v2 =	vimm.s32 $0x2B80  }
0x4: {  	v3 =	vimm.s32 $0x3B80;
	v0 =	vsel vm1, $0x0, v0;
	v1 =	vsel vm1, $0x1000, v1  }
0x5: {  	v2 =	vsel vm1, $0x2000, v2;
	v3 =	vsel vm1, $0x3000, v3;
	vm1 =	vcmask $0x1B18  }
0x6: {  	v0 =	vsel vm2, $0x80, v0;
	v1 =	vsel vm2, $0x1080, v1;
	v2 =	vsel vm2, $0x2080, v2  }
0x7: {  	s1 =	srdreg.scid;
	s0 =	stileid.u32;
	v3 =	vsel vm2, $0x3080, v3;
	vm2 =	vcmask $0x1F1C;
	v0 =	vsel vm3, $0x100, v0  }
0x8: {  	s6 =	sand.u32 $0x1, s1;
	s30 =	sshll.u32 s0, $0x1;
	v1 =	vsel vm3, $0x1100, v1;
	v2 =	vsel vm3, $0x2100, v2;
	v3 =	vsel vm3, $0x3100, v3  }
0x9: {  	s7 =	sor.u32 s6, s30;
	vm3 =	vcmask $0x2320;
	v0 =	vsel vm4, $0x180, v0;
	v1 =	vsel vm4, $0x1180, v1  }
0xa: {  	s1 =	smul.u32 $0xF5, s7;
	v2 =	vsel vm4, $0x2180, v2;
	v3 =	vsel vm4, $0x3180, v3;
	vm4 =	vcmask $0x2724  }
0xb: {  	v0 =	vsel vm5, $0x200, v0;
	v1 =	vsel vm5, $0x1200, v1;
	v2 =	vsel vm5, $0x2200, v2  }
0xc: {  	v3 =	vsel vm5, $0x3200, v3;
	s2 =	smin.u32 s1, $0x1D90;
	v0 =	vsel vm0, $0x280, v0;
	v5 =	vsel vm0, $0x1280, v1  }
0xd: {  	s2 =	sadd.s32 $0xF5, s2;
	v2 =	vsel vm0, $0x2280, v2;
	v3 =	vsel vm0, $0x3280, v3;
	vm0 =	vmmov $0x1  }
0xe: {  	v0 =	vsel vm1, $0x300, v0;
	v1 =	vmov s2;
	v5 =	vsel vm1, $0x1300, v5  }
0xf: {  	v6 =	vsel vm1, $0x2300, v2;
	v3 =	vsel vm1, $0x3300, v3;
	vm1 =	vcmask $0x2B28  }
0x10: {  	v2 =	vlaneseq.u32;
	v4 =	vsel vm2, $0x380, v0;
	v0 =	vmov s1  }
0x11: {  	v5 =	vsel vm2, $0x1380, v5;
	v6 =	vsel vm2, $0x2380, v6;
	v3 =	vsel vm2, $0x3380, v3  }
0x12: {  	vm2 =	vcmask $0x2F2C;
	v4 =	vsel vm3, $0x800, v4;
	v5 =	vsel vm3, $0x1800, v5  }
0x13: {  	v6 =	vsel vm3, $0x2800, v6;
	v3 =	vsel vm3, $0x3800, v3;
	vm3 =	vcmask $0x3330  }
0x14: {  	v4 =	vsel vm4, $0x880, v4;
	v5 =	vsel vm4, $0x1880, v5;
	v6 =	vsel vm4, $0x2880, v6  }
0x15: {  	v7 =	vsel vm4, $0x3880, v3;
	v3 =	vimm.s32 $0x0;
	vm4 =	vcmask $0x3734  }
0x16: {  	s3 =	rddreg [dreg:$0x1];
	v4 =	vsel vm1, $0x900, v4;
	v5 =	vsel vm1, $0x1900, v5;
	v6 =	vsel vm1, $0x2900, v6  }
0x17: {  	s8 =	rddreg [dreg:$0x2];
	s5 =	simm.s32 $0x0;
	v7 =	vsel vm1, $0x3900, v7;
	vm1 =	vcmask $0x70C;
	v4 =	vsel vm2, $0x980, v4  }
0x18: {  	s11 =	simm.s32 $0xD;
	s12 =	simm.s32 $0xC100;
	s7 =	smul.u32 $0x7A80, s7;
	v5 =	vsel vm2, $0x1980, v5;
	v6 =	vsel vm2, $0x2980, v6;
	v7 =	vsel vm2, $0x3980, v7  }
.Ltmp0:
0x19: {  	s13 =	simm.s32 $0xC200;
	s9 =	ssub.s32 $0x2, s6;
	vm2 =	vcmask $0xF14;
	v4 =	vsel vm3, $0xA00, v4;
	v5 =	vsel vm3, $0x1A00, v5;
	(pc) =	sbr.rel .LBB2_1-.Ltmp0, $4  }
0x1a: {  	s14 =	simm.s32 $0x8080;
	s15 =	simm.s32 $0x0;
	s31 =	sshrl.u32 s9, $0x1;
	v6 =	vsel vm3, $0x2A00, v6;
	v7 =	vsel vm3, $0x3A00, v7;
	vm3 =	vcmask $0x3B38  }
0x1b: {  	[smem:$0x7FF] =	sst s5;
	s10 =	ssub.s32 s9, s31;
	s7 =	sadd.s32 s3, s7;
	v4 =	vsel vm4, $0xA80, v4;
	v5 =	vsel vm4, $0x1A80, v5;
	v6 =	vsel vm4, $0x2A80, v6  }
0x1c: {  	s6 =	sadd.s32 $0x800, s8;
	s10 =	smax.u32 s10, $0x1;
	s8 =	sadd.s32 $0x100, s7;
	v7 =	vsel vm4, $0x3A80, v7;
	v4 =	vsel vm3, $0xB00, v4;
	v5 =	vsel vm3, $0x1B00, v5  }
0x1d: {  	s9 =	sadd.s32 $0x200, s7;
	s2 =	rddreg [dreg:$0x0];
	_ =	strace $0x80000047;
	v6 =	vsel vm3, $0x2B00, v6;
	v7 =	vsel vm3, $0x3B00, v7;
	vm3 =	vcmask $0x171C  }
.LBB2_21:
0x1e: {  	s4 =	sadd.s32 $0xFFFFFFF8, s16  }
0x1f: {  	p0 =	slt.s32 s4, $0x0  }
0x20: {  	s4 =	sand.u32 @!p0 $0x7, s16  }
0x21: {  	s17 =	sadd.s32 $0xFFFFFFF9, s16;
	s4 =	sadd.s32 @!p0 $0x5, s4  }
0x22: {  	p1 =	slt.s32 s17, $0x0;
	_ =	swait.ge @!p0 [sflag:s4], $0x40  }
0x23: {  	s17 =	sand.u32 @!p1 $0x7, s17;
	[sflag:s4] =	ssyncset.done @!p0 $0x0  }
0x24: {  	[sflag:s4] =	ssyncadd.s32 @!p0 $0xFFFFFFC0;
	s4 =	sadd.s32 @!p1 $0x5, s17;
	s17 =	sadd.s32 $0xFFFFFFFA, s16  }
0x25: {  	_ =	swait.ge @!p1 [sflag:s4], $0x40;
	p0 =	slt.s32 s17, $0x0  }
0x26: {  	[sflag:s4] =	ssyncset.done @!p1 $0x0;
	s17 =	sand.u32 @!p0 $0x7, s17  }
0x27: {  	[sflag:s4] =	ssyncadd.s32 @!p1 $0xFFFFFFC0;
	s4 =	sadd.s32 @!p0 $0x5, s17;
	s17 =	sadd.s32 $0xFFFFFFFB, s16  }
0x28: {  	_ =	swait.ge @!p0 [sflag:s4], $0x40;
	p1 =	slt.s32 s17, $0x0  }
0x29: {  	[sflag:s4] =	ssyncset.done @!p0 $0x0;
	s17 =	sand.u32 @!p1 $0x7, s17  }
0x2a: {  	[sflag:s4] =	ssyncadd.s32 @!p0 $0xFFFFFFC0;
	s4 =	sadd.s32 @!p1 $0x5, s17;
	s17 =	sadd.s32 $0xFFFFFFFC, s16  }
0x2b: {  	_ =	swait.ge @!p1 [sflag:s4], $0x40;
	p0 =	slt.s32 s17, $0x0  }
0x2c: {  	[sflag:s4] =	ssyncset.done @!p1 $0x0;
	s17 =	sand.u32 @!p0 $0x7, s17  }
0x2d: {  	[sflag:s4] =	ssyncadd.s32 @!p1 $0xFFFFFFC0;
	s4 =	sadd.s32 @!p0 $0x5, s17;
	s17 =	sadd.s32 $0xFFFFFFFD, s16  }
0x2e: {  	_ =	swait.ge @!p0 [sflag:s4], $0x40;
	p1 =	slt.s32 s17, $0x0  }
0x2f: {  	[sflag:s4] =	ssyncset.done @!p0 $0x0;
	s17 =	sand.u32 @!p1 $0x7, s17  }
0x30: {  	[sflag:s4] =	ssyncadd.s32 @!p0 $0xFFFFFFC0;
	s4 =	sadd.s32 @!p1 $0x5, s17;
	s17 =	sadd.s32 $0xFFFFFFFE, s16  }
0x31: {  	_ =	swait.ge @!p1 [sflag:s4], $0x40;
	p0 =	slt.s32 s17, $0x0  }
0x32: {  	[sflag:s4] =	ssyncset.done @!p1 $0x0;
	s17 =	sand.u32 @!p0 $0x7, s17  }
0x33: {  	[sflag:s4] =	ssyncadd.s32 @!p1 $0xFFFFFFC0;
	s4 =	sadd.s32 @!p0 $0x5, s17  }
0x34: {  	_ =	swait.ge @!p0 [sflag:s4], $0x40  }
0x35: {  	s15 =	sadd.s32 $0x1, s15;
	s16 =	sadd.s32 $0xFFFFFFFF, s16;
	[sflag:s4] =	ssyncset.done @!p0 $0x0  }
0x36: {  	p1 =	slt.s32 s16, $0x0;
	[sflag:s4] =	ssyncadd.s32 @!p0 $0xFFFFFFC0;
	p0 =	sne.s32 s15, s10  }
.Ltmp1:
0x37: {  	s16 =	sand.u32 @!p1 $0x7, s16;
	(pc) =	sbr.rel @!p0 .LBB2_22-.Ltmp1, $4  }
0x38: {  	s4 =	sadd.s32 @!p1 $0x5, s16  }
0x39: {  	_ =	swait.ge @!p1 [sflag:s4], $0x40  }
0x3a: {  	[sflag:s4] =	ssyncset.done @!p1 $0x0  }
0x3b: {  	[sflag:s4] =	ssyncadd.s32 @!p1 $0xFFFFFFC0  }
.LBB2_1:
0x3c: {  	[tilespmem:s5], [sflag:$0xD] =	stream.linear.gather [hbm4b:s2+s5], $0x4000, $0x38;
	[tilespmem:$0x1C800] =	vst v63  }
0x3d: {  	_ =	swait.ge [sflag:s11], $0x4000  }
0x3e: {  	[sflag:s11] =	ssyncset.done $0x0  }
0x3f: {  	s16 =	simm.s32 $0x10;
	[sflag:s11] =	ssyncadd.s32 $0xFFFFC000  }
0x40: {  	v8 =	vld [tilespmem:s16+$0xFFFFFFF0];
	_ =	sdelay $0x4  }
0x41: {  	v9 =	vshrl.u32 v8, $0x7;
	v8 =	vshll.u32 v8, $0xE  }
0x42: {  	vm4 =	vge.u32 v9, v0;
	vm5 =	vlt.u32 v9, v1;
	v9 =	vsub.s32 v9, v0  }
0x43: {  	v8 =	vand.u32 $0x1FC000, v8;
	vm4 =	vmand vm4, vm5;
	v9 =	vshll.u32 v9, $0x15  }
0x44: {  	s17 =	simm.s32 $0x0;
	v8 =	vor.u32 v8, v9;
	v9 =	vmpcnt.ones.xlane vm4  }
0x45: {  	v8 =	vadd.s32 s17, v8  }
0x46: {  	v8 =	vadd.s32 v2, v8;
	v9 =	vnsel vm0, $0x0, v9  }
0x47: {  	[tilespmem:s5+$0x4000] =	vst.msk vm4, v8;
	(xrf0) =	vadd.scan.msk.s32 $0xffff, v9  }
0x48: {  	v8 =	vld [tilespmem:s16+$0x0];
	_ =	sdelay $0x4  }
0x49: {  	v9 =	vshrl.u32 v8, $0x7;
	v10, _, _ =	vpop (xrf0)  }
0x4a: {  	vm4 =	vge.u32 v9, v0;
	vm5 =	vlt.u32 v9, v1;
	(v2sf) =	vpush v10, $0xF  }
0x4b: {  	vm4 =	vmand vm4, vm5  }
0x4c: {  	v10 =	vmpcnt.ones.xlane vm4;
	_ =	sdelay $0x1  }
0x4d: {  	v10 =	vnsel vm0, $0x0, v10  }
0x4e: {  	(xrf0) =	vadd.scan.msk.s32 $0xffff, v10;
	_ =	sdelay $0x5  }
0x4f: {  	v10, _, _ =	vpop (xrf0)  }
0x50: {  	v8 =	vshll.u32 v8, $0xE;
	v9 =	vsub.s32 v9, v0;
	(v2sf) =	vpush v10, $0xF  }
0x51: {  	v8 =	vand.u32 $0x1FC000, v8;
	v9 =	vshll.u32 v9, $0x15  }
0x52: {  	v8 =	vor.u32 v8, v9  }
0x53: {  	v8 =	vadd.s32 s16, v8;
	s30 =	spop (v2sf)  }
0x54: {  	v8 =	vadd.s32 v2, v8;
	s19 =	sadd.s32 $0x0, s30  }
0x55: {  	s16 =	simm.s32 $0x30;
	[tilespmem:s19+$0x4000] =	vst.msk vm4, v8  }
0x56: {  	v8 =	vld [tilespmem:s16+$0xFFFFFFF0];
	_ =	sdelay $0x4  }
0x57: {  	v9 =	vshrl.u32 v8, $0x7;
	v8 =	vshll.u32 v8, $0xE  }
0x58: {  	vm4 =	vge.u32 v9, v0;
	v10 =	vsub.s32 v9, v0;
	vm5 =	vlt.u32 v9, v1  }
0x59: {  	v8 =	vand.u32 $0x1FC000, v8;
	v9 =	vshll.u32 v10, $0x15;
	vm4 =	vmand vm4, vm5  }
0x5a: {  	s31 =	simm.s32 $0x20;
	v9 =	vor.u32 v8, v9;
	v8 =	vmpcnt.ones.xlane vm4  }
0x5b: {  	s18 =	simm.s32 $0x2;
	s17 =	simm.s32 $0x30;
	v9 =	vadd.s32 s31, v9;
	s20 =	spop (v2sf)  }
.LBB2_2:
0x5c: {  	s18 =	sadd.s32 $0x2, s18;
	v9 =	vadd.s32 v2, v9;
	v8 =	vnsel vm0, $0x0, v8;
	s19 =	sadd.s32 s19, s20  }
0x5d: {  	p0 =	slt.u32 s18, $0x3FE;
	[tilespmem:s19+$0x4000] =	vst.msk vm4, v9;
	(xrf0) =	vadd.scan.msk.s32 $0xffff, v8  }
0x5e: {  	v8 =	vld [tilespmem:s16+$0x0];
	_ =	sdelay $0x4  }
0x5f: {  	v9 =	vshrl.u32 v8, $0x7;
	v10, _, _ =	vpop (xrf0)  }
0x60: {  	vm4 =	vge.u32 v9, v0;
	vm5 =	vlt.u32 v9, v1;
	(v2sf) =	vpush v10, $0xF  }
0x61: {  	v8 =	vshll.u32 v8, $0xE;
	v9 =	vsub.s32 v9, v0;
	vm4 =	vmand vm4, vm5  }
0x62: {  	v8 =	vand.u32 $0x1FC000, v8;
	v9 =	vshll.u32 v9, $0x15;
	v10 =	vmpcnt.ones.xlane vm4  }
0x63: {  	v8 =	vor.u32 v8, v9  }
0x64: {  	v8 =	vadd.s32 s17, v8;
	v9 =	vnsel vm0, $0x0, v10  }
0x65: {  	(xrf0) =	vadd.scan.msk.s32 $0xffff, v9;
	_ =	sdelay $0x5  }
0x66: {  	v9, _, _ =	vpop (xrf0)  }
0x67: {  	(v2sf) =	vpush v9, $0xF;
	_ =	sdelay $0x2  }
0x68: {  	s20 =	spop (v2sf)  }
0x69: {  	v8 =	vadd.s32 v2, v8;
	s19 =	sadd.s32 s19, s20  }
0x6a: {  	s16 =	sadd.s32 $0x20, s16;
	[tilespmem:s19+$0x4000] =	vst.msk vm4, v8  }
0x6b: {  	v8 =	vld [tilespmem:s16+$0xFFFFFFF0];
	_ =	sdelay $0x4  }
.Ltmp2:
0x6c: {  	v9 =	vshrl.u32 v8, $0x7;
	v8 =	vshll.u32 v8, $0xE;
	(pc) =	sbr.rel @p0 .LBB2_2-.Ltmp2, $4  }
0x6d: {  	vm4 =	vge.u32 v9, v0;
	vm5 =	vlt.u32 v9, v1;
	v9 =	vsub.s32 v9, v0  }
0x6e: {  	s17 =	sadd.s32 $0x20, s17;
	v8 =	vand.u32 $0x1FC000, v8;
	vm4 =	vmand vm4, vm5;
	v9 =	vshll.u32 v9, $0x15  }
0x6f: {  	s20 =	sadd.s32 $0xFFFFFFF0, s17;
	v9 =	vor.u32 v8, v9;
	v8 =	vmpcnt.ones.xlane vm4  }
0x70: {  	v9 =	vadd.s32 s20, v9;
	s20 =	spop (v2sf)  }
0x71: {  	v8 =	vnsel vm0, $0x0, v8  }
0x72: {  	s18 =	sadd.s32 s19, s20;
	(xrf0) =	vadd.scan.msk.s32 $0xffff, v8;
	v8 =	vadd.s32 v2, v9  }
0x73: {  	[tilespmem:s18+$0x4000] =	vst.msk vm4, v8  }
0x74: {  	v8 =	vld [tilespmem:s16+$0x0];
	_ =	sdelay $0x4  }
0x75: {  	v62 =	vshrl.u32 v8, $0x7  }
0x76: {  	v61, _, _ =	vpop (xrf0);
	vm4 =	vge.u32 v62, v0;
	vm5 =	vlt.u32 v62, v1  }
0x77: {  	(v2sf) =	vpush v61, $0xF;
	vm4 =	vmand vm4, vm5  }
0x78: {  	v10 =	vmpcnt.ones.xlane vm4;
	_ =	sdelay $0x1  }
0x79: {  	v10 =	vnsel vm0, $0x0, v10  }
0x7a: {  	(xrf0) =	vadd.scan.msk.s32 $0xffff, v10;
	_ =	sdelay $0x5  }
0x7b: {  	v63, _, _ =	vpop (xrf0)  }
0x7c: {  	(v2sf) =	vpush v63, $0xF  }
0x7d: {  	v8 =	vshll.u32 v8, $0xE;
	v9 =	vsub.s32 v62, v0  }
0x7e: {  	v8 =	vand.u32 $0x1FC000, v8;
	v9 =	vshll.u32 v9, $0x15  }
0x7f: {  	v8 =	vor.u32 v8, v9  }
0x80: {  	v8 =	vadd.s32 s17, v8;
	s29 =	spop (v2sf)  }
0x81: {  	v8 =	vadd.s32 v2, v8;
	s30 =	sadd.s32 s18, s29  }
0x82: {  	[tilespmem:s30+$0x4000] =	vst.msk vm4, v8  }
0x83: {  	[tilespmem:$0xC100] =	vst v3  }
0x84: {  	[tilespmem:$0xC110] =	vst v3  }
0x85: {  	[tilespmem:$0xC120] =	vst v3  }
0x86: {  	[tilespmem:$0xC130] =	vst v3  }
0x87: {  	[tilespmem:$0xC140] =	vst v3  }
0x88: {  	[tilespmem:$0xC150] =	vst v3  }
0x89: {  	[tilespmem:$0xC160] =	vst v3  }
0x8a: {  	[tilespmem:$0xC170] =	vst v3  }
0x8b: {  	[tilespmem:$0xC180] =	vst v3;
	s31 =	spop (v2sf)  }
0x8c: {  	[tilespmem:$0xC190] =	vst v3;
	s16 =	sadd.s32 s30, s31  }
0x8d: {  	[tilespmem:$0xC1A0] =	vst v3;
	p0 =	slt.s32 s16, $0x1  }
.Ltmp3:
0x8e: {  	[tilespmem:$0xC1B0] =	vst v3;
	(pc) =	sbr.rel @p0 .LBB2_7-.Ltmp3, $4  }
0x8f: {  	[tilespmem:$0xC1C0] =	vst v3  }
0x90: {  	[tilespmem:$0xC1D0] =	vst v3  }
0x91: {  	[tilespmem:$0xC1E0] =	vst v3;
	s17 =	sadd.s32 s29, s31  }
0x92: {  	[tilespmem:$0xC1F0] =	vst v3;
	s17 =	sadd.s32 s18, s17  }
0x93: {  	s18 =	simm.s32 $0x0  }
0x94: {  	s19 =	sand.u32 $0x7FFFFFF0, s18  }
0x95: {  	v8 =	vld [tilespmem:s19+$0x4000];
	_ =	sdelay $0x1  }
0x96: {  	s18 =	sand.u32 $0xF, s18  }
0x97: {  	v9 =	vmov s18  }
0x98: {  	vm4 =	veq.s32 v9, v2  }
0x99: {  	v8 =	vnsel vm4, $0x0, v8  }
0x9a: {  	(xrf0) =	vadd.scan.msk.s32 $0xffff, v8;
	_ =	sdelay $0x5  }
0x9b: {  	v8, _, _ =	vpop (xrf0)  }
0x9c: {  	v8 =	vshrl.u32 v8, $0x15  }
0x9d: {  	v8 =	vbroadcast v8, $0xF;
	_ =	sdelay $0x5  }
0x9e: {  	p1 =	sne.s32 s17, $0x1;
	v9 =	vld.idx.msk [tilespmem:v8+s12+$0x0], $0xffff  }
.Ltmp4:
0x9f: {  	_ = 	snop;
	(pc) =	sbr.rel @!p1 .LBB2_6-.Ltmp4, $2  }
0xa0: {  	_ =	sdelay $0x2  }
0xa1: {  	s18 =	simm.s32 $0x1;
	v9 =	vadd.s32 $0x1, v9  }
.LBB2_5:
0xa2: {  	s19 =	sand.u32 $0x7FFFFFF0, s18;
	[tilespmem:v8+s12+$0x0] =	vst.idx.msk $0x1, v9;
	s20 =	smov.u32 s18;
	s18 =	sadd.s32 $0x1, s18  }
0xa3: {  	v8 =	vld [tilespmem:s19+$0x4000];
	p1 =	sne.s32 s17, s18;
	_ =	sdelay $0x1  }
0xa4: {  	s19 =	sand.u32 $0xF, s20  }
0xa5: {  	v9 =	vmov s19  }
0xa6: {  	vm4 =	veq.s32 v9, v2  }
0xa7: {  	v8 =	vnsel vm4, $0x0, v8  }
0xa8: {  	(xrf0) =	vadd.scan.msk.s32 $0xffff, v8;
	_ =	sdelay $0x5  }
0xa9: {  	v8, _, _ =	vpop (xrf0)  }
0xaa: {  	v8 =	vshrl.u32 v8, $0x15  }
0xab: {  	v8 =	vbroadcast v8, $0xF;
	_ =	sdelay $0x5  }
0xac: {  	v9 =	vld.idx.msk [tilespmem:v8+s12+$0x0], $0xffff;
	_ =	sdelay $0x1  }
.Ltmp5:
0xad: {  	(pc) =	sbr.rel @p1 .LBB2_5-.Ltmp5, $2  }
0xae: {  	_ =	sdelay $0x2  }
0xaf: {  	v9 =	vadd.s32 $0x1, v9  }
.LBB2_6:
0xb0: {  	_ =	sdelay $0x3  }
0xb1: {  	[tilespmem:v8+s12+$0x0] =	vst.idx.msk $0x1, v9  }
.LBB2_7:
0xb2: {  	v8 =	vld [tilespmem:$0xC100]  }
0xb3: {  	v9 =	vld [tilespmem:$0xC110];
	_ =	sdelay $0x1  }
0xb4: {  	v10 =	vld [tilespmem:$0xC120];
	_ =	sdelay $0x1  }
0xb5: {  	v11 =	vld [tilespmem:$0xC130];
	(xrf0) =	vadd.scan.msk.s32 $0xffff, v8  }
0xb6: {  	(xrf0) =	vadd.scan.msk.s32 $0xffff, v9  }
0xb7: {  	v12 =	vld [tilespmem:$0xC140]  }
0xb8: {  	(xrf0) =	vadd.scan.msk.s32 $0xffff, v10  }
0xb9: {  	v13 =	vld [tilespmem:$0xC150]  }
0xba: {  	(xrf0) =	vadd.scan.msk.s32 $0xffff, v11  }
0xbb: {  	v15 =	vld [tilespmem:$0xC160];
	v14, _, _ =	vpop (xrf0)  }
0xbc: {  	(xrf0) =	vadd.scan.msk.s32 $0xffff, v12;
	(v2sf) =	vpush v14, $0xF;
	v16, _, _ =	vpop (xrf0)  }
0xbd: {  	v17 =	vld [tilespmem:$0xC170];
	(v2sf) =	vpush v16, $0xF  }
0xbe: {  	(xrf0) =	vadd.scan.msk.s32 $0xffff, v13;
	v18, _, _ =	vpop (xrf0)  }
0xbf: {  	v19 =	vld [tilespmem:$0xC180];
	(v2sf) =	vpush v18, $0xF  }
0xc0: {  	(xrf0) =	vadd.scan.msk.s32 $0xffff, v15;
	v20, _, _ =	vpop (xrf0)  }
0xc1: {  	v21 =	vld [tilespmem:$0xC190];
	(v2sf) =	vpush v20, $0xF  }
0xc2: {  	v22, _, _ =	vpop (xrf0);
	(xrf0) =	vadd.scan.msk.s32 $0xffff, v17  }
0xc3: {  	v23 =	vld [tilespmem:$0xC1A0];
	(v2sf) =	vpush v22, $0xF  }
0xc4: {  	v24, _, _ =	vpop (xrf0);
	(xrf0) =	vadd.scan.msk.s32 $0xffff, v19  }
0xc5: {  	v25 =	vld [tilespmem:$0xC1B0];
	(v2sf) =	vpush v24, $0xF  }
0xc6: {  	v26, _, _ =	vpop (xrf0);
	(xrf0) =	vadd.scan.msk.s32 $0xffff, v21  }
0xc7: {  	v27 =	vld [tilespmem:$0xC1C0];
	(v2sf) =	vpush v26, $0xF  }
0xc8: {  	v28, _, _ =	vpop (xrf0);
	(xrf0) =	vadd.scan.msk.s32 $0xffff, v23  }
0xc9: {  	v29 =	vld [tilespmem:$0xC1D0];
	(v2sf) =	vpush v28, $0xF  }
0xca: {  	v8 =	vsub.s32 v14, v8;
	v14 =	vbroadcast v14, $0xF;
	v30, _, _ =	vpop (xrf0);
	(xrf0) =	vadd.scan.msk.s32 $0xffff, v25  }
0xcb: {  	v46 =	vld [tilespmem:$0xC1E0];
	[tilespmem:$0xC200] =	vst v8;
	v9 =	vsub.s32 v16, v9;
	s18 =	spop (v2sf);
	(v2sf) =	vpush v30, $0xF  }
0xcc: {  	[tilespmem:$0xC300] =	vst v8;
	v8 =	vadd.s32 v14, v9;
	v47, _, _ =	vpop (xrf0);
	(xrf0) =	vadd.scan.msk.s32 $0xffff, v27;
	s19 =	spop (v2sf)  }
0xcd: {  	v10 =	vsub.s32 v18, v10;
	[tilespmem:$0xC210] =	vst v8;
	(v2sf) =	vpush v47, $0xF;
	s18 =	sadd.s32 s18, s19  }
0xce: {  	[tilespmem:$0xC310] =	vst v8;
	s31 =	spop (v2sf);
	v48, _, _ =	vpop (xrf0);
	(xrf0) =	vadd.scan.msk.s32 $0xffff, v29;
	v8 =	vadd.s32 s18, v10  }
0xcf: {  	v11 =	vsub.s32 v20, v11;
	s18 =	sadd.s32 s18, s31;
	(v2sf) =	vpush v48, $0xF;
	[tilespmem:$0xC220] =	vst v8  }
0xd0: {  	s4 =	spop (v2sf);
	v49, _, _ =	vpop (xrf0);
	(xrf0) =	vadd.scan.msk.s32 $0xffff, v46;
	[tilespmem:$0xC320] =	vst v8;
	v8 =	vadd.s32 s18, v11  }
0xd1: {  	v12 =	vsub.s32 v22, v12;
	s18 =	sadd.s32 s18, s4;
	(v2sf) =	vpush v49, $0xF;
	[tilespmem:$0xC230] =	vst v8  }
0xd2: {  	v50, _, _ =	vpop (xrf0);
	[tilespmem:$0xC330] =	vst v8;
	v8 =	vadd.s32 s18, v12;
	s20 =	spop (v2sf)  }
0xd3: {  	v51 =	vsub.s32 v24, v13;
	[tilespmem:$0xC240] =	vst v8;
	(v2sf) =	vpush v50, $0xF;
	s18 =	sadd.s32 s18, s20  }
0xd4: {  	[tilespmem:$0xC340] =	vst v8;
	s21 =	spop (v2sf);
	v52, _, _ =	vpop (xrf0);
	v8 =	vadd.s32 s18, v51  }
0xd5: {  	v53 =	vsub.s32 v26, v15;
	s18 =	sadd.s32 s18, s21;
	[tilespmem:$0xC250] =	vst v8;
	(v2sf) =	vpush v52, $0xF  }
0xd6: {  	s22 =	spop (v2sf);
	[tilespmem:$0xC350] =	vst v8;
	v8 =	vadd.s32 s18, v53;
	v54, _, _ =	vpop (xrf0)  }
0xd7: {  	v55 =	vsub.s32 v28, v17;
	s18 =	sadd.s32 s18, s22;
	[tilespmem:$0xC260] =	vst v8;
	(v2sf) =	vpush v54, $0xF  }
0xd8: {  	[tilespmem:$0xC360] =	vst v8;
	v8 =	vadd.s32 s18, v55;
	s23 =	spop (v2sf)  }
0xd9: {  	v56 =	vsub.s32 v30, v19;
	[tilespmem:$0xC270] =	vst v8;
	s18 =	sadd.s32 s18, s23  }
0xda: {  	[tilespmem:$0xC370] =	vst v8;
	v8 =	vadd.s32 s18, v56;
	s24 =	spop (v2sf)  }
0xdb: {  	v57 =	vld [tilespmem:$0xC1F0];
	v9 =	vsub.s32 v47, v21;
	[tilespmem:$0xC280] =	vst v8;
	s18 =	sadd.s32 s18, s24  }
0xdc: {  	[tilespmem:$0xC380] =	vst v8;
	s25 =	spop (v2sf);
	v8 =	vadd.s32 s18, v9  }
0xdd: {  	v58 =	vsub.s32 v48, v23;
	s18 =	sadd.s32 s18, s25;
	[tilespmem:$0xC290] =	vst v8  }
0xde: {  	[tilespmem:$0xC390] =	vst v8;
	s26 =	spop (v2sf);
	v8 =	vadd.s32 s18, v58  }
0xdf: {  	v59 =	vsub.s32 v49, v25;
	[tilespmem:$0xC2A0] =	vst v8;
	s18 =	sadd.s32 s18, s26  }
0xe0: {  	(xrf0) =	vadd.scan.msk.s32 $0xffff, v57;
	[tilespmem:$0xC3A0] =	vst v8;
	s28 =	spop (v2sf);
	v8 =	vadd.s32 s18, v59  }
0xe1: {  	v60 =	vsub.s32 v50, v27;
	s18 =	sadd.s32 s18, s28;
	[tilespmem:$0xC2B0] =	vst v8  }
0xe2: {  	[tilespmem:$0xC3B0] =	vst v8;
	s29 =	spop (v2sf);
	v8 =	vadd.s32 s18, v60  }
0xe3: {  	v61 =	vsub.s32 v52, v29;
	[tilespmem:$0xC2C0] =	vst v8;
	s18 =	sadd.s32 s18, s29  }
0xe4: {  	[tilespmem:$0xC3C0] =	vst v8;
	v8 =	vadd.s32 s18, v61;
	s30 =	spop (v2sf)  }
0xe5: {  	v62 =	vsub.s32 v54, v46;
	[tilespmem:$0xC2D0] =	vst v8;
	s18 =	sadd.s32 s18, s30  }
.Ltmp6:
0xe6: {  	v63, _, _ =	vpop (xrf0);
	[tilespmem:$0xC3D0] =	vst v8;
	s31 =	spop (v2sf);
	v8 =	vadd.s32 s18, v62;
	(pc) =	sbr.rel @p0 .LBB2_11-.Ltmp6, $4  }
0xe7: {  	v9 =	vsub.s32 v63, v57;
	s18 =	sadd.s32 s18, s31;
	[tilespmem:$0xC2E0] =	vst v8  }
0xe8: {  	[tilespmem:$0xC3E0] =	vst v8;
	v8 =	vadd.s32 s18, v9  }
0xe9: {  	[tilespmem:$0xC2F0] =	vst v8  }
0xea: {  	[tilespmem:$0xC3F0] =	vst v8  }
0xeb: {  	s18 =	simm.s32 $0x0  }
0xec: {  	s19 =	sand.u32 $0x7FFFFFF0, s18  }
0xed: {  	v8 =	vld [tilespmem:s19+$0x4000];
	_ =	sdelay $0x1  }
0xee: {  	s18 =	sand.u32 $0xF, s18  }
0xef: {  	v9 =	vmov s18  }
0xf0: {  	vm4 =	veq.s32 v9, v2  }
0xf1: {  	v8 =	vnsel vm4, $0x0, v8  }
0xf2: {  	(xrf0) =	vadd.scan.msk.s32 $0xffff, v8;
	_ =	sdelay $0x5  }
0xf3: {  	v8, _, _ =	vpop (xrf0)  }
0xf4: {  	v9 =	vbroadcast v8, $0xF;
	_ =	sdelay $0x1  }
0xf5: {  	v8 =	vshrl.u32 v9, $0x15;
	_ =	sdelay $0x4  }
0xf6: {  	v10 =	vld.idx.msk [tilespmem:v8+s13+$0x0], $0xffff;
	_ =	sdelay $0x2  }
0xf7: {  	p0 =	sne.s32 s17, $0x1  }
.Ltmp7:
0xf8: {  	_ = 	snop;
	(pc) =	sbr.rel @!p0 .LBB2_10-.Ltmp7, $2  }
0xf9: {  	_ =	sdelay $0x2  }
0xfa: {  	s18 =	simm.s32 $0x1;
	[tilespmem:v10+s14+$0x0] =	vst.idx.msk $0x1, v9;
	v9 =	vadd.s32 $0x1, v10  }
.LBB2_9:
0xfb: {  	s19 =	sand.u32 $0x7FFFFFF0, s18;
	[tilespmem:v8+s13+$0x0] =	vst.idx.msk $0x1, v9;
	s20 =	smov.u32 s18  }
0xfc: {  	s18 =	sadd.s32 $0x1, s18;
	v8 =	vld [tilespmem:s19+$0x4000]  }
0xfd: {  	p0 =	sne.s32 s17, s18  }
0xfe: {  	s19 =	sand.u32 $0xF, s20  }
0xff: {  	v9 =	vmov s19  }
0x100: {  	vm4 =	veq.s32 v9, v2  }
0x101: {  	v8 =	vnsel vm4, $0x0, v8  }
0x102: {  	(xrf0) =	vadd.scan.msk.s32 $0xffff, v8;
	_ =	sdelay $0x5  }
0x103: {  	v8, _, _ =	vpop (xrf0)  }
0x104: {  	v9 =	vbroadcast v8, $0xF;
	_ =	sdelay $0x1  }
0x105: {  	v8 =	vshrl.u32 v9, $0x15;
	_ =	sdelay $0x4  }
0x106: {  	v10 =	vld.idx.msk [tilespmem:v8+s13+$0x0], $0xffff;
	_ =	sdelay $0x3  }
.Ltmp8:
0x107: {  	(pc) =	sbr.rel @p0 .LBB2_9-.Ltmp8, $2  }
0x108: {  	_ =	sdelay $0x2  }
0x109: {  	[tilespmem:v10+s14+$0x0] =	vst.idx.msk $0x1, v9;
	v9 =	vadd.s32 $0x1, v10  }
.LBB2_10:
0x10a: {  	_ =	sdelay $0x3  }
0x10b: {  	[tilespmem:v8+s13+$0x0] =	vst.idx.msk $0x1, v9  }
.LBB2_11:
0x10c: {  	v8 =	vld [tilespmem:$0xC300];
	_ =	sdelay $0x4  }
0x10d: {  	v9 =	vnsel vm0, $0x0, v8  }
0x10e: {  	v8 =	vsel vm1, $0x0, v8;
	(xrf0) =	vadd.scan.msk.s32 $0xffff, v9  }
0x10f: {  	(xrf0) =	vadd.scan.msk.s32 $0xffff, v8;
	_ =	sdelay $0x4  }
0x110: {  	v8, _, _ =	vpop (xrf0)  }
0x111: {  	v8 =	vbroadcast v8, $0xF;
	v59, _, _ =	vpop (xrf0)  }
0x112: {  	v9 =	vbroadcast v59, $0xF  }
0x113: {  	v8 =	vnsel vm0, $0x0, v8  }
0x114: {  	(xrf0) =	vadd.scan.msk.s32 $0xffff, v8;
	v8 =	vnsel vm0, $0x0, v9  }
0x115: {  	(xrf0) =	vadd.scan.msk.s32 $0xffff, v8;
	_ =	sdelay $0x4  }
0x116: {  	v8, _, _ =	vpop (xrf0)  }
0x117: {  	(v2sf) =	vpush v8, $0xF;
	v8, _, _ =	vpop (xrf0)  }
0x118: {  	(v2sf) =	vpush v8, $0xF;
	_ =	sdelay $0xd  }
0x119: {  	s17 =	spop (v2sf)  }
0x11a: {  	s18 =	spop (v2sf)  }
0x11b: {  	p0 =	sle.s32 s18, s17  }
0x11c: {  	s17 =	simm.s32 @!p0 $0x800;
	s18 =	simm.s32 @!p0 $0x7A1400;
	s19 =	simm.s32 @!p0 $0xC400  }
0x11d: {  	[tilespmem:s19], [sflag:$0x1] =	stream.strided.gather @!p0 [hbm4b:s7+s17], $0x4000, s18, s17, $0x38;
	[tilespmem:$0x1C800] =	vst v63  }
0x11e: {  	v8 =	vld [tilespmem:$0xC300];
	_ =	sdelay $0x4  }
0x11f: {  	v60 =	vsel vm1, $0x0, v8  }
0x120: {  	v8 =	vsel vm2, $0x0, v8;
	(xrf0) =	vadd.scan.msk.s32 $0xffff, v60  }
0x121: {  	(xrf0) =	vadd.scan.msk.s32 $0xffff, v8;
	_ =	sdelay $0x4  }
0x122: {  	v8, _, _ =	vpop (xrf0)  }
0x123: {  	v8 =	vbroadcast v8, $0xF;
	v61, _, _ =	vpop (xrf0)  }
0x124: {  	v9 =	vbroadcast v61, $0xF  }
0x125: {  	v8 =	vnsel vm0, $0x0, v8  }
0x126: {  	(xrf0) =	vadd.scan.msk.s32 $0xffff, v8;
	v8 =	vnsel vm0, $0x0, v9  }
0x127: {  	(xrf0) =	vadd.scan.msk.s32 $0xffff, v8;
	_ =	sdelay $0x4  }
0x128: {  	v8, _, _ =	vpop (xrf0)  }
0x129: {  	(v2sf) =	vpush v8, $0xF;
	v8, _, _ =	vpop (xrf0)  }
0x12a: {  	(v2sf) =	vpush v8, $0xF;
	_ =	sdelay $0xd  }
0x12b: {  	s28 =	spop (v2sf)  }
0x12c: {  	s29 =	spop (v2sf)  }
0x12d: {  	p0 =	sle.s32 s29, s28  }
0x12e: {  	s17 =	simm.s32 @!p0 $0x800;
	s18 =	simm.s32 @!p0 $0x7A1400;
	s19 =	simm.s32 @!p0 $0x10400  }
0x12f: {  	[tilespmem:s19], [sflag:$0x2] =	stream.strided.gather @!p0 [hbm4b:s8+s17], $0x4000, s18, s17, $0x38;
	[tilespmem:$0x1C800] =	vst v63  }
0x130: {  	v8 =	vld [tilespmem:$0xC300];
	_ =	sdelay $0x4  }
0x131: {  	v62 =	vsel vm2, $0x0, v8  }
0x132: {  	v8 =	vsel vm3, $0x0, v8;
	(xrf0) =	vadd.scan.msk.s32 $0xffff, v62  }
0x133: {  	(xrf0) =	vadd.scan.msk.s32 $0xffff, v8;
	_ =	sdelay $0x4  }
0x134: {  	v8, _, _ =	vpop (xrf0)  }
0x135: {  	v8 =	vbroadcast v8, $0xF;
	v63, _, _ =	vpop (xrf0)  }
0x136: {  	v9 =	vbroadcast v63, $0xF  }
0x137: {  	v8 =	vnsel vm0, $0x0, v8  }
0x138: {  	(xrf0) =	vadd.scan.msk.s32 $0xffff, v8;
	v8 =	vnsel vm0, $0x0, v9  }
0x139: {  	(xrf0) =	vadd.scan.msk.s32 $0xffff, v8;
	_ =	sdelay $0x4  }
0x13a: {  	v8, _, _ =	vpop (xrf0)  }
0x13b: {  	(v2sf) =	vpush v8, $0xF;
	v8, _, _ =	vpop (xrf0)  }
0x13c: {  	(v2sf) =	vpush v8, $0xF;
	_ =	sdelay $0xd  }
0x13d: {  	s30 =	spop (v2sf)  }
.Ltmp9:
0x13e: {  	s31 =	spop (v2sf);
	(pc) =	sbr.rel .LBB2_12-.Ltmp9, $4  }
0x13f: {  	p0 =	sle.s32 s31, s30  }
0x140: {  	s17 =	simm.s32 @!p0 $0x800;
	s18 =	simm.s32 @!p0 $0x7A1400;
	s19 =	simm.s32 @!p0 $0x14400  }
0x141: {  	[tilespmem:s19], [sflag:$0x3] =	stream.strided.gather @!p0 [hbm4b:s9+s17], $0x4000, s18, s17, $0x38;
	[tilespmem:$0x1C800] =	vst v63  }
0x142: {  	s17 =	simm.s32 $0x0  }
.LBB2_14:
0x143: {  	_ = 	snop  }
.LBB2_19:
0x144: {  	s4 =	sadd.s32 s29, s20;
	[tilespmem:s25+$0x1C430] =	vst @p0 v10  }
0x145: {  	[hbm4b:s30+s5] =	stream.linear.scatter @p0 [tilespmem:s31], [sflag:s28], $0x40, $0x38;
	[tilespmem:$0x1C800] =	vst v63  }
0x146: {  	v10 =	vld [tilespmem:s4+$0x0];
	_ =	sdelay $0x3  }
0x147: {  	vm4 =	veq.s32 v9, v2  }
0x148: {  	v9 =	vnsel vm4, $0x0, v10  }
0x149: {  	(xrf0) =	vadd.scan.msk.s32 $0xffff, v9;
	_ =	sdelay $0x5  }
0x14a: {  	v9, _, _ =	vpop (xrf0)  }
0x14b: {  	v9 =	vbroadcast v9, $0xF;
	_ =	sdelay $0x1  }
0x14c: {  	v60 =	vshrl.u32 v9, $0xE  }
0x14d: {  	v8 =	vadd.s32 v8, v60  }
0x14e: {  	v8 =	vshll.u32 v8, $0x3  }
0x14f: {  	v10 =	vand.u32 $0x7F, v60;
	v8 =	vand.u32 $0xFFFFFC00, v8  }
0x150: {  	v9 =	vand.u32 $0x3FFF, v9;
	v8 =	vor.u32 v10, v8  }
0x151: {  	p0 =	slt.s32 s23, $0x8;
	v9 =	vnsel vm0, $0x0, v9;
	v10 =	vadd.s32 v4, v8  }
0x152: {  	s4 =	sadd.s32 @!p0 $0x5, s24;
	(xrf0) =	vadd.scan.msk.s32 $0xffff, v9  }
0x153: {  	_ =	swait.ge @!p0 [sflag:s4], $0x40  }
0x154: {  	[sflag:s4] =	ssyncset.done @!p0 $0x0  }
0x155: {  	[sflag:s4] =	ssyncadd.s32 @!p0 $0xFFFFFFC0  }
0x156: {  	v61 =	vld.idx.msk [tilespmem:v10+s18+$0x0], $0xffff  }
0x157: {  	v62 =	vadd.s32 v5, v8;
	_ =	sdelay $0x2  }
0x158: {  	s29 =	sshra.s32 s22, $0x2;
	v11, _, _ =	vpop (xrf0)  }
0x159: {  	(v2sf) =	vpush v11, $0xF;
	[tilespmem:s29+$0x1C400] =	vst v61  }
0x15a: {  	v9 =	vld.idx.msk [tilespmem:v62+s18+$0x0], $0xffff  }
0x15b: {  	v63 =	vadd.s32 v6, v8;
	_ =	sdelay $0x3  }
0x15c: {  	[tilespmem:s29+$0x1C410] =	vst v9  }
0x15d: {  	v9 =	vld.idx.msk [tilespmem:v63+s18+$0x0], $0xffff  }
0x15e: {  	v8 =	vadd.s32 v7, v8;
	_ =	sdelay $0x3  }
0x15f: {  	[tilespmem:s29+$0x1C420] =	vst v9  }
0x160: {  	v8 =	vld.idx.msk [tilespmem:v8+s18+$0x0], $0xffff;
	_ =	sdelay $0x1  }
0x161: {  	s30 =	spop (v2sf)  }
0x162: {  	s18 =	sshll.u32 s30, $0x3  }
0x163: {  	s18 =	sand.u32 $0x1FFFFFF8, s18  }
0x164: {  	s19 =	sadd.s32 $0x5, s24;
	s31 =	sadd.s32 $0x1C400, s29;
	s18 =	sadd.s32 s6, s18;
	[tilespmem:s29+$0x1C430] =	vst v8  }
0x165: {  	[hbm4b:s18+s5] =	stream.linear.scatter [tilespmem:s31], [sflag:s19], $0x40, $0x38;
	[tilespmem:$0x1C800] =	vst v63  }
.LBB2_20:
0x166: {  	s17 =	sadd.s32 $0x1, s17  }
0x167: {  	p0 =	sne.s32 s17, $0x7B  }
.Ltmp10:
0x168: {  	_ = 	snop;
	(pc) =	sbr.rel @!p0 .LBB2_21-.Ltmp10, $1  }
0x169: {  	_ =	sdelay $0x3  }
.LBB2_12:
0x16a: {  	s18 =	sadd.s32 $0x3, s17  }
0x16b: {  	s19 =	sshll.u32 s18, $0x1  }
0x16c: {  	s20 =	sand.u32 $0x1F0, s19;
	s21 =	sadd.s32 $0x2, s19  }
0x16d: {  	v8 =	vld [tilespmem:s20+$0xC300];
	s23 =	sand.u32 $0x3F0, s21  }
0x16e: {  	v9 =	vld [tilespmem:s23+$0xC300]  }
0x16f: {  	s24 =	sand.u32 $0xE, s19  }
0x170: {  	v10 =	vmov s24;
	s25 =	sand.u32 $0xE, s21  }
0x171: {  	vm4 =	veq.s32 v10, v2;
	v58 =	vmov s25  }
0x172: {  	v8 =	vnsel vm4, $0x0, v8;
	vm4 =	veq.s32 v58, v2  }
0x173: {  	(xrf0) =	vadd.scan.msk.s32 $0xffff, v8;
	v8 =	vnsel vm4, $0x0, v9  }
0x174: {  	(xrf0) =	vadd.scan.msk.s32 $0xffff, v8;
	_ =	sdelay $0x4  }
0x175: {  	v8, _, _ =	vpop (xrf0)  }
0x176: {  	v8 =	vbroadcast v8, $0xF;
	v59, _, _ =	vpop (xrf0)  }
0x177: {  	v9 =	vbroadcast v59, $0xF  }
0x178: {  	v8 =	vnsel vm0, $0x0, v8  }
0x179: {  	(xrf0) =	vadd.scan.msk.s32 $0xffff, v8;
	v8 =	vnsel vm0, $0x0, v9  }
0x17a: {  	(xrf0) =	vadd.scan.msk.s32 $0xffff, v8;
	_ =	sdelay $0x4  }
0x17b: {  	v8, _, _ =	vpop (xrf0)  }
0x17c: {  	(v2sf) =	vpush v8, $0xF;
	v8, _, _ =	vpop (xrf0)  }
0x17d: {  	(v2sf) =	vpush v8, $0xF;
	_ =	sdelay $0xd  }
0x17e: {  	s20 =	spop (v2sf)  }
0x17f: {  	p0 =	sgt.u32 s17, $0x77;
	s21 =	spop (v2sf)  }
0x180: {  	p1 =	sle.s32 @!p0 s21, s20  }
0x181: {  	p0 =	por p1, p0  }
0x182: {  	s19 =	sadd.s32 @!p0 s1, s19  }
0x183: {  	s18 =	sand.u32 @!p0 $0x3, s18;
	s21 =	simm.s32 @!p0 $0x800;
	s19 =	smin.u32 @!p0 s19, $0x1E83  }
0x184: {  	s22 =	simm.s32 @!p0 $0x7A1400;
	s20 =	sshll.u32 @!p0 s18, $0xE;
	s19 =	sshll.u32 @!p0 s19, $0x7  }
0x185: {  	s18 =	sadd.s32 @!p0 $0x1, s18;
	s20 =	sadd.s32 @!p0 $0xC400, s20;
	s19 =	sadd.s32 @!p0 s3, s19  }
0x186: {  	[tilespmem:s20], [sflag:s18] =	stream.strided.gather @!p0 [hbm4b:s19+s21], $0x4000, s22, s21, $0x38;
	[tilespmem:$0x1C800] =	vst v63  }
0x187: {  	s20 =	sshll.u32 s17, $0x1  }
0x188: {  	s26 =	sand.u32 $0xF0, s20;
	s28 =	sadd.s32 $0x2, s20  }
0x189: {  	v8 =	vld [tilespmem:s26+$0xC300];
	s29 =	sand.u32 $0x1F0, s28  }
0x18a: {  	v60 =	vld [tilespmem:s29+$0xC300]  }
0x18b: {  	s30 =	sand.u32 $0xE, s20  }
0x18c: {  	v61 =	vmov s30;
	s31 =	sand.u32 $0xE, s28  }
0x18d: {  	vm4 =	veq.s32 v61, v2;
	v62 =	vmov s31  }
0x18e: {  	v8 =	vnsel vm4, $0x0, v8;
	vm4 =	veq.s32 v62, v2  }
0x18f: {  	(xrf0) =	vadd.scan.msk.s32 $0xffff, v8;
	v8 =	vnsel vm4, $0x0, v60  }
0x190: {  	(xrf0) =	vadd.scan.msk.s32 $0xffff, v8;
	_ =	sdelay $0x4  }
0x191: {  	v8, _, _ =	vpop (xrf0)  }
0x192: {  	v8 =	vbroadcast v8, $0xF;
	v63, _, _ =	vpop (xrf0)  }
0x193: {  	v9 =	vbroadcast v63, $0xF  }
0x194: {  	v8 =	vnsel vm0, $0x0, v8  }
0x195: {  	(xrf0) =	vadd.scan.msk.s32 $0xffff, v8;
	v8 =	vnsel vm0, $0x0, v9  }
0x196: {  	(xrf0) =	vadd.scan.msk.s32 $0xffff, v8;
	_ =	sdelay $0x4  }
0x197: {  	v8, _, _ =	vpop (xrf0)  }
0x198: {  	(v2sf) =	vpush v8, $0xF;
	v8, _, _ =	vpop (xrf0)  }
0x199: {  	(v2sf) =	vpush v8, $0xF;
	_ =	sdelay $0xd  }
0x19a: {  	s23 =	spop (v2sf)  }
0x19b: {  	s19 =	spop (v2sf)  }
0x19c: {  	p0 =	sle.s32 s19, s23  }
.Ltmp11:
0x19d: {  	_ = 	snop;
	(pc) =	sbr.rel @p0 .LBB2_20-.Ltmp11, $1  }
0x19e: {  	_ =	sdelay $0x3  }
0x19f: {  	s18 =	sand.u32 $0x3, s17  }
0x1a0: {  	s21 =	sadd.s32 $0x1, s18  }
0x1a1: {  	s22 =	sshra.s32 s23, $0x1F;
	_ =	swait.ge [sflag:s21], $0x4000  }
0x1a2: {  	s30 =	sshrl.u32 s22, $0x1C;
	[sflag:s21] =	ssyncset.done $0x0  }
0x1a3: {  	[sflag:s21] =	ssyncadd.s32 $0xFFFFC000;
	s21 =	sadd.s32 s30, s23  }
0x1a4: {  	s20 =	sadd.s32 s1, s20;
	s21 =	sand.u32 $0xFFFFFFF0, s21  }
0x1a5: {  	s31 =	sshll.u32 s23, $0x2;
	s26 =	ssub.s32 s23, s21;
	s21 =	sadd.s32 $0x1, s23  }
0x1a6: {  	p0 =	por $0x0, $0x0;
	s18 =	sshll.u32 s18, $0xE;
	p1 =	sne.s32 s19, s21  }
.Ltmp12:
0x1a7: {  	s20 =	smin.u32 s20, $0x1E83;
	s22 =	sshrl.u32 s22, $0x1D;
	(pc) =	sbr.rel @!p1 .LBB2_14-.Ltmp12, $4  }
0x1a8: {  	s18 =	sadd.s32 $0xC400, s18;
	s20 =	ssub.s32 s1, s20;
	s22 =	sadd.s32 s22, s23  }
0x1a9: {  	s25 =	sshll.u32 s20, $0x7;
	s22 =	sand.u32 $0xFFFFFFF8, s22;
	s28 =	sshll.u32 s26, $0x2  }
0x1aa: {  	s20 =	sshra.s32 s31, $0x2;
	s24 =	ssub.s32 s23, s22;
	s28 =	ssub.s32 $0x0, s28  }
0x1ab: {  	s20 =	sadd.s32 $0x8080, s20;
	v8 =	vmov s25;
	s22 =	sshll.u32 s24, $0x9;
	v9 =	vmov s26;
	s29 =	sshra.s32 s28, $0x2  }
0x1ac: {  	s25 =	sadd.s32 s29, s20  }
0x1ad: {  	v10 =	vld [tilespmem:s25+$0x0];
	_ =	sdelay $0x3  }
0x1ae: {  	vm4 =	veq.s32 v9, v2  }
0x1af: {  	v9 =	vnsel vm4, $0x0, v10  }
0x1b0: {  	(xrf0) =	vadd.scan.msk.s32 $0xffff, v9;
	_ =	sdelay $0x5  }
0x1b1: {  	v9, _, _ =	vpop (xrf0)  }
0x1b2: {  	v9 =	vbroadcast v9, $0xF;
	_ =	sdelay $0x1  }
0x1b3: {  	v10 =	vshrl.u32 v9, $0xE  }
0x1b4: {  	v9 =	vand.u32 $0x3FFF, v9;
	v11 =	vadd.s32 v8, v10  }
0x1b5: {  	v9 =	vnsel vm0, $0x0, v9;
	v11 =	vshll.u32 v11, $0x3  }
0x1b6: {  	(xrf0) =	vadd.scan.msk.s32 $0xffff, v9;
	v9 =	vand.u32 $0x7F, v10;
	v10 =	vand.u32 $0xFFFFFC00, v11  }
0x1b7: {  	v9 =	vor.u32 v9, v10  }
0x1b8: {  	p0 =	slt.s32 s23, $0x8;
	v10 =	vadd.s32 v4, v9  }
0x1b9: {  	s23 =	sadd.s32 @!p0 $0x5, s24  }
0x1ba: {  	_ =	swait.ge @!p0 [sflag:s23], $0x40  }
0x1bb: {  	[sflag:s23] =	ssyncset.done @!p0 $0x0  }
0x1bc: {  	[sflag:s23] =	ssyncadd.s32 @!p0 $0xFFFFFFC0  }
0x1bd: {  	v11, _, _ =	vpop (xrf0);
	v10 =	vld.idx.msk [tilespmem:v10+s18+$0x0], $0xffff  }
0x1be: {  	(v2sf) =	vpush v11, $0xF;
	v11 =	vadd.s32 v5, v9;
	_ =	sdelay $0x2  }
0x1bf: {  	s25 =	sshra.s32 s22, $0x2  }
0x1c0: {  	[tilespmem:s25+$0x1C400] =	vst v10  }
0x1c1: {  	v10 =	vld.idx.msk [tilespmem:v11+s18+$0x0], $0xffff  }
0x1c2: {  	v11 =	vadd.s32 v6, v9;
	_ =	sdelay $0x3  }
0x1c3: {  	[tilespmem:s25+$0x1C410] =	vst v10  }
0x1c4: {  	v10 =	vld.idx.msk [tilespmem:v11+s18+$0x0], $0xffff  }
0x1c5: {  	v9 =	vadd.s32 v7, v9  }
0x1c6: {  	s4 =	sshra.s32 s21, $0x1F  }
0x1c7: {  	s20 =	sadd.s32 $0x1, s20;
	s26 =	sshrl.u32 s4, $0x1C  }
0x1c8: {  	s22 =	sshrl.u32 s4, $0x1D;
	s26 =	sadd.s32 s26, s21;
	s23 =	sadd.s32 $0x1, s21  }
0x1c9: {  	s22 =	sadd.s32 s22, s21;
	s26 =	sand.u32 $0xFFFFFFF0, s26;
	p1 =	sne.s32 s19, s23;
	[tilespmem:s25+$0x1C420] =	vst v10  }
.Ltmp13:
0x1ca: {  	s31 =	sadd.s32 $0x1C400, s25;
	s30 =	ssub.s32 s21, s26;
	v10 =	vld.idx.msk [tilespmem:v9+s18+$0x0], $0xffff;
	(pc) =	sbr.rel @!p1 .LBB2_16-.Ltmp13, $4  }
0x1cb: {  	s22 =	sand.u32 $0xFFFFFFF8, s22;
	s29 =	sshll.u32 s30, $0x2;
	s28 =	spop (v2sf)  }
0x1cc: {  	s26 =	ssub.s32 s21, s22;
	s29 =	ssub.s32 $0x0, s29;
	s28 =	sshll.u32 s28, $0x3  }
0x1cd: {  	s22 =	sshll.u32 s26, $0x9;
	s29 =	sshra.s32 s29, $0x2;
	s4 =	sand.u32 $0x1FFFFFF8, s28  }
0x1ce: {  	p0 =	por $0x1, $0x1;
	s28 =	sadd.s32 $0x5, s24;
	v9 =	vmov s30;
	s30 =	sadd.s32 s6, s4  }
.LBB2_17:
0x1cf: {  	s4 =	sadd.s32 s29, s20;
	[tilespmem:s25+$0x1C430] =	vst v10;
	s25 =	smov.u32 s23;
	s23 =	sadd.s32 $0x1, s23  }
0x1d0: {  	[hbm4b:s30+s5] =	stream.linear.scatter [tilespmem:s31], [sflag:s28], $0x40, $0x38;
	[tilespmem:$0x1C800] =	vst v63  }
0x1d1: {  	s24 =	smov.u32 s26;
	p1 =	sne.s32 s19, s23;
	v10 =	vld [tilespmem:s4+$0x0];
	_ =	sdelay $0x3  }
0x1d2: {  	vm4 =	veq.s32 v9, v2  }
0x1d3: {  	v9 =	vnsel vm4, $0x0, v10  }
0x1d4: {  	(xrf0) =	vadd.scan.msk.s32 $0xffff, v9;
	_ =	sdelay $0x5  }
0x1d5: {  	v9, _, _ =	vpop (xrf0)  }
0x1d6: {  	v9 =	vbroadcast v9, $0xF;
	_ =	sdelay $0x1  }
0x1d7: {  	v10 =	vshrl.u32 v9, $0xE;
	v9 =	vand.u32 $0x3FFF, v9  }
0x1d8: {  	v11 =	vadd.s32 v8, v10;
	v9 =	vnsel vm0, $0x0, v9  }
0x1d9: {  	v11 =	vshll.u32 v11, $0x3;
	(xrf0) =	vadd.scan.msk.s32 $0xffff, v9  }
0x1da: {  	v9 =	vand.u32 $0x7F, v10;
	v10 =	vand.u32 $0xFFFFFC00, v11  }
0x1db: {  	v9 =	vor.u32 v9, v10  }
0x1dc: {  	p2 =	slt.s32 s21, $0x8;
	s21 =	smov.u32 s25;
	v10 =	vadd.s32 v4, v9  }
0x1dd: {  	s4 =	sadd.s32 @!p2 $0x5, s24  }
0x1de: {  	_ =	swait.ge @!p2 [sflag:s4], $0x40  }
0x1df: {  	[sflag:s4] =	ssyncset.done @!p2 $0x0;
	v11, _, _ =	vpop (xrf0)  }
0x1e0: {  	[sflag:s4] =	ssyncadd.s32 @!p2 $0xFFFFFFC0;
	(v2sf) =	vpush v11, $0xF  }
0x1e1: {  	v10 =	vld.idx.msk [tilespmem:v10+s18+$0x0], $0xffff;
	_ =	sdelay $0x1  }
0x1e2: {  	v11 =	vadd.s32 v5, v9;
	_ =	sdelay $0x2  }
0x1e3: {  	s25 =	sshra.s32 s22, $0x2  }
0x1e4: {  	[tilespmem:s25+$0x1C400] =	vst v10  }
0x1e5: {  	v10 =	vld.idx.msk [tilespmem:v11+s18+$0x0], $0xffff;
	_ =	sdelay $0x1  }
0x1e6: {  	v11 =	vadd.s32 v6, v9;
	_ =	sdelay $0x3  }
0x1e7: {  	[tilespmem:s25+$0x1C410] =	vst v10  }
0x1e8: {  	v10 =	vld.idx.msk [tilespmem:v11+s18+$0x0], $0xffff;
	s4 =	spop (v2sf)  }
0x1e9: {  	s4 =	sshll.u32 s4, $0x3  }
0x1ea: {  	v9 =	vadd.s32 v7, v9;
	s4 =	sand.u32 $0x1FFFFFF8, s4;
	_ =	sdelay $0x2  }
0x1eb: {  	s22 =	sshra.s32 s21, $0x1F  }
0x1ec: {  	s26 =	sshrl.u32 s22, $0x1C;
	s22 =	sshrl.u32 s22, $0x1D;
	[tilespmem:s25+$0x1C420] =	vst v10  }
0x1ed: {  	s26 =	sadd.s32 s26, s21;
	s22 =	sadd.s32 s22, s21;
	v10 =	vld.idx.msk [tilespmem:v9+s18+$0x0], $0xffff  }
.Ltmp14:
0x1ee: {  	s26 =	sand.u32 $0xFFFFFFF0, s26;
	s22 =	sand.u32 $0xFFFFFFF8, s22;
	(pc) =	sbr.rel @p1 .LBB2_17-.Ltmp14, $4  }
0x1ef: {  	s28 =	ssub.s32 s21, s26;
	s26 =	ssub.s32 s21, s22  }
0x1f0: {  	s29 =	sshll.u32 s28, $0x2;
	s22 =	sshll.u32 s26, $0x9;
	v9 =	vmov s28  }
0x1f1: {  	s20 =	sadd.s32 $0x1, s20;
	s29 =	ssub.s32 $0x0, s29;
	s28 =	sadd.s32 $0x5, s24  }
0x1f2: {  	s31 =	sadd.s32 $0x1C400, s25;
	s29 =	sshra.s32 s29, $0x2;
	s30 =	sadd.s32 s6, s4  }
.Ltmp15:
0x1f3: {  	(pc) =	sbr.rel .LBB2_19-.Ltmp15, $2  }
0x1f4: {  	_ =	sdelay $0x2  }
0x1f5: {  	s24 =	smov.u32 s26;
	s23 =	smov.u32 s21  }
.LBB2_16:
.Ltmp16:
0x1f6: {  	(pc) =	sbr.rel .LBB2_19-.Ltmp16, $2  }
0x1f7: {  	_ =	sdelay $0x2  }
0x1f8: {  	s24 =	smov.u32 s26;
	s23 =	smov.u32 s21  }
.LBB2_22:
0x1f9: {  	_ =	sfence.sel $0x180000  }
0x1fa: {  	[bflag:$0x0] =	sbarrier.arrive $0xFFFF  }
0x1fb: {  	_ =	strace $0x90000047  }
0x1fc: {  	[bflag:$0x2] =	sbarrier.arrive $0xFFFF  }
0x1fd: {  	p0 =	sne.s32 s0, $0x0;
	s0 =	rddreg [dreg:$0x3]  }
0x1fe: {  	s0 =	sadd.s32 @!p0 $0x100000, s0  }
0x1ff: {  	[sflag:s0] =	ssyncadd.tile.s32 @!p0 $0x1;
	_ =	shalt  }
.Lfunc_end2:
_tile_overlayer_lowered:
.L_overlay_start_2:
0x200: {  	(tag) =	ssettag $0x2  }
0x201: {  	s0 =	rddreg [dreg:$0x0];
	s2 =	stileid.u32  }
0x202: {  	s1 =	rddreg [dreg:$0x1];
	p0 =	sne.s32 s2, $0x0  }
0x203: {  	s3 =	rddreg [dreg:$0x2];
	[bflag:$0x3] =	sbarrier.arrive $0xFFFF;
	s2 =	simm.s32 @!p0 $0x1C0D  }
0x204: {  	[timem:s3], [sflag:s2] =	dma.local @!p0 [hbm:s0], s1  }
0x205: {  	s0 =	simm.s32 @!p0 $0xD  }
0x206: {  	_ =	swait.ge @!p0 [sflag:s0], s1  }
0x207: {  	s1 =	ssub.s32 @!p0 $0x0, s1;
	[sflag:s0] =	ssyncset.done @!p0 $0x0  }
0x208: {  	[sflag:s0] =	ssyncadd.s32 @!p0 s1  }
0x209: {  	[bflag:$0x3] =	sbarrier.arrive $0xFFFF  }
0x20a: {  	_ =	shalt  }

// kernel: kernel.7.cloned.1.call-start
scs
__scs_entry_jumppad:
0x0: {  	(pc) =	sbr.rel $0x88, $3  }
0x1: {  	(tag) =	ssettag $0x0;
	lr =	simm.s32 $0x1  }
0x2: {  	[smem:$0x3F9E] =	sst lr;
	_ =	strace $0xD0000000  }
0x3: {  	_ = 	snop  }
0x4: {  	_ = 	snop  }
0x5: {  	_ = 	snop  }
0x6: {  	_ = 	snop  }
0x7: {  	_ = 	snop  }
__scs_overlays_trampoline_lowered:
0x8: {  	[smem:$0x3FAD] =	sst s0  }
0x9: {  	[smem:$0x3FAE] =	sst s1  }
0xa: {  	[smem:$0x3FAF] =	sst s2  }
0xb: {  	[smem:$0x3FB0] =	sst s3  }
0xc: {  	[smem:$0x3FB1] =	sst s4  }
0xd: {  	[smem:$0x3FB2] =	sst s5  }
0xe: {  	[smem:$0x3FB3] =	sst s6  }
0xf: {  	[smem:$0x3FB4] =	sst s7  }
0x10: {  	[smem:$0x3FB5] =	sst s8  }
0x11: {  	[smem:$0x3FB6] =	sst s9;
	s0 =	simm.s32 @!p0 $0x0  }
0x12: {  	s1 =	sld [smem:$0x3F9C];
	s0 =	simm.s32 @p0 $0x1  }
0x13: {  	[smem:$0x3FB7] =	sst s0;
	s0 =	simm.s32 @!p1 $0x0  }
0x14: {  	s2 =	sld [smem:$0x3F9B];
	s0 =	simm.s32 @p1 $0x1  }
0x15: {  	[smem:$0x3FB8] =	sst s0;
	s0 =	simm.s32 @!p2 $0x0  }
0x16: {  	s3 =	sld [smem:$0x3FDB];
	s0 =	simm.s32 @p2 $0x1  }
0x17: {  	s4 =	simm.s32 $0x1BF5;
	[smem:$0x3FBA] =	sst s0  }
0x18: {  	s0 =	sld [smem:$0x3F9D];
	_ =	swait.ge [sflag:s4], $0x0  }
0x19: {  	s7 =	sld [smem:$0x3F9E]  }
0x1a: {  	s8 =	sadd.s32 $0xFFFFE003, lr  }
0x1b: {  	s9 =	sadd.s32 $0xFFFFFEF7, lr;
	s5 =	simm.s32 $0xFFFFFFFF;
	p2 =	slt.u32 s8, $0xFFFFF086  }
0x1c: {  	p1 =	slt.u32 s9, $0xF7A;
	s5 =	simm.s32 @!p2 $0x0  }
0x1d: {  	s5 =	simm.s32 @p1 $0x1;
	p0 =	seq.s32 s7, s2  }
0x1e: {  	s7 =	smul.u32 @!p0 $0xF7A, s2;
	p2 =	seq.s32 @!p0 s5, $0x0  }
0x1f: {  	s9 =	smul.u32 $0xF7A, s1;
	s8 =	simm.s32 @!p0 $0x1BF5;
	p2 =	por !p2, p0  }
0x20: {  	[sflag:s8] =	ssyncset.s32 @!p0 $0xFFFFF086;
	s6 =	sadd.s32 @!p0 s3, s7;
	s7 =	simm.s32 @!p0 $0x108  }
0x21: {  	s3 =	sadd.s32 s3, s9;
	s6 =	sadd.s32 @!p0 $0x88, s6;
	s7 =	simm.s32 @p2 $0x1082  }
0x22: {  	[simem:s7], [sflag:s8] =	dma.local @!p0 [hbm:s6], $0xF7A  }
0x23: {  	s9 =	sor.u32 $0xD0000000, s2;
	s6 =	simm.s32 $0x108;
	_ =	swait.ge @!p0 [sflag:s8], $0x0  }
0x24: {  	s3 =	sadd.s32 $0x88, s3;
	s6 =	simm.s32 @!p1 $0x1082;
	[sflag:s4] =	ssyncset.s32 $0xFFFFF086  }
0x25: {  	[simem:s6], [sflag:s4] =	dma.local [hbm:s3], $0xF7A  }
0x26: {  	[smem:$0x3F9E] =	sst s1;
	(tag) =	ssettag s2;
	_ =	strace s9  }
0x27: {  	s1 =	sld [smem:$0x3FAE]  }
0x28: {  	s2 =	sld [smem:$0x3FAF]  }
0x29: {  	s4 =	sld [smem:$0x3FB1]  }
0x2a: {  	p0 =	seq.s32 s5, $0x0;
	s5 =	sld [smem:$0x3FB2]  }
0x2b: {  	s6 =	sld [smem:$0x3FB3]  }
0x2c: {  	s7 =	sld [smem:$0x3FB4]  }
0x2d: {  	s3 =	simm.s32 $0x108;
	s8 =	sld [smem:$0x3FB5]  }
0x2e: {  	s3 =	simm.s32 @!p0 $0x1082;
	s9 =	sld [smem:$0x3FB6]  }
0x2f: {  	lr =	sadd.s32 s0, s3;
	s0 =	sld [smem:$0x3FAD]  }
0x30: {  	s3 =	sld [smem:$0x3FB0]  }
0x31: {  	[smem:$0x3FB9] =	sst s10  }
0x32: {  	s10 =	sld [smem:$0x3FB7];
	_ =	sdelay $0x3  }
0x33: {  	p0 =	seq.s32 s10, $0x1;
	s10 =	sld [smem:$0x3FB9];
	_ =	sdelay $0x3  }
0x34: {  	[smem:$0x3FB9] =	sst s10  }
0x35: {  	s10 =	sld [smem:$0x3FB8];
	_ =	sdelay $0x3  }
0x36: {  	p1 =	seq.s32 s10, $0x1;
	s10 =	sld [smem:$0x3FB9];
	_ =	sdelay $0x3  }
0x37: {  	[smem:$0x3FB9] =	sst s10  }
0x38: {  	s10 =	sld [smem:$0x3FBA]  }
0x39: {  	_ = 	snop;
	(pc) =	sbr.ind lr, $3  }
0x3a: {  	_ = 	snop  }
0x3b: {  	_ = 	snop  }
0x3c: {  	p2 =	seq.s32 s10, $0x1;
	s10 =	sld [smem:$0x3FB9]  }
0x3d: {  	_ =	shalt  }
0x3e: {  	_ =	shalt  }
0x3f: {  	_ =	shalt  }
0x40: {  	_ =	shalt  }
0x41: {  	_ =	shalt  }
0x42: {  	_ =	shalt  }
0x43: {  	_ =	shalt  }
0x44: {  	_ =	shalt  }
0x45: {  	_ =	shalt  }
0x46: {  	_ =	shalt  }
0x47: {  	_ =	shalt  }
0x48: {  	_ =	shalt  }
0x49: {  	_ =	shalt  }
0x4a: {  	_ =	shalt  }
0x4b: {  	_ =	shalt  }
0x4c: {  	_ =	shalt  }
0x4d: {  	_ =	shalt  }
0x4e: {  	_ =	shalt  }
0x4f: {  	_ =	shalt  }
0x50: {  	_ =	shalt  }
0x51: {  	_ =	shalt  }
0x52: {  	_ =	shalt  }
0x53: {  	_ =	shalt  }
0x54: {  	_ =	shalt  }
0x55: {  	_ =	shalt  }
0x56: {  	_ =	shalt  }
0x57: {  	_ =	shalt  }
0x58: {  	_ =	shalt  }
0x59: {  	_ =	shalt  }
0x5a: {  	_ =	shalt  }
0x5b: {  	_ =	shalt  }
0x5c: {  	_ =	shalt  }
0x5d: {  	_ =	shalt  }
0x5e: {  	_ =	shalt  }
0x5f: {  	_ =	shalt  }
0x60: {  	_ =	shalt  }
0x61: {  	_ =	shalt  }
0x62: {  	_ =	shalt  }
0x63: {  	_ =	shalt  }
0x64: {  	_ =	shalt  }
0x65: {  	_ =	shalt  }
0x66: {  	_ =	shalt  }
0x67: {  	_ =	shalt  }
0x68: {  	_ =	shalt  }
0x69: {  	_ =	shalt  }
0x6a: {  	_ =	shalt  }
0x6b: {  	_ =	shalt  }
0x6c: {  	_ =	shalt  }
0x6d: {  	_ =	shalt  }
0x6e: {  	_ =	shalt  }
0x6f: {  	_ =	shalt  }
0x70: {  	_ =	shalt  }
0x71: {  	_ =	shalt  }
0x72: {  	_ =	shalt  }
0x73: {  	_ =	shalt  }
0x74: {  	_ =	shalt  }
0x75: {  	_ =	shalt  }
0x76: {  	_ =	shalt  }
0x77: {  	_ =	shalt  }
0x78: {  	_ =	shalt  }
0x79: {  	_ =	shalt  }
0x7a: {  	_ =	shalt  }
0x7b: {  	_ =	shalt  }
0x7c: {  	_ =	shalt  }
0x7d: {  	_ =	shalt  }
0x7e: {  	_ =	shalt  }
0x7f: {  	_ =	shalt  }
0x80: {  	_ =	shalt  }
0x81: {  	_ =	shalt  }
0x82: {  	_ =	shalt  }
0x83: {  	_ =	shalt  }
0x84: {  	_ =	shalt  }
0x85: {  	_ =	shalt  }
0x86: {  	_ =	shalt  }
0x87: {  	_ =	shalt  }
.Lfunc_end0:
.L_simem_size_0:
called_computation.1_lowered:
.L_overlay_start_0:
0x88: {  	s2 =	sld [smem:$0x3FD9]  }
0x89: {  	s3 =	sld [smem:$0x3FFE];
	_ =	sdelay $0x1  }
0x8a: {  	s1 =	srdreg.scid  }
0x8b: {  	s0 =	sand.u32 $0x1, s1  }
0x8c: {  	s17 =	sshll.u32 s0, $0xA;
	s2 =	sadd.s32 s3, s2  }
0x8d: {  	s2 =	sadd.s32 s2, s17  }
0x8e: {  	[smem:$0x3FC5] =	sst s2  }
0x8f: {  	_ = 	snop  }
0x90: {  	s2 =	sld [smem:$0x3FC8]  }
0x91: {  	s18 =	sld [smem:$0x3FD0];
	(tm) =	ssettm $0x1  }
0x92: {  	s4 =	sld [smem:$0x3FFB];
	_ =	sdelay $0x3  }
0x93: {  	_ =	strace s4  }
0x94: {  	s4 =	sld [smem:$0x3FFC];
	_ =	sdelay $0x3  }
0x95: {  	_ =	strace s4  }
0x96: {  	s4 =	sld [smem:$0x3FFD];
	_ =	sdelay $0x3  }
0x97: {  	_ =	strace s4  }
0x98: {  	_ =	strace $0x8FFFFFFF  }
0x99: {  	s19 =	sld [smem:$0x3FDB];
	_ =	sdelay $0x1  }
0x9a: {  	s5 =	simm.s32 $_scs_section_size  }
0x9b: {  	s6 =	simm.s32 $_size__tile_overlayer_lowered;
	s7 =	simm.s32 $_tile_overlayer_lowered  }
0x9c: {  	s22 =	simm.s32 $0x1BFF;
	s21 =	sshll.u32 s7, $0x1;
	s4 =	sadd.s32 s5, s19  }
0x9d: {  	s8 =	simm.s32 $0x0;
	s20 =	sshll.u32 s6, $0x1;
	s6 =	sadd.s32 s21, s4  }
0x9e: {  	[timem:s8], [sflag:s22] =	dma.local [hbm:s6], s20  }
0x9f: {  	_ =	swait.ge [sflag:s22], s20  }
0xa0: {  	s5 =	ssub.s32 $0x0, s20;
	[sflag:s22] =	ssyncset.done $0x0  }
0xa1: {  	[sflag:s22] =	ssyncadd.s32 s5;
	_ =	sdelay $0x1  }
0xa2: {  	s23 =	simm.s32 $0x1B8B  }
0xa3: {  	_ =	swait.ge [sflag:s23], $0x1  }
0xa4: {  	[sflag:s23] =	ssyncset.done $0x0  }
0xa5: {  	s25 =	simm.s32 $0x1B8E;
	s24 =	sld [smem:$0x3FFE];
	[sflag:s23] =	ssyncadd.s32 $0xFFFFFFFF  }
0xa6: {  	s26 =	simm.s32 $execute0_lowered;
	[smem:$0x3FD2] =	sst s25  }
0xa7: {  	s6 =	sshll.u32 s26, $0x1;
	_ =	strace $0x80000049;
	[dreg:$0x1] =	wrdreg $0xFFFFFFFF  }
0xa8: {  	s28 =	simm.s32 $_size_execute0_lowered;
	s4 =	sadd.s32 s4, s6;
	[dreg:$0x0] =	wrdreg $0x0  }
0xa9: {  	s6 =	sshll.u32 s28, $0x1;
	[dreg:$0x2] =	wrdreg s4  }
0xaa: {  	[dreg:$0x3] =	wrdreg s6  }
0xab: {  	[dreg:$0x4] =	wrdreg $0xC0  }
0xac: {  	_ =	task [dreg:s8], $0x5FFFF  }
0xad: {  	[dreg:$0x1] =	wrdreg $0xFFFFFFFF  }
0xae: {  	[dreg:$0x0] =	wrdreg $0x60  }
0xaf: {  	[dreg:$0x2] =	wrdreg s24  }
0xb0: {  	[dreg:$0x3] =	wrdreg s2  }
0xb1: {  	[dreg:$0x4] =	wrdreg s18  }
0xb2: {  	[dreg:$0x5] =	wrdreg $0x9  }
0xb3: {  	_ =	task.clear_ibuf [dreg:s8], $0x6FFFF;
	_ =	strace $0x90000049  }
0xb4: {  	s29 =	simm.s32 $0x9;
	_ =	strace $0x8000004B  }
0xb5: {  	_ =	swait.ge [sflag:s29], $0x1  }
0xb6: {  	[sflag:s29] =	ssyncadd.s32 $0xFFFFFFFF  }
0xb7: {  	_ =	strace $0x9000004B  }
0xb8: {  	_ =	sfence  }
0xb9: {  	s30 =	sld [smem:$0x0];
	_ =	sdelay $0x2  }
0xba: {  	s31 =	sshll.u32 s1, $0xD;
	s1 =	sshrl.u32 s1, $0x2  }
0xbb: {  	s3 =	sand.u32 $0x4000, s31;
	s1 =	sadd.s32 s1, s30  }
0xbc: {  	s0 =	sor.u32 s3, s0;
	s1 =	sshll.u32 s1, $0x11  }
0xbd: {  	s0 =	sor.u32 s1, s0  }
0xbe: {  	s0 =	sadd.s32 $0x8F2B, s0  }
0xbf: {  	[sflag:s0] =	ssyncadd.remote.s32 $0x1  }
0xc0: {  	_ =	sfence.sel $0xFFFF  }
0xc1: {  	[dreg:$0x0] =	wrdreg $0xFFFFFFFF;
	(pc) =	sbr.abs _section_cstart, $3  }
0xc2: {  	[dreg:$0x1] =	wrdreg $0xFFFFFFFF  }
0xc3: {  	_ =	task.clear_ibuf [dreg:s8], $0x2FFFF;
	_ =	strace $0x9FFFFFFF  }
0xc4: {  	(tm) =	ssettm $0x7FFFFFFF  }
0xc5: {  	_ =	shalt  }
tec
execute0_lowered:
.L_overlay_start_1:
0x0: {  	(tag) =	ssettag $0x1  }
0x1: {  	v0 =	vlaneseq.u32  }
0x2: {  	v0 =	vmul.u32 $0x40, v0  }
0x3: {  	s3 =	rddreg [dreg:$0x0]  }
0x4: {  	s4 =	rddreg [dreg:$0x1];
	v1 =	vor.u32 $0x400, v0  }
0x5: {  	s5 =	rddreg [dreg:$0x2];
	v2 =	vor.u32 $0x800, v0;
	v3 =	vor.u32 $0xC00, v0;
	v4 =	vor.u32 $0x1000, v0  }
0x6: {  	s0 =	rddreg [dreg:$0x3];
	v5 =	vor.u32 $0x1400, v0;
	v6 =	vor.u32 $0x1800, v0;
	v7 =	vor.u32 $0x1C00, v0  }
0x7: {  	s2 =	simm.s32 $0x0;
	s6 =	srdreg.scid;
	s1 =	stileid.u32;
	v8 =	vor.u32 $0x2000, v0;
	v9 =	vor.u32 $0x2400, v0;
	v10 =	vor.u32 $0x2800, v0  }
0x8: {  	s10 =	simm.s32 $0x2;
	s11 =	simm.s32 $0x1;
	s12 =	simm.s32 $0x0;
	v11 =	vor.u32 $0x2C00, v0;
	v12 =	vor.u32 $0x3000, v0;
	v13 =	vor.u32 $0x3400, v0  }
0x9: {  	[smem:$0x7FF] =	sst s2;
	s6 =	sand.u32 $0x1, s6;
	s7 =	sshll.u32 s1, $0x1;
	v14 =	vor.u32 $0x3800, v0;
	v15 =	vor.u32 $0x3C00, v0;
	v16 =	vor.u32 $0x4000, v0  }
0xa: {  	_ =	strace $0x8000004A;
	s7 =	sor.u32 s6, s7;
	s6 =	ssub.s32 $0x2, s6;
	v17 =	vor.u32 $0x4400, v0;
	v18 =	vor.u32 $0x4800, v0;
	v19 =	vor.u32 $0x4C00, v0  }
0xb: {  	s8 =	sshll.u32 s7, $0xC;
	s9 =	sshrl.u32 s6, $0x1;
	s7 =	sshll.u32 s7, $0x9;
	v20 =	vor.u32 $0x5000, v0;
	v21 =	vor.u32 $0x5400, v0;
	v22 =	vor.u32 $0x5800, v0  }
0xc: {  	v23 =	vor.u32 $0x5C00, v0;
	v24 =	vor.u32 $0x6000, v0;
	v25 =	vor.u32 $0x6400, v0;
	s8 =	sadd.s32 s8, s3;
	s6 =	ssub.s32 s6, s9;
	s3 =	sadd.s32 s4, s7  }
0xd: {  	v26 =	vor.u32 $0x6800, v0;
	v27 =	vor.u32 $0x6C00, v0;
	v28 =	vor.u32 $0x7000, v0;
	s5 =	sadd.s32 s5, s7;
	s7 =	simm.s32 $0x1000;
	s9 =	simm.s32 $0x8000  }
0xe: {  	v29 =	vor.u32 $0x7400, v0;
	v30 =	vor.u32 $0x7800, v0;
	v31 =	vor.u32 $0x7C00, v0;
	s4 =	sadd.s32 $0x800, s8;
	s6 =	smax.u32 s6, $0x1;
	s8 =	simm.s32 $0x20000  }
.LBB2_1:
0xf: {  	[tilespmem:s9], [sflag:$0x1] =	stream.strided.gather [hbm4b:s3+s7], $0x8000, s8, s7, $0x38;
	[tilespmem:$0x10000] =	vst v63  }
0x10: {  	_ = 	snop  }
0x11: {  	[tilespmem:s2], [sflag:$0x2] =	stream.linear.gather [hbm4b:s4+s2], $0x8000, $0x38;
	[tilespmem:$0x10000] =	vst v63  }
0x12: {  	_ =	swait.ge [sflag:s10], $0x8000  }
0x13: {  	[sflag:s10] =	ssyncset.done $0x0  }
0x14: {  	[sflag:s10] =	ssyncadd.s32 $0xFFFF8000  }
0x15: {  	_ =	swait.ge [sflag:s11], $0x8000  }
0x16: {  	s13 =	simm.s32 $0x0;
	[sflag:s11] =	ssyncset.done $0x0  }
0x17: {  	s14 =	simm.s32 $0x0;
	s15 =	simm.s32 $0x0;
	[sflag:s11] =	ssyncadd.s32 $0xFFFF8000  }
.LBB2_2:
0x18: {  	v32 =	vor.u32 s15, v0  }
0x19: {  	s16 =	sand.u32 $0x7000, s13;
	s17 =	sand.u32 $0x380, s14  }
0x1a: {  	s16 =	sor.u32 s17, s16  }
0x1b: {  	v33 =	vld [tilespmem:s16+$0x8000];
	_ =	sdelay $0x1  }
0x1c: {  	v32 =	vld.idx.msk [tilespmem:v32+s2+$0x0], $0xffff;
	_ =	sdelay $0x2  }
0x1d: {  	v34 =	vsub.f32 $1.000000000e+00, v33;
	_ =	sdelay $0x1  }
0x1e: {  	v52 =	vor.u32 s15, v1;
	v51 =	vmul.f32 $1.000000000e+09, v34;
	v32 =	vmul.f32 v33, v32;
	_ =	sdelay $0x1  }
0x1f: {  	v32 =	vsub.f32 v32, v51  }
0x20: {  	v53 =	vld [tilespmem:s16+$0x8010]  }
0x21: {  	[tilespmem:s16+$0x8000] =	vst v32  }
0x22: {  	v32 =	vld.idx.msk [tilespmem:v52+s2+$0x0], $0xffff;
	_ =	sdelay $0x2  }
0x23: {  	v54 =	vsub.f32 $1.000000000e+00, v53;
	_ =	sdelay $0x1  }
0x24: {  	v56 =	vor.u32 s15, v2;
	v55 =	vmul.f32 $1.000000000e+09, v54;
	v32 =	vmul.f32 v53, v32;
	_ =	sdelay $0x1  }
0x25: {  	v32 =	vsub.f32 v32, v55  }
0x26: {  	v57 =	vld [tilespmem:s16+$0x8020]  }
0x27: {  	[tilespmem:s16+$0x8010] =	vst v32  }
0x28: {  	v32 =	vld.idx.msk [tilespmem:v56+s2+$0x0], $0xffff;
	_ =	sdelay $0x2  }
0x29: {  	v58 =	vsub.f32 $1.000000000e+00, v57;
	_ =	sdelay $0x1  }
0x2a: {  	v60 =	vor.u32 s15, v3;
	v59 =	vmul.f32 $1.000000000e+09, v58;
	v32 =	vmul.f32 v57, v32;
	_ =	sdelay $0x1  }
0x2b: {  	v32 =	vsub.f32 v32, v59  }
0x2c: {  	v61 =	vld [tilespmem:s16+$0x8030]  }
0x2d: {  	[tilespmem:s16+$0x8020] =	vst v32  }
0x2e: {  	v32 =	vld.idx.msk [tilespmem:v60+s2+$0x0], $0xffff;
	_ =	sdelay $0x2  }
0x2f: {  	v62 =	vsub.f32 $1.000000000e+00, v61;
	_ =	sdelay $0x1  }
0x30: {  	v36 =	vor.u32 s15, v4;
	v63 =	vmul.f32 $1.000000000e+09, v62;
	v32 =	vmul.f32 v61, v32;
	_ =	sdelay $0x1  }
0x31: {  	v32 =	vsub.f32 v32, v63  }
0x32: {  	v37 =	vld [tilespmem:s16+$0x8040]  }
0x33: {  	[tilespmem:s16+$0x8030] =	vst v32  }
0x34: {  	v32 =	vld.idx.msk [tilespmem:v36+s2+$0x0], $0xffff;
	_ =	sdelay $0x2  }
0x35: {  	v38 =	vsub.f32 $1.000000000e+00, v37;
	_ =	sdelay $0x1  }
0x36: {  	v40 =	vor.u32 s15, v5;
	v39 =	vmul.f32 $1.000000000e+09, v38;
	v32 =	vmul.f32 v37, v32;
	_ =	sdelay $0x1  }
0x37: {  	v32 =	vsub.f32 v32, v39  }
0x38: {  	v41 =	vld [tilespmem:s16+$0x8050]  }
0x39: {  	[tilespmem:s16+$0x8040] =	vst v32  }
0x3a: {  	v32 =	vld.idx.msk [tilespmem:v40+s2+$0x0], $0xffff;
	_ =	sdelay $0x2  }
0x3b: {  	v42 =	vsub.f32 $1.000000000e+00, v41;
	_ =	sdelay $0x1  }
0x3c: {  	v44 =	vor.u32 s15, v6;
	v43 =	vmul.f32 $1.000000000e+09, v42;
	v32 =	vmul.f32 v41, v32;
	_ =	sdelay $0x1  }
0x3d: {  	v32 =	vsub.f32 v32, v43  }
0x3e: {  	v45 =	vld [tilespmem:s16+$0x8060]  }
0x3f: {  	[tilespmem:s16+$0x8050] =	vst v32  }
0x40: {  	v32 =	vld.idx.msk [tilespmem:v44+s2+$0x0], $0xffff;
	_ =	sdelay $0x2  }
0x41: {  	v46 =	vsub.f32 $1.000000000e+00, v45;
	_ =	sdelay $0x1  }
0x42: {  	v48 =	vor.u32 s15, v7;
	v47 =	vmul.f32 $1.000000000e+09, v46;
	v32 =	vmul.f32 v45, v32;
	_ =	sdelay $0x1  }
0x43: {  	v32 =	vsub.f32 v32, v47  }
0x44: {  	v49 =	vld [tilespmem:s16+$0x8070]  }
0x45: {  	[tilespmem:s16+$0x8060] =	vst v32  }
0x46: {  	v32 =	vld.idx.msk [tilespmem:v48+s2+$0x0], $0xffff;
	_ =	sdelay $0x2  }
0x47: {  	v50 =	vsub.f32 $1.000000000e+00, v49;
	_ =	sdelay $0x1  }
0x48: {  	v51 =	vmul.f32 $1.000000000e+09, v50;
	v52 =	vor.u32 s15, v8;
	v32 =	vmul.f32 v49, v32;
	_ =	sdelay $0x1  }
0x49: {  	v32 =	vsub.f32 v32, v51  }
0x4a: {  	v53 =	vld [tilespmem:s16+$0x8400]  }
0x4b: {  	[tilespmem:s16+$0x8070] =	vst v32  }
0x4c: {  	v32 =	vld.idx.msk [tilespmem:v52+s2+$0x0], $0xffff;
	_ =	sdelay $0x2  }
0x4d: {  	v54 =	vsub.f32 $1.000000000e+00, v53;
	_ =	sdelay $0x1  }
0x4e: {  	v56 =	vor.u32 s15, v9;
	v55 =	vmul.f32 $1.000000000e+09, v54;
	v32 =	vmul.f32 v53, v32;
	_ =	sdelay $0x1  }
0x4f: {  	v32 =	vsub.f32 v32, v55  }
0x50: {  	v57 =	vld [tilespmem:s16+$0x8410]  }
0x51: {  	[tilespmem:s16+$0x8400] =	vst v32  }
0x52: {  	v32 =	vld.idx.msk [tilespmem:v56+s2+$0x0], $0xffff;
	_ =	sdelay $0x2  }
0x53: {  	v58 =	vsub.f32 $1.000000000e+00, v57;
	_ =	sdelay $0x1  }
0x54: {  	v60 =	vor.u32 s15, v10;
	v59 =	vmul.f32 $1.000000000e+09, v58;
	v32 =	vmul.f32 v57, v32;
	_ =	sdelay $0x1  }
0x55: {  	v32 =	vsub.f32 v32, v59  }
0x56: {  	v61 =	vld [tilespmem:s16+$0x8420]  }
0x57: {  	[tilespmem:s16+$0x8410] =	vst v32  }
0x58: {  	v32 =	vld.idx.msk [tilespmem:v60+s2+$0x0], $0xffff;
	_ =	sdelay $0x2  }
0x59: {  	v62 =	vsub.f32 $1.000000000e+00, v61;
	_ =	sdelay $0x1  }
0x5a: {  	v36 =	vor.u32 s15, v11;
	v63 =	vmul.f32 $1.000000000e+09, v62;
	v32 =	vmul.f32 v61, v32;
	_ =	sdelay $0x1  }
0x5b: {  	v32 =	vsub.f32 v32, v63  }
0x5c: {  	v37 =	vld [tilespmem:s16+$0x8430]  }
0x5d: {  	[tilespmem:s16+$0x8420] =	vst v32  }
0x5e: {  	v32 =	vld.idx.msk [tilespmem:v36+s2+$0x0], $0xffff;
	_ =	sdelay $0x2  }
0x5f: {  	v38 =	vsub.f32 $1.000000000e+00, v37;
	_ =	sdelay $0x1  }
0x60: {  	v40 =	vor.u32 s15, v12;
	v39 =	vmul.f32 $1.000000000e+09, v38;
	v32 =	vmul.f32 v37, v32;
	_ =	sdelay $0x1  }
0x61: {  	v32 =	vsub.f32 v32, v39  }
0x62: {  	v41 =	vld [tilespmem:s16+$0x8440]  }
0x63: {  	[tilespmem:s16+$0x8430] =	vst v32  }
0x64: {  	v32 =	vld.idx.msk [tilespmem:v40+s2+$0x0], $0xffff;
	_ =	sdelay $0x2  }
0x65: {  	v42 =	vsub.f32 $1.000000000e+00, v41;
	_ =	sdelay $0x1  }
0x66: {  	v44 =	vor.u32 s15, v13;
	v43 =	vmul.f32 $1.000000000e+09, v42;
	v32 =	vmul.f32 v41, v32;
	_ =	sdelay $0x1  }
0x67: {  	v32 =	vsub.f32 v32, v43  }
0x68: {  	v45 =	vld [tilespmem:s16+$0x8450]  }
0x69: {  	[tilespmem:s16+$0x8440] =	vst v32  }
0x6a: {  	v32 =	vld.idx.msk [tilespmem:v44+s2+$0x0], $0xffff;
	_ =	sdelay $0x2  }
0x6b: {  	v46 =	vsub.f32 $1.000000000e+00, v45;
	_ =	sdelay $0x1  }
0x6c: {  	v48 =	vor.u32 s15, v14;
	v47 =	vmul.f32 $1.000000000e+09, v46;
	v32 =	vmul.f32 v45, v32;
	_ =	sdelay $0x1  }
0x6d: {  	v32 =	vsub.f32 v32, v47  }
0x6e: {  	v49 =	vld [tilespmem:s16+$0x8460]  }
0x6f: {  	[tilespmem:s16+$0x8450] =	vst v32  }
0x70: {  	v32 =	vld.idx.msk [tilespmem:v48+s2+$0x0], $0xffff;
	_ =	sdelay $0x2  }
0x71: {  	v50 =	vsub.f32 $1.000000000e+00, v49;
	_ =	sdelay $0x1  }
0x72: {  	v52 =	vor.u32 s15, v15;
	v51 =	vmul.f32 $1.000000000e+09, v50;
	v32 =	vmul.f32 v49, v32;
	_ =	sdelay $0x1  }
0x73: {  	v32 =	vsub.f32 v32, v51  }
0x74: {  	v53 =	vld [tilespmem:s16+$0x8470]  }
0x75: {  	[tilespmem:s16+$0x8460] =	vst v32  }
0x76: {  	v32 =	vld.idx.msk [tilespmem:v52+s2+$0x0], $0xffff;
	_ =	sdelay $0x2  }
0x77: {  	v54 =	vsub.f32 $1.000000000e+00, v53;
	_ =	sdelay $0x1  }
0x78: {  	v56 =	vor.u32 s15, v16;
	v55 =	vmul.f32 $1.000000000e+09, v54;
	v32 =	vmul.f32 v53, v32;
	_ =	sdelay $0x1  }
0x79: {  	v32 =	vsub.f32 v32, v55  }
0x7a: {  	v57 =	vld [tilespmem:s16+$0x8800]  }
0x7b: {  	[tilespmem:s16+$0x8470] =	vst v32  }
0x7c: {  	v32 =	vld.idx.msk [tilespmem:v56+s2+$0x0], $0xffff;
	_ =	sdelay $0x2  }
0x7d: {  	v58 =	vsub.f32 $1.000000000e+00, v57;
	_ =	sdelay $0x1  }
0x7e: {  	v60 =	vor.u32 s15, v17;
	v59 =	vmul.f32 $1.000000000e+09, v58;
	v32 =	vmul.f32 v57, v32;
	_ =	sdelay $0x1  }
0x7f: {  	v32 =	vsub.f32 v32, v59  }
0x80: {  	v61 =	vld [tilespmem:s16+$0x8810]  }
0x81: {  	[tilespmem:s16+$0x8800] =	vst v32  }
0x82: {  	v32 =	vld.idx.msk [tilespmem:v60+s2+$0x0], $0xffff;
	_ =	sdelay $0x2  }
0x83: {  	v62 =	vsub.f32 $1.000000000e+00, v61;
	_ =	sdelay $0x1  }
0x84: {  	v36 =	vor.u32 s15, v18;
	v63 =	vmul.f32 $1.000000000e+09, v62;
	v32 =	vmul.f32 v61, v32;
	_ =	sdelay $0x1  }
0x85: {  	v32 =	vsub.f32 v32, v63  }
0x86: {  	v37 =	vld [tilespmem:s16+$0x8820]  }
0x87: {  	[tilespmem:s16+$0x8810] =	vst v32  }
0x88: {  	v32 =	vld.idx.msk [tilespmem:v36+s2+$0x0], $0xffff;
	_ =	sdelay $0x2  }
0x89: {  	v38 =	vsub.f32 $1.000000000e+00, v37;
	_ =	sdelay $0x1  }
0x8a: {  	v40 =	vor.u32 s15, v19;
	v39 =	vmul.f32 $1.000000000e+09, v38;
	v32 =	vmul.f32 v37, v32;
	_ =	sdelay $0x1  }
0x8b: {  	v32 =	vsub.f32 v32, v39  }
0x8c: {  	v41 =	vld [tilespmem:s16+$0x8830]  }
0x8d: {  	[tilespmem:s16+$0x8820] =	vst v32  }
0x8e: {  	v32 =	vld.idx.msk [tilespmem:v40+s2+$0x0], $0xffff;
	_ =	sdelay $0x2  }
0x8f: {  	v42 =	vsub.f32 $1.000000000e+00, v41;
	_ =	sdelay $0x1  }
0x90: {  	v44 =	vor.u32 s15, v20;
	v43 =	vmul.f32 $1.000000000e+09, v42;
	v32 =	vmul.f32 v41, v32;
	_ =	sdelay $0x1  }
0x91: {  	v32 =	vsub.f32 v32, v43  }
0x92: {  	v45 =	vld [tilespmem:s16+$0x8840]  }
0x93: {  	[tilespmem:s16+$0x8830] =	vst v32  }
0x94: {  	v32 =	vld.idx.msk [tilespmem:v44+s2+$0x0], $0xffff;
	_ =	sdelay $0x2  }
0x95: {  	v46 =	vsub.f32 $1.000000000e+00, v45;
	_ =	sdelay $0x1  }
0x96: {  	v48 =	vor.u32 s15, v21;
	v47 =	vmul.f32 $1.000000000e+09, v46;
	v32 =	vmul.f32 v45, v32;
	_ =	sdelay $0x1  }
0x97: {  	v32 =	vsub.f32 v32, v47  }
0x98: {  	v49 =	vld [tilespmem:s16+$0x8850]  }
0x99: {  	[tilespmem:s16+$0x8840] =	vst v32  }
0x9a: {  	v32 =	vld.idx.msk [tilespmem:v48+s2+$0x0], $0xffff;
	_ =	sdelay $0x2  }
0x9b: {  	v50 =	vsub.f32 $1.000000000e+00, v49;
	_ =	sdelay $0x1  }
0x9c: {  	v52 =	vor.u32 s15, v22;
	v51 =	vmul.f32 $1.000000000e+09, v50;
	v32 =	vmul.f32 v49, v32;
	_ =	sdelay $0x1  }
0x9d: {  	v32 =	vsub.f32 v32, v51  }
0x9e: {  	v53 =	vld [tilespmem:s16+$0x8860]  }
0x9f: {  	[tilespmem:s16+$0x8850] =	vst v32  }
0xa0: {  	v32 =	vld.idx.msk [tilespmem:v52+s2+$0x0], $0xffff;
	_ =	sdelay $0x2  }
0xa1: {  	v54 =	vsub.f32 $1.000000000e+00, v53;
	_ =	sdelay $0x1  }
0xa2: {  	v56 =	vor.u32 s15, v23;
	v55 =	vmul.f32 $1.000000000e+09, v54;
	v32 =	vmul.f32 v53, v32;
	_ =	sdelay $0x1  }
0xa3: {  	v32 =	vsub.f32 v32, v55  }
0xa4: {  	v57 =	vld [tilespmem:s16+$0x8870]  }
0xa5: {  	[tilespmem:s16+$0x8860] =	vst v32  }
0xa6: {  	v32 =	vld.idx.msk [tilespmem:v56+s2+$0x0], $0xffff;
	_ =	sdelay $0x2  }
0xa7: {  	v58 =	vsub.f32 $1.000000000e+00, v57;
	_ =	sdelay $0x1  }
0xa8: {  	v60 =	vor.u32 s15, v24;
	v59 =	vmul.f32 $1.000000000e+09, v58;
	v32 =	vmul.f32 v57, v32;
	_ =	sdelay $0x1  }
0xa9: {  	v32 =	vsub.f32 v32, v59  }
0xaa: {  	v61 =	vld [tilespmem:s16+$0x8C00]  }
0xab: {  	[tilespmem:s16+$0x8870] =	vst v32  }
0xac: {  	v32 =	vld.idx.msk [tilespmem:v60+s2+$0x0], $0xffff;
	_ =	sdelay $0x2  }
0xad: {  	v62 =	vsub.f32 $1.000000000e+00, v61;
	_ =	sdelay $0x1  }
0xae: {  	v36 =	vor.u32 s15, v25;
	v63 =	vmul.f32 $1.000000000e+09, v62;
	v32 =	vmul.f32 v61, v32;
	_ =	sdelay $0x1  }
0xaf: {  	v32 =	vsub.f32 v32, v63  }
0xb0: {  	v37 =	vld [tilespmem:s16+$0x8C10]  }
0xb1: {  	[tilespmem:s16+$0x8C00] =	vst v32  }
0xb2: {  	v32 =	vld.idx.msk [tilespmem:v36+s2+$0x0], $0xffff;
	_ =	sdelay $0x2  }
0xb3: {  	v38 =	vsub.f32 $1.000000000e+00, v37;
	_ =	sdelay $0x1  }
0xb4: {  	v40 =	vor.u32 s15, v26;
	v39 =	vmul.f32 $1.000000000e+09, v38;
	v32 =	vmul.f32 v37, v32;
	_ =	sdelay $0x1  }
0xb5: {  	v32 =	vsub.f32 v32, v39  }
0xb6: {  	v41 =	vld [tilespmem:s16+$0x8C20]  }
0xb7: {  	[tilespmem:s16+$0x8C10] =	vst v32  }
0xb8: {  	v32 =	vld.idx.msk [tilespmem:v40+s2+$0x0], $0xffff;
	_ =	sdelay $0x2  }
0xb9: {  	v42 =	vsub.f32 $1.000000000e+00, v41;
	_ =	sdelay $0x1  }
0xba: {  	v44 =	vor.u32 s15, v27;
	v43 =	vmul.f32 $1.000000000e+09, v42;
	v32 =	vmul.f32 v41, v32;
	_ =	sdelay $0x1  }
0xbb: {  	v32 =	vsub.f32 v32, v43  }
0xbc: {  	v45 =	vld [tilespmem:s16+$0x8C30]  }
0xbd: {  	[tilespmem:s16+$0x8C20] =	vst v32  }
0xbe: {  	v32 =	vld.idx.msk [tilespmem:v44+s2+$0x0], $0xffff;
	_ =	sdelay $0x2  }
0xbf: {  	v46 =	vsub.f32 $1.000000000e+00, v45;
	_ =	sdelay $0x1  }
0xc0: {  	v48 =	vor.u32 s15, v28;
	v47 =	vmul.f32 $1.000000000e+09, v46;
	v32 =	vmul.f32 v45, v32;
	_ =	sdelay $0x1  }
0xc1: {  	v32 =	vsub.f32 v32, v47  }
0xc2: {  	v49 =	vld [tilespmem:s16+$0x8C40]  }
0xc3: {  	[tilespmem:s16+$0x8C30] =	vst v32  }
0xc4: {  	v32 =	vld.idx.msk [tilespmem:v48+s2+$0x0], $0xffff;
	_ =	sdelay $0x2  }
0xc5: {  	v50 =	vsub.f32 $1.000000000e+00, v49;
	_ =	sdelay $0x1  }
0xc6: {  	v52 =	vor.u32 s15, v29;
	v51 =	vmul.f32 $1.000000000e+09, v50;
	v32 =	vmul.f32 v49, v32;
	_ =	sdelay $0x1  }
0xc7: {  	v32 =	vsub.f32 v32, v51  }
0xc8: {  	v53 =	vld [tilespmem:s16+$0x8C50]  }
0xc9: {  	[tilespmem:s16+$0x8C40] =	vst v32  }
0xca: {  	v32 =	vld.idx.msk [tilespmem:v52+s2+$0x0], $0xffff;
	_ =	sdelay $0x2  }
0xcb: {  	v54 =	vsub.f32 $1.000000000e+00, v53;
	_ =	sdelay $0x1  }
0xcc: {  	v56 =	vor.u32 s15, v30;
	v55 =	vmul.f32 $1.000000000e+09, v54;
	v32 =	vmul.f32 v53, v32;
	_ =	sdelay $0x1  }
0xcd: {  	v32 =	vsub.f32 v32, v55  }
0xce: {  	v57 =	vld [tilespmem:s16+$0x8C60]  }
0xcf: {  	[tilespmem:s16+$0x8C50] =	vst v32  }
0xd0: {  	v32 =	vld.idx.msk [tilespmem:v56+s2+$0x0], $0xffff;
	_ =	sdelay $0x2  }
0xd1: {  	v58 =	vsub.f32 $1.000000000e+00, v57;
	_ =	sdelay $0x1  }
0xd2: {  	v60 =	vor.u32 s15, v31;
	v59 =	vmul.f32 $1.000000000e+09, v58;
	v32 =	vmul.f32 v57, v32;
	_ =	sdelay $0x1  }
0xd3: {  	v32 =	vsub.f32 v32, v59  }
0xd4: {  	v61 =	vld [tilespmem:s16+$0x8C70]  }
0xd5: {  	[tilespmem:s16+$0x8C60] =	vst v32  }
0xd6: {  	v32 =	vld.idx.msk [tilespmem:v60+s2+$0x0], $0xffff;
	_ =	sdelay $0x2  }
0xd7: {  	v62 =	vsub.f32 $1.000000000e+00, v61  }
0xd8: {  	p0 =	sne.s32 s15, $0x3F  }
.Ltmp0:
0xd9: {  	v63 =	vmul.f32 $1.000000000e+09, v62;
	v32 =	vmul.f32 v61, v32;
	(pc) =	sbr.rel @p0 .LBB2_2-.Ltmp0, $3  }
0xda: {  	_ = 	snop  }
0xdb: {  	v32 =	vsub.f32 v32, v63;
	_ =	sdelay $0x1  }
0xdc: {  	s14 =	sadd.s32 $0x80, s14;
	s13 =	sadd.s32 $0x200, s13;
	s15 =	sadd.s32 $0x1, s15;
	[tilespmem:s16+$0x8C70] =	vst v32  }
0xdd: {  	s12 =	sadd.s32 $0x1, s12  }
0xde: {  	p0 =	sne.s32 s12, s6  }
.Ltmp1:
0xdf: {  	_ = 	snop;
	(pc) =	sbr.rel @p0 .LBB2_1-.Ltmp1, $4  }
0xe0: {  	[hbm4b:s5+s7] =	stream.strided.scatter [tilespmem:s9], [sflag:$0x2], $0x8000, s8, s7, $0x38;
	[tilespmem:$0x10000] =	vst v63  }
0xe1: {  	_ =	swait.ge [sflag:s10], $0x8000  }
0xe2: {  	[sflag:s10] =	ssyncset.done $0x0  }
0xe3: {  	[sflag:s10] =	ssyncadd.s32 $0xFFFF8000  }
0xe4: {  	_ =	sfence.sel $0x180000  }
0xe5: {  	[bflag:$0x0] =	sbarrier.arrive $0xFFFF  }
0xe6: {  	p0 =	sne.s32 s1, $0x0;
	_ =	strace $0x9000004A  }
0xe7: {  	s0 =	sadd.s32 @!p0 $0x100000, s0;
	[bflag:$0x2] =	sbarrier.arrive $0xFFFF  }
0xe8: {  	[sflag:s0] =	ssyncadd.tile.s32 @!p0 $0x1;
	_ =	shalt  }
.Lfunc_end2:
_tile_overlayer_lowered:
.L_overlay_start_2:
0xe9: {  	(tag) =	ssettag $0x2  }
0xea: {  	s0 =	rddreg [dreg:$0x0];
	s2 =	stileid.u32  }
0xeb: {  	s1 =	rddreg [dreg:$0x1];
	p0 =	sne.s32 s2, $0x0  }
0xec: {  	s3 =	rddreg [dreg:$0x2];
	[bflag:$0x3] =	sbarrier.arrive $0xFFFF;
	s2 =	simm.s32 @!p0 $0x1C02  }
0xed: {  	[timem:s3], [sflag:s2] =	dma.local @!p0 [hbm:s0], s1  }
0xee: {  	s0 =	simm.s32 @!p0 $0x2  }
0xef: {  	_ =	swait.ge @!p0 [sflag:s0], s1  }
0xf0: {  	s1 =	ssub.s32 @!p0 $0x0, s1;
	[sflag:s0] =	ssyncset.done @!p0 $0x0  }
0xf1: {  	[sflag:s0] =	ssyncadd.s32 @!p0 s1  }
0xf2: {  	[bflag:$0x3] =	sbarrier.arrive $0xFFFF  }
0xf3: {  	_ =	shalt  }

</sc_bundles>
